<compile_context>
chip_gen: v7x
topology: tpu7x:2x2x1
jax: 0.10.2.dev20260603
libtpu: 0.0.44.dev20260713+nightly
codegen_flags: <defaults>
</compile_context>

<pallas_src>
import functools

import jax
import jax.numpy as jnp
from jax.experimental import pallas as pl
from jax.experimental.pallas import tpu as pltpu
from jax.experimental.pallas import tpu_sc as plsc

H = 2048
I = 1024
E = 16
G = 4
GS = 4
SH_I = 2048
T = 2048
S = 2048
MR = 256
NMR = T // MR
MB = 256
NB = 2 * T // MB + 4
NPAD = NB * MB
NC = 2
NS = 16
NW = NC * NS
BPW = T // NW
CH = 32
MS = 256
BF = jnp.bfloat16
F32 = jnp.float32
I32 = jnp.int32
VMEM_LIMIT = 64 * 1024 * 1024


def _dot_t(a, b):
    return jax.lax.dot_general(a, b, (((1,), (1,)), ((), ())),
                               preferred_element_type=F32)



def _route_kernel(hs_ref, gw_ref, meta_ref, pos_ref, grp_ref,
                  cnt_ref, a_ref, rank_ref):
    p = pl.program_id(0)
    m = pl.program_id(1)

    @pl.when((p == 0) & (m == 0))
    def _():
        cnt_ref[...] = jnp.zeros((8, 128), F32)

    @pl.when(p == 0)
    def _():
        x = hs_ref[...]
        logits = _dot_t(x, gw_ref[...])
        mx = jnp.max(logits, axis=1, keepdims=True)
        ex = jnp.exp(logits - mx)
        prob = ex / jnp.sum(ex, axis=1, keepdims=True)
        iota = jax.lax.broadcasted_iota(I32, (MR, E), 1)
        w1 = jnp.max(prob, axis=1, keepdims=True)
        i1 = jnp.min(jnp.where(prob == w1, iota, E), axis=1, keepdims=True)
        p2 = jnp.where(iota == i1, -1.0, prob)
        w2 = jnp.max(p2, axis=1, keepdims=True)
        i2 = jnp.min(jnp.where(p2 == w2, iota, E), axis=1, keepdims=True)
        g0 = i1 // GS
        s0 = i1 - g0 * GS
        g1 = i2 // GS
        s1 = i2 - g1 * GS
        same = (g0 == g1).astype(F32)
        iota4 = jax.lax.broadcasted_iota(I32, (MR, GS), 1)
        oh0 = (iota4 == s0).astype(F32)
        oh1 = (iota4 == s1).astype(F32)
        flat0 = w1 * oh0 + same * w2 * oh1
        flat1 = w2 * oh1
        scal0 = w1 + same * w2
        scal1 = (1.0 - same) * w2
        zeros123 = jnp.zeros((MR, 123), F32)
        for k, (flat, scal) in enumerate(((flat0, scal0), (flat1, scal1))):
            fm = jnp.where(flat == 0.0, -1e9, flat)
            mxg = jnp.max(fm, axis=1, keepdims=True)
            eg = jnp.exp(fm - mxg)
            sm = eg / jnp.sum(eg, axis=1, keepdims=True)
            meta_ref[k, pl.ds(m * MR, MR), :] = jnp.concatenate(
                [sm, scal, zeros123], axis=1)
        a_ref[0, pl.ds(m * MR, MR), :] = (iota4 == g0).astype(F32)
        a_ref[1, pl.ds(m * MR, MR), :] = (iota4 == g1).astype(F32)

    @pl.when(p < 2)
    def _():
        a = a_ref[p, pl.ds(m * MR, MR), :]
        ri = jax.lax.broadcasted_iota(I32, (MR, MR), 0)
        ci = jax.lax.broadcasted_iota(I32, (MR, MR), 1)
        tril = (ri > ci).astype(BF)
        r_intra = jax.lax.dot_general(
            tril, a.astype(BF), (((1,), (0,)), ((), ())),
            preferred_element_type=F32)
        base = cnt_ref[0:1, 0:4]
        rank = jnp.sum(a * (r_intra + base), axis=1, keepdims=True)
        rank_ref[p, pl.ds(m * MR, MR), :] = rank
        cnt_ref[0:1, 0:4] = base + jnp.sum(a, axis=0, keepdims=True)

    @pl.when(p == 2)
    def _():
        cnt = cnt_ref[0:1, 0:4]
        pad = jnp.ceil(cnt / MB) * MB
        b1 = pad[0:1, 0:1]
        b2 = b1 + pad[0:1, 1:2]
        b3 = b2 + pad[0:1, 2:3]
        for k in range(2):
            a = a_ref[k, pl.ds(m * MR, MR), :]
            r = rank_ref[k, pl.ds(m * MR, MR), :]
            posk = (r + a[:, 1:2] * b1 + a[:, 2:3] * b2 + a[:, 3:4] * b3)
            pos_ref[k, pl.ds(m * MR, MR)] = jnp.transpose(
                posk.astype(I32))[0]

        @pl.when(m == 0)
        def _():
            iob = jax.lax.broadcasted_iota(I32, (8, 128), 1).astype(F32) * MB
            grp = ((iob >= b1).astype(I32) + (iob >= b2).astype(I32)
                   + (iob >= b3).astype(I32))
            grp_ref[...] = grp


def _route(hs, gate_w):
    return pl.pallas_call(
        _route_kernel,
        grid=(3, NMR),
        in_specs=[
            pl.BlockSpec((MR, H), lambda p, m: (m, 0)),
            pl.BlockSpec((E, H), lambda p, m: (0, 0)),
        ],
        out_specs=[
            pl.BlockSpec((2, T, 128), lambda p, m: (0, 0, 0)),
            pl.BlockSpec((2, T), lambda p, m: (0, 0)),
            pl.BlockSpec((8, 128), lambda p, m: (0, 0)),
        ],
        out_shape=[
            jax.ShapeDtypeStruct((2, T, 128), F32),
            jax.ShapeDtypeStruct((2, T), I32),
            jax.ShapeDtypeStruct((8, 128), I32),
        ],
        scratch_shapes=[
            pltpu.VMEM((8, 128), F32),
            pltpu.VMEM((2, T, GS), F32),
            pltpu.VMEM((2, T, 1), F32),
        ],
        compiler_params=pltpu.CompilerParams(vmem_limit_bytes=VMEM_LIMIT),
    )(hs, gate_w)



def _dispatch_sc(hs, meta, pos_c):
    mesh = plsc.VectorSubcoreMesh(core_axis_name="c", subcore_axis_name="s")

    @functools.partial(
        pl.kernel, mesh=mesh,
        out_type=[jax.ShapeDtypeStruct((NPAD, H), F32),
                  jax.ShapeDtypeStruct((NPAD, 128), F32)],
        scratch_types=[
            pltpu.VMEM((4, CH), I32),
            pltpu.VMEM((CH, H), F32),
            pltpu.VMEM((2, BPW, 128), F32),
            pltpu.SemaphoreType.DMA,
        ])
    def disp(hs_hbm, meta_hbm, pos_hbm, xg_hbm, ms_hbm,
             idx_v, rows_v, mrow_v, sem):
        wid = jax.lax.axis_index("s") * NC + jax.lax.axis_index("c")
        base = wid * BPW
        for k in range(2):
            for h in range(2):
                pltpu.sync_copy(pos_hbm.at[k, pl.ds(base + h * CH, CH)],
                                idx_v.at[2 * k + h])
        pltpu.sync_copy(meta_hbm.at[0, pl.ds(base, BPW)], mrow_v.at[0])
        pltpu.sync_copy(meta_hbm.at[1, pl.ds(base, BPW)], mrow_v.at[1])
        cps = []
        for k in range(2):
            for h in range(2):
                cps.append(pltpu.async_copy(
                    mrow_v.at[k, pl.ds(h * CH, CH)],
                    ms_hbm.at[idx_v.at[2 * k + h]], sem))
        for c in cps:
            c.wait()
        for h in range(2):
            pltpu.sync_copy(hs_hbm.at[pl.ds(base + h * CH, CH)], rows_v)
            c0 = pltpu.async_copy(rows_v, xg_hbm.at[idx_v.at[h]], sem)
            c1 = pltpu.async_copy(rows_v, xg_hbm.at[idx_v.at[2 + h]], sem)
            c0.wait()
            c1.wait()

    return disp(hs, meta, pos_c)



def _moe_kernel(grp_ref, xg_ref, meta_ref, wg_ref, wu_ref, wd_ref, wm_ref,
                og_ref):
    fsm = meta_ref[:, 0:4]
    scal = meta_ref[:, 4:5]
    delta = _dot_t(fsm.astype(BF), wm_ref[0].astype(BF))
    xb = (xg_ref[...] + delta).astype(BF)
    gate = _dot_t(xb, wg_ref[0])
    up = _dot_t(xb, wu_ref[0])
    hb = (gate * jax.nn.sigmoid(gate) * up).astype(BF)
    og = _dot_t(hb, wd_ref[0])
    og_ref[...] = scal * og


def _moe(grp, xg, meta_s, wg, wu, wd, Wm):
    grid_spec = pltpu.PrefetchScalarGridSpec(
        num_scalar_prefetch=1,
        grid=(NB,),
        in_specs=[
            pl.BlockSpec((MB, H), lambda b, g: (b, 0)),
            pl.BlockSpec((MB, 128), lambda b, g: (b, 0)),
            pl.BlockSpec((1, I, H), lambda b, g: (g[b], 0, 0)),
            pl.BlockSpec((1, I, H), lambda b, g: (g[b], 0, 0)),
            pl.BlockSpec((1, H, I), lambda b, g: (g[b], 0, 0)),
            pl.BlockSpec((1, H, GS), lambda b, g: (g[b], 0, 0)),
        ],
        out_specs=pl.BlockSpec((MB, H), lambda b, g: (b, 0)),
    )
    return pl.pallas_call(
        _moe_kernel,
        grid_spec=grid_spec,
        out_shape=jax.ShapeDtypeStruct((NPAD, H), F32),
        compiler_params=pltpu.CompilerParams(vmem_limit_bytes=VMEM_LIMIT),
    )(grp, xg, meta_s, wg, wu, wd, Wm)



def _combine_sc(og, pos_c):
    mesh = plsc.VectorSubcoreMesh(core_axis_name="c", subcore_axis_name="s")

    @functools.partial(
        pl.kernel, mesh=mesh,
        out_type=jax.ShapeDtypeStruct((2, T, H), F32),
        scratch_types=[
            pltpu.VMEM((4, CH), I32),
            pltpu.VMEM((CH, H), F32),
            pltpu.SemaphoreType.DMA,
        ])
    def comb(og_hbm, pos_hbm, y_hbm, idx_v, rows_v, sem):
        wid = jax.lax.axis_index("s") * NC + jax.lax.axis_index("c")
        base = wid * BPW
        for k in range(2):
            for h in range(2):
                pltpu.sync_copy(pos_hbm.at[k, pl.ds(base + h * CH, CH)],
                                idx_v.at[2 * k + h])
        for k in range(2):
            for h in range(2):
                pltpu.async_copy(og_hbm.at[idx_v.at[2 * k + h]], rows_v,
                                 sem).wait()
                pltpu.sync_copy(
                    rows_v, y_hbm.at[k, pl.ds(base + h * CH, CH)])

    return comb(og, pos_c)



def _shared_kernel(hs_ref, wsg_ref, wsu_ref, wsd_ref, out_ref):
    xb = hs_ref[...].astype(BF)
    gate = _dot_t(xb, wsg_ref[...])
    up = _dot_t(xb, wsu_ref[...])
    hb = (gate * jax.nn.sigmoid(gate) * up).astype(BF)
    out_ref[...] = _dot_t(hb, wsd_ref[...])


def _shared(hs, wsg, wsu, wsd):
    return pl.pallas_call(
        _shared_kernel,
        grid=(T // MS,),
        in_specs=[
            pl.BlockSpec((MS, H), lambda m: (m, 0)),
            pl.BlockSpec((SH_I, H), lambda m: (0, 0)),
            pl.BlockSpec((SH_I, H), lambda m: (0, 0)),
            pl.BlockSpec((H, SH_I), lambda m: (0, 0)),
        ],
        out_specs=pl.BlockSpec((MS, H), lambda m: (m, 0)),
        out_shape=jax.ShapeDtypeStruct((T, H), F32),
        compiler_params=pltpu.CompilerParams(vmem_limit_bytes=VMEM_LIMIT),
    )(hs, wsg, wsu, wsd)


def _final_kernel(sh_ref, y_ref, out_ref):
    out_ref[...] = y_ref[0] + y_ref[1] + sh_ref[...]


def _final(sh, y):
    return pl.pallas_call(
        _final_kernel,
        grid=(T // MS,),
        in_specs=[
            pl.BlockSpec((MS, H), lambda m: (m, 0)),
            pl.BlockSpec((2, MS, H), lambda m: (0, m, 0)),
        ],
        out_specs=pl.BlockSpec((MS, H), lambda m: (m, 0)),
        out_shape=jax.ShapeDtypeStruct((T, H), F32),
        compiler_params=pltpu.CompilerParams(vmem_limit_bytes=VMEM_LIMIT),
    )(sh, y)



def _cast_kernel(wg_ref, wu_ref, wd_ref, wsg_ref, wsu_ref, wsd_ref,
                 og_ref, ou_ref, od_ref, osg_ref, osu_ref, osd_ref):
    og_ref[...] = wg_ref[...].astype(BF)
    ou_ref[...] = wu_ref[...].astype(BF)
    od_ref[...] = wd_ref[...].astype(BF)
    osg_ref[...] = wsg_ref[...].astype(BF)
    osu_ref[...] = wsu_ref[...].astype(BF)
    osd_ref[...] = wsd_ref[...].astype(BF)


def _cast_weights(Wg, Wu, Wd, Wsg, Wsu, Wsd):
    def m_gi(b):
        c = jnp.minimum(b, 15)
        return (c // 4, c % 4, 0)

    def m_sh(b):
        return (jnp.clip(b - 16, 0, 7), 0)

    return pl.pallas_call(
        _cast_kernel,
        grid=(24,),
        in_specs=[
            pl.BlockSpec((1, I // 4, H), m_gi),
            pl.BlockSpec((1, I // 4, H), m_gi),
            pl.BlockSpec((1, H // 4, I), m_gi),
            pl.BlockSpec((SH_I // 8, H), m_sh),
            pl.BlockSpec((SH_I // 8, H), m_sh),
            pl.BlockSpec((H // 8, SH_I), m_sh),
        ],
        out_specs=[
            pl.BlockSpec((1, I // 4, H), m_gi),
            pl.BlockSpec((1, I // 4, H), m_gi),
            pl.BlockSpec((1, H // 4, I), m_gi),
            pl.BlockSpec((SH_I // 8, H), m_sh),
            pl.BlockSpec((SH_I // 8, H), m_sh),
            pl.BlockSpec((H // 8, SH_I), m_sh),
        ],
        out_shape=[
            jax.ShapeDtypeStruct((G, I, H), BF),
            jax.ShapeDtypeStruct((G, I, H), BF),
            jax.ShapeDtypeStruct((G, H, I), BF),
            jax.ShapeDtypeStruct((SH_I, H), BF),
            jax.ShapeDtypeStruct((SH_I, H), BF),
            jax.ShapeDtypeStruct((H, SH_I), BF),
        ],
        compiler_params=pltpu.CompilerParams(vmem_limit_bytes=VMEM_LIMIT),
    )(Wg, Wu, Wd, Wsg, Wsu, Wsd)



def kernel(hidden_states, gate_w, Wg, Wu, Wd, Wm, Wsg, Wsu, Wsd):
    hs = hidden_states.reshape(T, H)

    meta, pos_c, grp8 = _route(hs, gate_w)
    grp = grp8[0, :NB]

    xg, meta_s = _dispatch_sc(hs, meta, pos_c)
    wg, wu, wd, wsg, wsu, wsd = _cast_weights(Wg, Wu, Wd, Wsg, Wsu, Wsd)

    og = _moe(grp, xg, meta_s, wg, wu, wd, Wm)

    y = _combine_sc(og, pos_c)
    shared = _shared(hs, wsg, wsu, wsd)
    out = _final(shared, y)
    return out.reshape(1, S, H)

# --- scband reference (transcript-rebuilt; emitter-appended) ---
"""Pipeline reference for scband-multiplexed-moe-3272765079848 (READ-ONLY COPY).

The authoritative reference and input builder live on the scoring server;
editing this copy changes nothing except your own understanding.
"""

import jax, jax.numpy as jnp
import numpy as np

H = 2048      # hidden_size
I = 1024      # moe_intermediate_size
E = 16        # n_routed_experts
TOPK = 2      # num_experts_per_tok
G = 4         # number of multiplexed (merged) experts
GS = 4        # group_size (sub-experts per multiplexed expert)
SH_I = 2048   # shared experts intermediate size (n_shared_experts * moe_intermediate)
B, S = 1, 2048
# inv_mapping_dict: group g owns original experts INV_MAP[g]
INV_MAP = np.arange(E).reshape(G, GS)


def setup_inputs(seed: int = 0) -> dict:
    key = jax.random.key(seed)
    ks = jax.random.split(key, 10)
    sc = 0.02
    return {
        "hidden_states": jax.random.normal(ks[0], (B, S, H), dtype=jnp.float32),
        "gate_w": jax.random.normal(ks[1], (E, H), dtype=jnp.float32) * sc,
        "Wg": jax.random.normal(ks[2], (G, I, H), dtype=jnp.float32) * sc,
        "Wu": jax.random.normal(ks[3], (G, I, H), dtype=jnp.float32) * sc,
        "Wd": jax.random.normal(ks[4], (G, H, I), dtype=jnp.float32) * sc,
        "Wm": jax.random.normal(ks[5], (G, H, GS), dtype=jnp.float32) * sc,  # mask_up_proj per group
        "Wsg": jax.random.normal(ks[6], (SH_I, H), dtype=jnp.float32) * sc,
        "Wsu": jax.random.normal(ks[7], (SH_I, H), dtype=jnp.float32) * sc,
        "Wsd": jax.random.normal(ks[8], (H, SH_I), dtype=jnp.float32) * sc,
    }


def _forward(hidden_states, gate_w, Wg, Wu, Wd, Wm, Wsg, Wsu, Wsd):
    identity = hidden_states
    orig_shape = hidden_states.shape
    hs = hidden_states.reshape(-1, H)  # [T, H]

    # gate: linear -> softmax -> top-k (topk_idx int, topk_weight float)
    logits = hs @ gate_w.T                           # [T, E]
    scores = jax.nn.softmax(logits, axis=-1)
    topk_weight, topk_idx = jax.lax.top_k(scores, TOPK)  # [T, TOPK]

    y = jnp.zeros_like(hs)
    for g in range(G):
        # flat_topk_weight[:, i] = sum(topk_weight * (topk_idx == expert_i))
        cols = []
        for i in range(GS):
            e = int(INV_MAP[g, i])
            cols.append(jnp.sum(topk_weight * (topk_idx == e).astype(topk_weight.dtype), axis=-1))
        flat = jnp.stack(cols, axis=-1)                       # [T, GS]
        scalar = jnp.sum(flat, axis=-1, keepdims=True)        # [T, 1]
        flat_m = jnp.where(flat == 0.0, jnp.asarray(-1e9, flat.dtype), flat)
        flat_sm = jax.nn.softmax(flat_m, axis=-1)             # [T, GS]
        # MultiplexedMLP: x = x + mask_up_proj(flat_sm); down(silu(gate(x)) * up(x))
        x = hs + flat_sm @ Wm[g].T                            # [T, H]
        out = (jax.nn.silu(x @ Wg[g].T) * (x @ Wu[g].T)) @ Wd[g].T  # [T, H]
        # tokens with scalar == 0 contribute nothing (scalar * out == 0), matching
        # the torch masked-assignment semantics
        y = y + scalar * out

    y = y.reshape(orig_shape)
    # shared experts on the identity path
    shared = (jax.nn.silu(identity @ Wsg.T) * (identity @ Wsu.T)) @ Wsd.T
    return y + shared


def reference(hidden_states, gate_w, Wg, Wu, Wd, Wm, Wsg, Wsu, Wsd):
    return _forward(hidden_states, gate_w, Wg, Wu, Wd, Wm, Wsg, Wsu, Wsd)

if __name__ == "__main__":
    import jax
    _d = setup_inputs()
    print(jax.jit(kernel)(*tuple(_d.values())))

</pallas_src>

<mosaic_0001>
#map = affine_map<(d0, d1) -> (0, 0)>
#map1 = affine_map<(d0, d1) -> (0, 0, 0)>
module attributes {stable_mosaic.version = 14 : i64} {
  func.func @comb(%arg0: i32, %arg1: i32, %arg2: memref<5120x2048xf32, #tpu.memory_space<hbm>>, %arg3: memref<2x2048xi32, #tpu.memory_space<hbm>>, %arg4: memref<2x2048x2048xf32, #tpu.memory_space<hbm>>, %arg5: memref<4x32xi32, #tpu.memory_space<vmem>>, %arg6: memref<32x2048xf32, #tpu.memory_space<vmem>>, %arg7: memref<!tpu.dma_semaphore, #tpu.memory_space<semaphore_mem>>) attributes {dimension_semantics = [#tpu.dimension_semantics<core_parallel>, #tpu.dimension_semantics<subcore_parallel>], iteration_bounds = array<i64: 2, 16>, scalar_prefetch = 0 : i64, scratch_operands = 3 : i64, tpu.core_type = #tpu.core_type<sc_vector_subcore>, window_params = [{transform_indices = #map}, {transform_indices = #map}, {transform_indices = #map1}]} {
    %mul3A = arith.constant 2 : i32
    %mul3A_0 = arith.muli %arg1, %mul3A : i32
    %add3A = arith.addi %mul3A_0, %arg0 : i32
    %mul3A_1 = arith.constant 64 : i32
    %mul3A_2 = arith.muli %add3A, %mul3A_1 : i32
    %add3A_3 = arith.constant 0 : i32
    %add3A_4 = arith.addi %mul3A_2, %add3A_3 : i32
    %run_scoped3A = arith.constant 0 : i32
    %run_scoped3A_5 = arith.constant 0 : i32
    "tpu.region"() ({
      %run_scoped3A_84 = tpu.sem_alloc : memref<!tpu.dma_semaphore, #tpu.memory_space<semaphore_mem>>
      %dma_start3A_85 = arith.constant 0 : i32
      %dma_start3A_86 = tpu.memref_slice %arg5[%run_scoped3A_5, %dma_start3A_85] : memref<4x32xi32, #tpu.memory_space<vmem>> -> memref<1x32xi32, #tpu.memory_space<vmem>>
      %dma_start3A_87 = tpu.memref_squeeze %dma_start3A_86 : memref<1x32xi32, #tpu.memory_space<vmem>> -> memref<32xi32, #tpu.memory_space<vmem>>
      %dma_start3A_88 = tpu.memref_slice %arg3[%run_scoped3A, %add3A_4] : memref<2x2048xi32, #tpu.memory_space<hbm>> -> memref<1x32xi32, #tpu.memory_space<hbm>>
      %dma_start3A_89 = tpu.memref_squeeze %dma_start3A_88 : memref<1x32xi32, #tpu.memory_space<hbm>> -> memref<32xi32, #tpu.memory_space<hbm>>
      %dma_start3A_90 = arith.constant 0 : i32
      %dma_start3A_91 = tpu.memref_slice %arg5[%run_scoped3A_5, %dma_start3A_90] : memref<4x32xi32, #tpu.memory_space<vmem>> -> memref<1x32xi32, #tpu.memory_space<vmem>>
      %dma_start3A_92 = tpu.memref_squeeze %dma_start3A_91 : memref<1x32xi32, #tpu.memory_space<vmem>> -> memref<32xi32, #tpu.memory_space<vmem>>
      %dma_start3A_93 = tpu.memref_slice %arg3[%run_scoped3A, %add3A_4] : memref<2x2048xi32, #tpu.memory_space<hbm>> -> memref<1x32xi32, #tpu.memory_space<hbm>>
      %dma_start3A_94 = tpu.memref_squeeze %dma_start3A_93 : memref<1x32xi32, #tpu.memory_space<hbm>> -> memref<32xi32, #tpu.memory_space<hbm>>
      tpu.enqueue_dma source(%dma_start3A_94 : memref<32xi32, #tpu.memory_space<hbm>>) target(%dma_start3A_92 : memref<32xi32, #tpu.memory_space<vmem>>) target_semaphore(%run_scoped3A_84 : memref<!tpu.dma_semaphore, #tpu.memory_space<semaphore_mem>>)
      %dma_wait3A_95 = arith.constant 0 : i32
      %dma_wait3A_96 = tpu.memref_slice %arg5[%run_scoped3A_5, %dma_wait3A_95] : memref<4x32xi32, #tpu.memory_space<vmem>> -> memref<1x32xi32, #tpu.memory_space<vmem>>
      %dma_wait3A_97 = tpu.memref_squeeze %dma_wait3A_96 : memref<1x32xi32, #tpu.memory_space<vmem>> -> memref<32xi32, #tpu.memory_space<vmem>>
      %dma_wait3A_98 = tpu.memref_slice %arg3[%run_scoped3A, %add3A_4] : memref<2x2048xi32, #tpu.memory_space<hbm>> -> memref<1x32xi32, #tpu.memory_space<hbm>>
      %dma_wait3A_99 = tpu.memref_squeeze %dma_wait3A_98 : memref<1x32xi32, #tpu.memory_space<hbm>> -> memref<32xi32, #tpu.memory_space<hbm>>
      %dma_wait3A_100 = arith.constant 0 : i32
      %dma_wait3A_101 = tpu.memref_slice %arg5[%run_scoped3A_5, %dma_wait3A_100] : memref<4x32xi32, #tpu.memory_space<vmem>> -> memref<1x32xi32, #tpu.memory_space<vmem>>
      %dma_wait3A_102 = tpu.memref_squeeze %dma_wait3A_101 : memref<1x32xi32, #tpu.memory_space<vmem>> -> memref<32xi32, #tpu.memory_space<vmem>>
      %dma_wait3A_103 = tpu.memref_slice %arg3[%run_scoped3A, %add3A_4] : memref<2x2048xi32, #tpu.memory_space<hbm>> -> memref<1x32xi32, #tpu.memory_space<hbm>>
      %dma_wait3A_104 = tpu.memref_squeeze %dma_wait3A_103 : memref<1x32xi32, #tpu.memory_space<hbm>> -> memref<32xi32, #tpu.memory_space<hbm>>
      tpu.wait_dma2 semaphore(%run_scoped3A_84 : memref<!tpu.dma_semaphore, #tpu.memory_space<semaphore_mem>>) src(%dma_wait3A_104 : memref<32xi32, #tpu.memory_space<hbm>>) dst(%dma_wait3A_102 : memref<32xi32, #tpu.memory_space<vmem>>)
      tpu.yield
    }) : () -> ()
    %add3A_6 = arith.constant 32 : i32
    %add3A_7 = arith.addi %mul3A_2, %add3A_6 : i32
    %run_scoped3A_8 = arith.constant 0 : i32
    %run_scoped3A_9 = arith.constant 1 : i32
    "tpu.region"() ({
      %run_scoped3A_84 = tpu.sem_alloc : memref<!tpu.dma_semaphore, #tpu.memory_space<semaphore_mem>>
      %dma_start3A_85 = arith.constant 0 : i32
      %dma_start3A_86 = tpu.memref_slice %arg5[%run_scoped3A_9, %dma_start3A_85] : memref<4x32xi32, #tpu.memory_space<vmem>> -> memref<1x32xi32, #tpu.memory_space<vmem>>
      %dma_start3A_87 = tpu.memref_squeeze %dma_start3A_86 : memref<1x32xi32, #tpu.memory_space<vmem>> -> memref<32xi32, #tpu.memory_space<vmem>>
      %dma_start3A_88 = tpu.memref_slice %arg3[%run_scoped3A_8, %add3A_7] : memref<2x2048xi32, #tpu.memory_space<hbm>> -> memref<1x32xi32, #tpu.memory_space<hbm>>
      %dma_start3A_89 = tpu.memref_squeeze %dma_start3A_88 : memref<1x32xi32, #tpu.memory_space<hbm>> -> memref<32xi32, #tpu.memory_space<hbm>>
      %dma_start3A_90 = arith.constant 0 : i32
      %dma_start3A_91 = tpu.memref_slice %arg5[%run_scoped3A_9, %dma_start3A_90] : memref<4x32xi32, #tpu.memory_space<vmem>> -> memref<1x32xi32, #tpu.memory_space<vmem>>
      %dma_start3A_92 = tpu.memref_squeeze %dma_start3A_91 : memref<1x32xi32, #tpu.memory_space<vmem>> -> memref<32xi32, #tpu.memory_space<vmem>>
      %dma_start3A_93 = tpu.memref_slice %arg3[%run_scoped3A_8, %add3A_7] : memref<2x2048xi32, #tpu.memory_space<hbm>> -> memref<1x32xi32, #tpu.memory_space<hbm>>
      %dma_start3A_94 = tpu.memref_squeeze %dma_start3A_93 : memref<1x32xi32, #tpu.memory_space<hbm>> -> memref<32xi32, #tpu.memory_space<hbm>>
      tpu.enqueue_dma source(%dma_start3A_94 : memref<32xi32, #tpu.memory_space<hbm>>) target(%dma_start3A_92 : memref<32xi32, #tpu.memory_space<vmem>>) target_semaphore(%run_scoped3A_84 : memref<!tpu.dma_semaphore, #tpu.memory_space<semaphore_mem>>)
      %dma_wait3A_95 = arith.constant 0 : i32
      %dma_wait3A_96 = tpu.memref_slice %arg5[%run_scoped3A_9, %dma_wait3A_95] : memref<4x32xi32, #tpu.memory_space<vmem>> -> memref<1x32xi32, #tpu.memory_space<vmem>>
      %dma_wait3A_97 = tpu.memref_squeeze %dma_wait3A_96 : memref<1x32xi32, #tpu.memory_space<vmem>> -> memref<32xi32, #tpu.memory_space<vmem>>
      %dma_wait3A_98 = tpu.memref_slice %arg3[%run_scoped3A_8, %add3A_7] : memref<2x2048xi32, #tpu.memory_space<hbm>> -> memref<1x32xi32, #tpu.memory_space<hbm>>
      %dma_wait3A_99 = tpu.memref_squeeze %dma_wait3A_98 : memref<1x32xi32, #tpu.memory_space<hbm>> -> memref<32xi32, #tpu.memory_space<hbm>>
      %dma_wait3A_100 = arith.constant 0 : i32
      %dma_wait3A_101 = tpu.memref_slice %arg5[%run_scoped3A_9, %dma_wait3A_100] : memref<4x32xi32, #tpu.memory_space<vmem>> -> memref<1x32xi32, #tpu.memory_space<vmem>>
      %dma_wait3A_102 = tpu.memref_squeeze %dma_wait3A_101 : memref<1x32xi32, #tpu.memory_space<vmem>> -> memref<32xi32, #tpu.memory_space<vmem>>
      %dma_wait3A_103 = tpu.memref_slice %arg3[%run_scoped3A_8, %add3A_7] : memref<2x2048xi32, #tpu.memory_space<hbm>> -> memref<1x32xi32, #tpu.memory_space<hbm>>
      %dma_wait3A_104 = tpu.memref_squeeze %dma_wait3A_103 : memref<1x32xi32, #tpu.memory_space<hbm>> -> memref<32xi32, #tpu.memory_space<hbm>>
      tpu.wait_dma2 semaphore(%run_scoped3A_84 : memref<!tpu.dma_semaphore, #tpu.memory_space<semaphore_mem>>) src(%dma_wait3A_104 : memref<32xi32, #tpu.memory_space<hbm>>) dst(%dma_wait3A_102 : memref<32xi32, #tpu.memory_space<vmem>>)
      tpu.yield
    }) : () -> ()
    %add3A_10 = arith.constant 0 : i32
    %add3A_11 = arith.addi %mul3A_2, %add3A_10 : i32
    %run_scoped3A_12 = arith.constant 1 : i32
    %run_scoped3A_13 = arith.constant 2 : i32
    "tpu.region"() ({
      %run_scoped3A_84 = tpu.sem_alloc : memref<!tpu.dma_semaphore, #tpu.memory_space<semaphore_mem>>
      %dma_start3A_85 = arith.constant 0 : i32
      %dma_start3A_86 = tpu.memref_slice %arg5[%run_scoped3A_13, %dma_start3A_85] : memref<4x32xi32, #tpu.memory_space<vmem>> -> memref<1x32xi32, #tpu.memory_space<vmem>>
      %dma_start3A_87 = tpu.memref_squeeze %dma_start3A_86 : memref<1x32xi32, #tpu.memory_space<vmem>> -> memref<32xi32, #tpu.memory_space<vmem>>
      %dma_start3A_88 = tpu.memref_slice %arg3[%run_scoped3A_12, %add3A_11] : memref<2x2048xi32, #tpu.memory_space<hbm>> -> memref<1x32xi32, #tpu.memory_space<hbm>>
      %dma_start3A_89 = tpu.memref_squeeze %dma_start3A_88 : memref<1x32xi32, #tpu.memory_space<hbm>> -> memref<32xi32, #tpu.memory_space<hbm>>
      %dma_start3A_90 = arith.constant 0 : i32
      %dma_start3A_91 = tpu.memref_slice %arg5[%run_scoped3A_13, %dma_start3A_90] : memref<4x32xi32, #tpu.memory_space<vmem>> -> memref<1x32xi32, #tpu.memory_space<vmem>>
      %dma_start3A_92 = tpu.memref_squeeze %dma_start3A_91 : memref<1x32xi32, #tpu.memory_space<vmem>> -> memref<32xi32, #tpu.memory_space<vmem>>
      %dma_start3A_93 = tpu.memref_slice %arg3[%run_scoped3A_12, %add3A_11] : memref<2x2048xi32, #tpu.memory_space<hbm>> -> memref<1x32xi32, #tpu.memory_space<hbm>>
      %dma_start3A_94 = tpu.memref_squeeze %dma_start3A_93 : memref<1x32xi32, #tpu.memory_space<hbm>> -> memref<32xi32, #tpu.memory_space<hbm>>
      tpu.enqueue_dma source(%dma_start3A_94 : memref<32xi32, #tpu.memory_space<hbm>>) target(%dma_start3A_92 : memref<32xi32, #tpu.memory_space<vmem>>) target_semaphore(%run_scoped3A_84 : memref<!tpu.dma_semaphore, #tpu.memory_space<semaphore_mem>>)
      %dma_wait3A_95 = arith.constant 0 : i32
      %dma_wait3A_96 = tpu.memref_slice %arg5[%run_scoped3A_13, %dma_wait3A_95] : memref<4x32xi32, #tpu.memory_space<vmem>> -> memref<1x32xi32, #tpu.memory_space<vmem>>
      %dma_wait3A_97 = tpu.memref_squeeze %dma_wait3A_96 : memref<1x32xi32, #tpu.memory_space<vmem>> -> memref<32xi32, #tpu.memory_space<vmem>>
      %dma_wait3A_98 = tpu.memref_slice %arg3[%run_scoped3A_12, %add3A_11] : memref<2x2048xi32, #tpu.memory_space<hbm>> -> memref<1x32xi32, #tpu.memory_space<hbm>>
      %dma_wait3A_99 = tpu.memref_squeeze %dma_wait3A_98 : memref<1x32xi32, #tpu.memory_space<hbm>> -> memref<32xi32, #tpu.memory_space<hbm>>
      %dma_wait3A_100 = arith.constant 0 : i32
      %dma_wait3A_101 = tpu.memref_slice %arg5[%run_scoped3A_13, %dma_wait3A_100] : memref<4x32xi32, #tpu.memory_space<vmem>> -> memref<1x32xi32, #tpu.memory_space<vmem>>
      %dma_wait3A_102 = tpu.memref_squeeze %dma_wait3A_101 : memref<1x32xi32, #tpu.memory_space<vmem>> -> memref<32xi32, #tpu.memory_space<vmem>>
      %dma_wait3A_103 = tpu.memref_slice %arg3[%run_scoped3A_12, %add3A_11] : memref<2x2048xi32, #tpu.memory_space<hbm>> -> memref<1x32xi32, #tpu.memory_space<hbm>>
      %dma_wait3A_104 = tpu.memref_squeeze %dma_wait3A_103 : memref<1x32xi32, #tpu.memory_space<hbm>> -> memref<32xi32, #tpu.memory_space<hbm>>
      tpu.wait_dma2 semaphore(%run_scoped3A_84 : memref<!tpu.dma_semaphore, #tpu.memory_space<semaphore_mem>>) src(%dma_wait3A_104 : memref<32xi32, #tpu.memory_space<hbm>>) dst(%dma_wait3A_102 : memref<32xi32, #tpu.memory_space<vmem>>)
      tpu.yield
    }) : () -> ()
    %add3A_14 = arith.constant 32 : i32
    %add3A_15 = arith.addi %mul3A_2, %add3A_14 : i32
    %run_scoped3A_16 = arith.constant 1 : i32
    %run_scoped3A_17 = arith.constant 3 : i32
    "tpu.region"() ({
      %run_scoped3A_84 = tpu.sem_alloc : memref<!tpu.dma_semaphore, #tpu.memory_space<semaphore_mem>>
      %dma_start3A_85 = arith.constant 0 : i32
      %dma_start3A_86 = tpu.memref_slice %arg5[%run_scoped3A_17, %dma_start3A_85] : memref<4x32xi32, #tpu.memory_space<vmem>> -> memref<1x32xi32, #tpu.memory_space<vmem>>
      %dma_start3A_87 = tpu.memref_squeeze %dma_start3A_86 : memref<1x32xi32, #tpu.memory_space<vmem>> -> memref<32xi32, #tpu.memory_space<vmem>>
      %dma_start3A_88 = tpu.memref_slice %arg3[%run_scoped3A_16, %add3A_15] : memref<2x2048xi32, #tpu.memory_space<hbm>> -> memref<1x32xi32, #tpu.memory_space<hbm>>
      %dma_start3A_89 = tpu.memref_squeeze %dma_start3A_88 : memref<1x32xi32, #tpu.memory_space<hbm>> -> memref<32xi32, #tpu.memory_space<hbm>>
      %dma_start3A_90 = arith.constant 0 : i32
      %dma_start3A_91 = tpu.memref_slice %arg5[%run_scoped3A_17, %dma_start3A_90] : memref<4x32xi32, #tpu.memory_space<vmem>> -> memref<1x32xi32, #tpu.memory_space<vmem>>
      %dma_start3A_92 = tpu.memref_squeeze %dma_start3A_91 : memref<1x32xi32, #tpu.memory_space<vmem>> -> memref<32xi32, #tpu.memory_space<vmem>>
      %dma_start3A_93 = tpu.memref_slice %arg3[%run_scoped3A_16, %add3A_15] : memref<2x2048xi32, #tpu.memory_space<hbm>> -> memref<1x32xi32, #tpu.memory_space<hbm>>
      %dma_start3A_94 = tpu.memref_squeeze %dma_start3A_93 : memref<1x32xi32, #tpu.memory_space<hbm>> -> memref<32xi32, #tpu.memory_space<hbm>>
      tpu.enqueue_dma source(%dma_start3A_94 : memref<32xi32, #tpu.memory_space<hbm>>) target(%dma_start3A_92 : memref<32xi32, #tpu.memory_space<vmem>>) target_semaphore(%run_scoped3A_84 : memref<!tpu.dma_semaphore, #tpu.memory_space<semaphore_mem>>)
      %dma_wait3A_95 = arith.constant 0 : i32
      %dma_wait3A_96 = tpu.memref_slice %arg5[%run_scoped3A_17, %dma_wait3A_95] : memref<4x32xi32, #tpu.memory_space<vmem>> -> memref<1x32xi32, #tpu.memory_space<vmem>>
      %dma_wait3A_97 = tpu.memref_squeeze %dma_wait3A_96 : memref<1x32xi32, #tpu.memory_space<vmem>> -> memref<32xi32, #tpu.memory_space<vmem>>
      %dma_wait3A_98 = tpu.memref_slice %arg3[%run_scoped3A_16, %add3A_15] : memref<2x2048xi32, #tpu.memory_space<hbm>> -> memref<1x32xi32, #tpu.memory_space<hbm>>
      %dma_wait3A_99 = tpu.memref_squeeze %dma_wait3A_98 : memref<1x32xi32, #tpu.memory_space<hbm>> -> memref<32xi32, #tpu.memory_space<hbm>>
      %dma_wait3A_100 = arith.constant 0 : i32
      %dma_wait3A_101 = tpu.memref_slice %arg5[%run_scoped3A_17, %dma_wait3A_100] : memref<4x32xi32, #tpu.memory_space<vmem>> -> memref<1x32xi32, #tpu.memory_space<vmem>>
      %dma_wait3A_102 = tpu.memref_squeeze %dma_wait3A_101 : memref<1x32xi32, #tpu.memory_space<vmem>> -> memref<32xi32, #tpu.memory_space<vmem>>
      %dma_wait3A_103 = tpu.memref_slice %arg3[%run_scoped3A_16, %add3A_15] : memref<2x2048xi32, #tpu.memory_space<hbm>> -> memref<1x32xi32, #tpu.memory_space<hbm>>
      %dma_wait3A_104 = tpu.memref_squeeze %dma_wait3A_103 : memref<1x32xi32, #tpu.memory_space<hbm>> -> memref<32xi32, #tpu.memory_space<hbm>>
      tpu.wait_dma2 semaphore(%run_scoped3A_84 : memref<!tpu.dma_semaphore, #tpu.memory_space<semaphore_mem>>) src(%dma_wait3A_104 : memref<32xi32, #tpu.memory_space<hbm>>) dst(%dma_wait3A_102 : memref<32xi32, #tpu.memory_space<vmem>>)
      tpu.yield
    }) : () -> ()
    %dma_start3A = arith.constant 0 : i32
    %dma_start3A_18 = arith.constant 0 : i32
    %dma_start3A_19 = tpu.memref_slice %arg5[%dma_start3A, %dma_start3A_18] : memref<4x32xi32, #tpu.memory_space<vmem>> -> memref<1x32xi32, #tpu.memory_space<vmem>>
    %dma_start3A_20 = tpu.memref_squeeze %dma_start3A_19 : memref<1x32xi32, #tpu.memory_space<vmem>> -> memref<32xi32, #tpu.memory_space<vmem>>
    %dma_start3A_21 = arith.constant 0 : i32
    %dma_start3A_22 = arith.constant 0 : i32
    %dma_start3A_23 = tpu.memref_slice %arg2[%dma_start3A_21, %dma_start3A_22] : memref<5120x2048xf32, #tpu.memory_space<hbm>> -> memref<5120x2048xf32, #tpu.memory_space<hbm>>
    tpu.enqueue_indirect_dma source(%dma_start3A_23 : memref<5120x2048xf32, #tpu.memory_space<hbm>>) target(%arg6 : memref<32x2048xf32, #tpu.memory_space<vmem>>) offsets(%dma_start3A_20 : memref<32xi32, #tpu.memory_space<vmem>>) semaphore(%arg7 : memref<!tpu.dma_semaphore, #tpu.memory_space<semaphore_mem>>)
    %dma_wait3A = arith.constant 0 : i32
    %dma_wait3A_24 = arith.constant 0 : i32
    %dma_wait3A_25 = tpu.memref_slice %arg5[%dma_wait3A, %dma_wait3A_24] : memref<4x32xi32, #tpu.memory_space<vmem>> -> memref<1x32xi32, #tpu.memory_space<vmem>>
    %dma_wait3A_26 = tpu.memref_squeeze %dma_wait3A_25 : memref<1x32xi32, #tpu.memory_space<vmem>> -> memref<32xi32, #tpu.memory_space<vmem>>
    %dma_wait3A_27 = arith.constant 0 : i32
    %dma_wait3A_28 = arith.constant 0 : i32
    %dma_wait3A_29 = tpu.memref_slice %arg2[%dma_wait3A_27, %dma_wait3A_28] : memref<5120x2048xf32, #tpu.memory_space<hbm>> -> memref<5120x2048xf32, #tpu.memory_space<hbm>>
    tpu.wait_indirect_dma semaphore(%arg7 : memref<!tpu.dma_semaphore, #tpu.memory_space<semaphore_mem>>) src(%dma_wait3A_29 : memref<5120x2048xf32, #tpu.memory_space<hbm>>) dst(%arg6 : memref<32x2048xf32, #tpu.memory_space<vmem>>)
    %add3A_30 = arith.constant 0 : i32
    %add3A_31 = arith.addi %mul3A_2, %add3A_30 : i32
    %run_scoped3A_32 = arith.constant 0 : i32
    "tpu.region"() ({
      %run_scoped3A_84 = tpu.sem_alloc : memref<!tpu.dma_semaphore, #tpu.memory_space<semaphore_mem>>
      %dma_start3A_85 = arith.constant 0 : i32
      %dma_start3A_86 = tpu.memref_slice %arg4[%run_scoped3A_32, %add3A_31, %dma_start3A_85] : memref<2x2048x2048xf32, #tpu.memory_space<hbm>> -> memref<1x32x2048xf32, #tpu.memory_space<hbm>>
      %dma_start3A_87 = tpu.memref_squeeze %dma_start3A_86 : memref<1x32x2048xf32, #tpu.memory_space<hbm>> -> memref<32x2048xf32, #tpu.memory_space<hbm>>
      %dma_start3A_88 = arith.constant 0 : i32
      %dma_start3A_89 = tpu.memref_slice %arg4[%run_scoped3A_32, %add3A_31, %dma_start3A_88] : memref<2x2048x2048xf32, #tpu.memory_space<hbm>> -> memref<1x32x2048xf32, #tpu.memory_space<hbm>>
      %dma_start3A_90 = tpu.memref_squeeze %dma_start3A_89 : memref<1x32x2048xf32, #tpu.memory_space<hbm>> -> memref<32x2048xf32, #tpu.memory_space<hbm>>
      tpu.enqueue_dma source(%arg6 : memref<32x2048xf32, #tpu.memory_space<vmem>>) target(%dma_start3A_90 : memref<32x2048xf32, #tpu.memory_space<hbm>>) target_semaphore(%run_scoped3A_84 : memref<!tpu.dma_semaphore, #tpu.memory_space<semaphore_mem>>)
      %dma_wait3A_91 = arith.constant 0 : i32
      %dma_wait3A_92 = tpu.memref_slice %arg4[%run_scoped3A_32, %add3A_31, %dma_wait3A_91] : memref<2x2048x2048xf32, #tpu.memory_space<hbm>> -> memref<1x32x2048xf32, #tpu.memory_space<hbm>>
      %dma_wait3A_93 = tpu.memref_squeeze %dma_wait3A_92 : memref<1x32x2048xf32, #tpu.memory_space<hbm>> -> memref<32x2048xf32, #tpu.memory_space<hbm>>
      %dma_wait3A_94 = arith.constant 0 : i32
      %dma_wait3A_95 = tpu.memref_slice %arg4[%run_scoped3A_32, %add3A_31, %dma_wait3A_94] : memref<2x2048x2048xf32, #tpu.memory_space<hbm>> -> memref<1x32x2048xf32, #tpu.memory_space<hbm>>
      %dma_wait3A_96 = tpu.memref_squeeze %dma_wait3A_95 : memref<1x32x2048xf32, #tpu.memory_space<hbm>> -> memref<32x2048xf32, #tpu.memory_space<hbm>>
      tpu.wait_dma2 semaphore(%run_scoped3A_84 : memref<!tpu.dma_semaphore, #tpu.memory_space<semaphore_mem>>) src(%arg6 : memref<32x2048xf32, #tpu.memory_space<vmem>>) dst(%dma_wait3A_96 : memref<32x2048xf32, #tpu.memory_space<hbm>>)
      tpu.yield
    }) : () -> ()
    %dma_start3A_33 = arith.constant 1 : i32
    %dma_start3A_34 = arith.constant 0 : i32
    %dma_start3A_35 = tpu.memref_slice %arg5[%dma_start3A_33, %dma_start3A_34] : memref<4x32xi32, #tpu.memory_space<vmem>> -> memref<1x32xi32, #tpu.memory_space<vmem>>
    %dma_start3A_36 = tpu.memref_squeeze %dma_start3A_35 : memref<1x32xi32, #tpu.memory_space<vmem>> -> memref<32xi32, #tpu.memory_space<vmem>>
    %dma_start3A_37 = arith.constant 0 : i32
    %dma_start3A_38 = arith.constant 0 : i32
    %dma_start3A_39 = tpu.memref_slice %arg2[%dma_start3A_37, %dma_start3A_38] : memref<5120x2048xf32, #tpu.memory_space<hbm>> -> memref<5120x2048xf32, #tpu.memory_space<hbm>>
    tpu.enqueue_indirect_dma source(%dma_start3A_39 : memref<5120x2048xf32, #tpu.memory_space<hbm>>) target(%arg6 : memref<32x2048xf32, #tpu.memory_space<vmem>>) offsets(%dma_start3A_36 : memref<32xi32, #tpu.memory_space<vmem>>) semaphore(%arg7 : memref<!tpu.dma_semaphore, #tpu.memory_space<semaphore_mem>>)
    %dma_wait3A_40 = arith.constant 1 : i32
    %dma_wait3A_41 = arith.constant 0 : i32
    %dma_wait3A_42 = tpu.memref_slice %arg5[%dma_wait3A_40, %dma_wait3A_41] : memref<4x32xi32, #tpu.memory_space<vmem>> -> memref<1x32xi32, #tpu.memory_space<vmem>>
    %dma_wait3A_43 = tpu.memref_squeeze %dma_wait3A_42 : memref<1x32xi32, #tpu.memory_space<vmem>> -> memref<32xi32, #tpu.memory_space<vmem>>
    %dma_wait3A_44 = arith.constant 0 : i32
    %dma_wait3A_45 = arith.constant 0 : i32
    %dma_wait3A_46 = tpu.memref_slice %arg2[%dma_wait3A_44, %dma_wait3A_45] : memref<5120x2048xf32, #tpu.memory_space<hbm>> -> memref<5120x2048xf32, #tpu.memory_space<hbm>>
    tpu.wait_indirect_dma semaphore(%arg7 : memref<!tpu.dma_semaphore, #tpu.memory_space<semaphore_mem>>) src(%dma_wait3A_46 : memref<5120x2048xf32, #tpu.memory_space<hbm>>) dst(%arg6 : memref<32x2048xf32, #tpu.memory_space<vmem>>)
    %add3A_47 = arith.constant 32 : i32
    %add3A_48 = arith.addi %mul3A_2, %add3A_47 : i32
    %run_scoped3A_49 = arith.constant 0 : i32
    "tpu.region"() ({
      %run_scoped3A_84 = tpu.sem_alloc : memref<!tpu.dma_semaphore, #tpu.memory_space<semaphore_mem>>
      %dma_start3A_85 = arith.constant 0 : i32
      %dma_start3A_86 = tpu.memref_slice %arg4[%run_scoped3A_49, %add3A_48, %dma_start3A_85] : memref<2x2048x2048xf32, #tpu.memory_space<hbm>> -> memref<1x32x2048xf32, #tpu.memory_space<hbm>>
      %dma_start3A_87 = tpu.memref_squeeze %dma_start3A_86 : memref<1x32x2048xf32, #tpu.memory_space<hbm>> -> memref<32x2048xf32, #tpu.memory_space<hbm>>
      %dma_start3A_88 = arith.constant 0 : i32
      %dma_start3A_89 = tpu.memref_slice %arg4[%run_scoped3A_49, %add3A_48, %dma_start3A_88] : memref<2x2048x2048xf32, #tpu.memory_space<hbm>> -> memref<1x32x2048xf32, #tpu.memory_space<hbm>>
      %dma_start3A_90 = tpu.memref_squeeze %dma_start3A_89 : memref<1x32x2048xf32, #tpu.memory_space<hbm>> -> memref<32x2048xf32, #tpu.memory_space<hbm>>
      tpu.enqueue_dma source(%arg6 : memref<32x2048xf32, #tpu.memory_space<vmem>>) target(%dma_start3A_90 : memref<32x2048xf32, #tpu.memory_space<hbm>>) target_semaphore(%run_scoped3A_84 : memref<!tpu.dma_semaphore, #tpu.memory_space<semaphore_mem>>)
      %dma_wait3A_91 = arith.constant 0 : i32
      %dma_wait3A_92 = tpu.memref_slice %arg4[%run_scoped3A_49, %add3A_48, %dma_wait3A_91] : memref<2x2048x2048xf32, #tpu.memory_space<hbm>> -> memref<1x32x2048xf32, #tpu.memory_space<hbm>>
      %dma_wait3A_93 = tpu.memref_squeeze %dma_wait3A_92 : memref<1x32x2048xf32, #tpu.memory_space<hbm>> -> memref<32x2048xf32, #tpu.memory_space<hbm>>
      %dma_wait3A_94 = arith.constant 0 : i32
      %dma_wait3A_95 = tpu.memref_slice %arg4[%run_scoped3A_49, %add3A_48, %dma_wait3A_94] : memref<2x2048x2048xf32, #tpu.memory_space<hbm>> -> memref<1x32x2048xf32, #tpu.memory_space<hbm>>
      %dma_wait3A_96 = tpu.memref_squeeze %dma_wait3A_95 : memref<1x32x2048xf32, #tpu.memory_space<hbm>> -> memref<32x2048xf32, #tpu.memory_space<hbm>>
      tpu.wait_dma2 semaphore(%run_scoped3A_84 : memref<!tpu.dma_semaphore, #tpu.memory_space<semaphore_mem>>) src(%arg6 : memref<32x2048xf32, #tpu.memory_space<vmem>>) dst(%dma_wait3A_96 : memref<32x2048xf32, #tpu.memory_space<hbm>>)
      tpu.yield
    }) : () -> ()
    %dma_start3A_50 = arith.constant 2 : i32
    %dma_start3A_51 = arith.constant 0 : i32
    %dma_start3A_52 = tpu.memref_slice %arg5[%dma_start3A_50, %dma_start3A_51] : memref<4x32xi32, #tpu.memory_space<vmem>> -> memref<1x32xi32, #tpu.memory_space<vmem>>
    %dma_start3A_53 = tpu.memref_squeeze %dma_start3A_52 : memref<1x32xi32, #tpu.memory_space<vmem>> -> memref<32xi32, #tpu.memory_space<vmem>>
    %dma_start3A_54 = arith.constant 0 : i32
    %dma_start3A_55 = arith.constant 0 : i32
    %dma_start3A_56 = tpu.memref_slice %arg2[%dma_start3A_54, %dma_start3A_55] : memref<5120x2048xf32, #tpu.memory_space<hbm>> -> memref<5120x2048xf32, #tpu.memory_space<hbm>>
    tpu.enqueue_indirect_dma source(%dma_start3A_56 : memref<5120x2048xf32, #tpu.memory_space<hbm>>) target(%arg6 : memref<32x2048xf32, #tpu.memory_space<vmem>>) offsets(%dma_start3A_53 : memref<32xi32, #tpu.memory_space<vmem>>) semaphore(%arg7 : memref<!tpu.dma_semaphore, #tpu.memory_space<semaphore_mem>>)
    %dma_wait3A_57 = arith.constant 2 : i32
    %dma_wait3A_58 = arith.constant 0 : i32
    %dma_wait3A_59 = tpu.memref_slice %arg5[%dma_wait3A_57, %dma_wait3A_58] : memref<4x32xi32, #tpu.memory_space<vmem>> -> memref<1x32xi32, #tpu.memory_space<vmem>>
    %dma_wait3A_60 = tpu.memref_squeeze %dma_wait3A_59 : memref<1x32xi32, #tpu.memory_space<vmem>> -> memref<32xi32, #tpu.memory_space<vmem>>
    %dma_wait3A_61 = arith.constant 0 : i32
    %dma_wait3A_62 = arith.constant 0 : i32
    %dma_wait3A_63 = tpu.memref_slice %arg2[%dma_wait3A_61, %dma_wait3A_62] : memref<5120x2048xf32, #tpu.memory_space<hbm>> -> memref<5120x2048xf32, #tpu.memory_space<hbm>>
    tpu.wait_indirect_dma semaphore(%arg7 : memref<!tpu.dma_semaphore, #tpu.memory_space<semaphore_mem>>) src(%dma_wait3A_63 : memref<5120x2048xf32, #tpu.memory_space<hbm>>) dst(%arg6 : memref<32x2048xf32, #tpu.memory_space<vmem>>)
    %add3A_64 = arith.constant 0 : i32
    %add3A_65 = arith.addi %mul3A_2, %add3A_64 : i32
    %run_scoped3A_66 = arith.constant 1 : i32
    "tpu.region"() ({
      %run_scoped3A_84 = tpu.sem_alloc : memref<!tpu.dma_semaphore, #tpu.memory_space<semaphore_mem>>
      %dma_start3A_85 = arith.constant 0 : i32
      %dma_start3A_86 = tpu.memref_slice %arg4[%run_scoped3A_66, %add3A_65, %dma_start3A_85] : memref<2x2048x2048xf32, #tpu.memory_space<hbm>> -> memref<1x32x2048xf32, #tpu.memory_space<hbm>>
      %dma_start3A_87 = tpu.memref_squeeze %dma_start3A_86 : memref<1x32x2048xf32, #tpu.memory_space<hbm>> -> memref<32x2048xf32, #tpu.memory_space<hbm>>
      %dma_start3A_88 = arith.constant 0 : i32
      %dma_start3A_89 = tpu.memref_slice %arg4[%run_scoped3A_66, %add3A_65, %dma_start3A_88] : memref<2x2048x2048xf32, #tpu.memory_space<hbm>> -> memref<1x32x2048xf32, #tpu.memory_space<hbm>>
      %dma_start3A_90 = tpu.memref_squeeze %dma_start3A_89 : memref<1x32x2048xf32, #tpu.memory_space<hbm>> -> memref<32x2048xf32, #tpu.memory_space<hbm>>
      tpu.enqueue_dma source(%arg6 : memref<32x2048xf32, #tpu.memory_space<vmem>>) target(%dma_start3A_90 : memref<32x2048xf32, #tpu.memory_space<hbm>>) target_semaphore(%run_scoped3A_84 : memref<!tpu.dma_semaphore, #tpu.memory_space<semaphore_mem>>)
      %dma_wait3A_91 = arith.constant 0 : i32
      %dma_wait3A_92 = tpu.memref_slice %arg4[%run_scoped3A_66, %add3A_65, %dma_wait3A_91] : memref<2x2048x2048xf32, #tpu.memory_space<hbm>> -> memref<1x32x2048xf32, #tpu.memory_space<hbm>>
      %dma_wait3A_93 = tpu.memref_squeeze %dma_wait3A_92 : memref<1x32x2048xf32, #tpu.memory_space<hbm>> -> memref<32x2048xf32, #tpu.memory_space<hbm>>
      %dma_wait3A_94 = arith.constant 0 : i32
      %dma_wait3A_95 = tpu.memref_slice %arg4[%run_scoped3A_66, %add3A_65, %dma_wait3A_94] : memref<2x2048x2048xf32, #tpu.memory_space<hbm>> -> memref<1x32x2048xf32, #tpu.memory_space<hbm>>
      %dma_wait3A_96 = tpu.memref_squeeze %dma_wait3A_95 : memref<1x32x2048xf32, #tpu.memory_space<hbm>> -> memref<32x2048xf32, #tpu.memory_space<hbm>>
      tpu.wait_dma2 semaphore(%run_scoped3A_84 : memref<!tpu.dma_semaphore, #tpu.memory_space<semaphore_mem>>) src(%arg6 : memref<32x2048xf32, #tpu.memory_space<vmem>>) dst(%dma_wait3A_96 : memref<32x2048xf32, #tpu.memory_space<hbm>>)
      tpu.yield
    }) : () -> ()
    %dma_start3A_67 = arith.constant 3 : i32
    %dma_start3A_68 = arith.constant 0 : i32
    %dma_start3A_69 = tpu.memref_slice %arg5[%dma_start3A_67, %dma_start3A_68] : memref<4x32xi32, #tpu.memory_space<vmem>> -> memref<1x32xi32, #tpu.memory_space<vmem>>
    %dma_start3A_70 = tpu.memref_squeeze %dma_start3A_69 : memref<1x32xi32, #tpu.memory_space<vmem>> -> memref<32xi32, #tpu.memory_space<vmem>>
    %dma_start3A_71 = arith.constant 0 : i32
    %dma_start3A_72 = arith.constant 0 : i32
    %dma_start3A_73 = tpu.memref_slice %arg2[%dma_start3A_71, %dma_start3A_72] : memref<5120x2048xf32, #tpu.memory_space<hbm>> -> memref<5120x2048xf32, #tpu.memory_space<hbm>>
    tpu.enqueue_indirect_dma source(%dma_start3A_73 : memref<5120x2048xf32, #tpu.memory_space<hbm>>) target(%arg6 : memref<32x2048xf32, #tpu.memory_space<vmem>>) offsets(%dma_start3A_70 : memref<32xi32, #tpu.memory_space<vmem>>) semaphore(%arg7 : memref<!tpu.dma_semaphore, #tpu.memory_space<semaphore_mem>>)
    %dma_wait3A_74 = arith.constant 3 : i32
    %dma_wait3A_75 = arith.constant 0 : i32
    %dma_wait3A_76 = tpu.memref_slice %arg5[%dma_wait3A_74, %dma_wait3A_75] : memref<4x32xi32, #tpu.memory_space<vmem>> -> memref<1x32xi32, #tpu.memory_space<vmem>>
    %dma_wait3A_77 = tpu.memref_squeeze %dma_wait3A_76 : memref<1x32xi32, #tpu.memory_space<vmem>> -> memref<32xi32, #tpu.memory_space<vmem>>
    %dma_wait3A_78 = arith.constant 0 : i32
    %dma_wait3A_79 = arith.constant 0 : i32
    %dma_wait3A_80 = tpu.memref_slice %arg2[%dma_wait3A_78, %dma_wait3A_79] : memref<5120x2048xf32, #tpu.memory_space<hbm>> -> memref<5120x2048xf32, #tpu.memory_space<hbm>>
    tpu.wait_indirect_dma semaphore(%arg7 : memref<!tpu.dma_semaphore, #tpu.memory_space<semaphore_mem>>) src(%dma_wait3A_80 : memref<5120x2048xf32, #tpu.memory_space<hbm>>) dst(%arg6 : memref<32x2048xf32, #tpu.memory_space<vmem>>)
    %add3A_81 = arith.constant 32 : i32
    %add3A_82 = arith.addi %mul3A_2, %add3A_81 : i32
    %run_scoped3A_83 = arith.constant 1 : i32
    "tpu.region"() ({
      %run_scoped3A_84 = tpu.sem_alloc : memref<!tpu.dma_semaphore, #tpu.memory_space<semaphore_mem>>
      %dma_start3A_85 = arith.constant 0 : i32
      %dma_start3A_86 = tpu.memref_slice %arg4[%run_scoped3A_83, %add3A_82, %dma_start3A_85] : memref<2x2048x2048xf32, #tpu.memory_space<hbm>> -> memref<1x32x2048xf32, #tpu.memory_space<hbm>>
      %dma_start3A_87 = tpu.memref_squeeze %dma_start3A_86 : memref<1x32x2048xf32, #tpu.memory_space<hbm>> -> memref<32x2048xf32, #tpu.memory_space<hbm>>
      %dma_start3A_88 = arith.constant 0 : i32
      %dma_start3A_89 = tpu.memref_slice %arg4[%run_scoped3A_83, %add3A_82, %dma_start3A_88] : memref<2x2048x2048xf32, #tpu.memory_space<hbm>> -> memref<1x32x2048xf32, #tpu.memory_space<hbm>>
      %dma_start3A_90 = tpu.memref_squeeze %dma_start3A_89 : memref<1x32x2048xf32, #tpu.memory_space<hbm>> -> memref<32x2048xf32, #tpu.memory_space<hbm>>
      tpu.enqueue_dma source(%arg6 : memref<32x2048xf32, #tpu.memory_space<vmem>>) target(%dma_start3A_90 : memref<32x2048xf32, #tpu.memory_space<hbm>>) target_semaphore(%run_scoped3A_84 : memref<!tpu.dma_semaphore, #tpu.memory_space<semaphore_mem>>)
      %dma_wait3A_91 = arith.constant 0 : i32
      %dma_wait3A_92 = tpu.memref_slice %arg4[%run_scoped3A_83, %add3A_82, %dma_wait3A_91] : memref<2x2048x2048xf32, #tpu.memory_space<hbm>> -> memref<1x32x2048xf32, #tpu.memory_space<hbm>>
      %dma_wait3A_93 = tpu.memref_squeeze %dma_wait3A_92 : memref<1x32x2048xf32, #tpu.memory_space<hbm>> -> memref<32x2048xf32, #tpu.memory_space<hbm>>
      %dma_wait3A_94 = arith.constant 0 : i32
      %dma_wait3A_95 = tpu.memref_slice %arg4[%run_scoped3A_83, %add3A_82, %dma_wait3A_94] : memref<2x2048x2048xf32, #tpu.memory_space<hbm>> -> memref<1x32x2048xf32, #tpu.memory_space<hbm>>
      %dma_wait3A_96 = tpu.memref_squeeze %dma_wait3A_95 : memref<1x32x2048xf32, #tpu.memory_space<hbm>> -> memref<32x2048xf32, #tpu.memory_space<hbm>>
      tpu.wait_dma2 semaphore(%run_scoped3A_84 : memref<!tpu.dma_semaphore, #tpu.memory_space<semaphore_mem>>) src(%arg6 : memref<32x2048xf32, #tpu.memory_space<vmem>>) dst(%dma_wait3A_96 : memref<32x2048xf32, #tpu.memory_space<hbm>>)
      tpu.yield
    }) : () -> ()
    return
  }
}

#map = affine_map<(d0, d1) -> (0, 0)>
#map1 = affine_map<(d0, d1) -> (0, 0, 0)>
module attributes {stable_mosaic.version = 14 : i64} {
  func.func @disp(%arg0: i32, %arg1: i32, %arg2: memref<2048x2048xf32, #tpu.memory_space<hbm>>, %arg3: memref<2x2048x128xf32, #tpu.memory_space<hbm>>, %arg4: memref<2x2048xi32, #tpu.memory_space<hbm>>, %arg5: memref<5120x2048xf32, #tpu.memory_space<hbm>>, %arg6: memref<5120x128xf32, #tpu.memory_space<hbm>>, %arg7: memref<4x32xi32, #tpu.memory_space<vmem>>, %arg8: memref<32x2048xf32, #tpu.memory_space<vmem>>, %arg9: memref<2x64x128xf32, #tpu.memory_space<vmem>>, %arg10: memref<!tpu.dma_semaphore, #tpu.memory_space<semaphore_mem>>) attributes {dimension_semantics = [#tpu.dimension_semantics<core_parallel>, #tpu.dimension_semantics<subcore_parallel>], iteration_bounds = array<i64: 2, 16>, scalar_prefetch = 0 : i64, scratch_operands = 4 : i64, tpu.core_type = #tpu.core_type<sc_vector_subcore>, window_params = [{transform_indices = #map}, {transform_indices = #map1}, {transform_indices = #map}, {transform_indices = #map}, {transform_indices = #map}]} {
    %mul3A = arith.constant 2 : i32
    %mul3A_0 = arith.muli %arg1, %mul3A : i32
    %add3A = arith.addi %mul3A_0, %arg0 : i32
    %mul3A_1 = arith.constant 64 : i32
    %mul3A_2 = arith.muli %add3A, %mul3A_1 : i32
    %add3A_3 = arith.constant 0 : i32
    %add3A_4 = arith.addi %mul3A_2, %add3A_3 : i32
    %run_scoped3A = arith.constant 0 : i32
    %run_scoped3A_5 = arith.constant 0 : i32
    "tpu.region"() ({
      %run_scoped3A_176 = tpu.sem_alloc : memref<!tpu.dma_semaphore, #tpu.memory_space<semaphore_mem>>
      %dma_start3A_177 = arith.constant 0 : i32
      %dma_start3A_178 = tpu.memref_slice %arg7[%run_scoped3A_5, %dma_start3A_177] : memref<4x32xi32, #tpu.memory_space<vmem>> -> memref<1x32xi32, #tpu.memory_space<vmem>>
      %dma_start3A_179 = tpu.memref_squeeze %dma_start3A_178 : memref<1x32xi32, #tpu.memory_space<vmem>> -> memref<32xi32, #tpu.memory_space<vmem>>
      %dma_start3A_180 = tpu.memref_slice %arg4[%run_scoped3A, %add3A_4] : memref<2x2048xi32, #tpu.memory_space<hbm>> -> memref<1x32xi32, #tpu.memory_space<hbm>>
      %dma_start3A_181 = tpu.memref_squeeze %dma_start3A_180 : memref<1x32xi32, #tpu.memory_space<hbm>> -> memref<32xi32, #tpu.memory_space<hbm>>
      %dma_start3A_182 = arith.constant 0 : i32
      %dma_start3A_183 = tpu.memref_slice %arg7[%run_scoped3A_5, %dma_start3A_182] : memref<4x32xi32, #tpu.memory_space<vmem>> -> memref<1x32xi32, #tpu.memory_space<vmem>>
      %dma_start3A_184 = tpu.memref_squeeze %dma_start3A_183 : memref<1x32xi32, #tpu.memory_space<vmem>> -> memref<32xi32, #tpu.memory_space<vmem>>
      %dma_start3A_185 = tpu.memref_slice %arg4[%run_scoped3A, %add3A_4] : memref<2x2048xi32, #tpu.memory_space<hbm>> -> memref<1x32xi32, #tpu.memory_space<hbm>>
      %dma_start3A_186 = tpu.memref_squeeze %dma_start3A_185 : memref<1x32xi32, #tpu.memory_space<hbm>> -> memref<32xi32, #tpu.memory_space<hbm>>
      tpu.enqueue_dma source(%dma_start3A_186 : memref<32xi32, #tpu.memory_space<hbm>>) target(%dma_start3A_184 : memref<32xi32, #tpu.memory_space<vmem>>) target_semaphore(%run_scoped3A_176 : memref<!tpu.dma_semaphore, #tpu.memory_space<semaphore_mem>>)
      %dma_wait3A_187 = arith.constant 0 : i32
      %dma_wait3A_188 = tpu.memref_slice %arg7[%run_scoped3A_5, %dma_wait3A_187] : memref<4x32xi32, #tpu.memory_space<vmem>> -> memref<1x32xi32, #tpu.memory_space<vmem>>
      %dma_wait3A_189 = tpu.memref_squeeze %dma_wait3A_188 : memref<1x32xi32, #tpu.memory_space<vmem>> -> memref<32xi32, #tpu.memory_space<vmem>>
      %dma_wait3A_190 = tpu.memref_slice %arg4[%run_scoped3A, %add3A_4] : memref<2x2048xi32, #tpu.memory_space<hbm>> -> memref<1x32xi32, #tpu.memory_space<hbm>>
      %dma_wait3A_191 = tpu.memref_squeeze %dma_wait3A_190 : memref<1x32xi32, #tpu.memory_space<hbm>> -> memref<32xi32, #tpu.memory_space<hbm>>
      %dma_wait3A_192 = arith.constant 0 : i32
      %dma_wait3A_193 = tpu.memref_slice %arg7[%run_scoped3A_5, %dma_wait3A_192] : memref<4x32xi32, #tpu.memory_space<vmem>> -> memref<1x32xi32, #tpu.memory_space<vmem>>
      %dma_wait3A_194 = tpu.memref_squeeze %dma_wait3A_193 : memref<1x32xi32, #tpu.memory_space<vmem>> -> memref<32xi32, #tpu.memory_space<vmem>>
      %dma_wait3A_195 = tpu.memref_slice %arg4[%run_scoped3A, %add3A_4] : memref<2x2048xi32, #tpu.memory_space<hbm>> -> memref<1x32xi32, #tpu.memory_space<hbm>>
      %dma_wait3A_196 = tpu.memref_squeeze %dma_wait3A_195 : memref<1x32xi32, #tpu.memory_space<hbm>> -> memref<32xi32, #tpu.memory_space<hbm>>
      tpu.wait_dma2 semaphore(%run_scoped3A_176 : memref<!tpu.dma_semaphore, #tpu.memory_space<semaphore_mem>>) src(%dma_wait3A_196 : memref<32xi32, #tpu.memory_space<hbm>>) dst(%dma_wait3A_194 : memref<32xi32, #tpu.memory_space<vmem>>)
      tpu.yield
    }) : () -> ()
    %add3A_6 = arith.constant 32 : i32
    %add3A_7 = arith.addi %mul3A_2, %add3A_6 : i32
    %run_scoped3A_8 = arith.constant 0 : i32
    %run_scoped3A_9 = arith.constant 1 : i32
    "tpu.region"() ({
      %run_scoped3A_176 = tpu.sem_alloc : memref<!tpu.dma_semaphore, #tpu.memory_space<semaphore_mem>>
      %dma_start3A_177 = arith.constant 0 : i32
      %dma_start3A_178 = tpu.memref_slice %arg7[%run_scoped3A_9, %dma_start3A_177] : memref<4x32xi32, #tpu.memory_space<vmem>> -> memref<1x32xi32, #tpu.memory_space<vmem>>
      %dma_start3A_179 = tpu.memref_squeeze %dma_start3A_178 : memref<1x32xi32, #tpu.memory_space<vmem>> -> memref<32xi32, #tpu.memory_space<vmem>>
      %dma_start3A_180 = tpu.memref_slice %arg4[%run_scoped3A_8, %add3A_7] : memref<2x2048xi32, #tpu.memory_space<hbm>> -> memref<1x32xi32, #tpu.memory_space<hbm>>
      %dma_start3A_181 = tpu.memref_squeeze %dma_start3A_180 : memref<1x32xi32, #tpu.memory_space<hbm>> -> memref<32xi32, #tpu.memory_space<hbm>>
      %dma_start3A_182 = arith.constant 0 : i32
      %dma_start3A_183 = tpu.memref_slice %arg7[%run_scoped3A_9, %dma_start3A_182] : memref<4x32xi32, #tpu.memory_space<vmem>> -> memref<1x32xi32, #tpu.memory_space<vmem>>
      %dma_start3A_184 = tpu.memref_squeeze %dma_start3A_183 : memref<1x32xi32, #tpu.memory_space<vmem>> -> memref<32xi32, #tpu.memory_space<vmem>>
      %dma_start3A_185 = tpu.memref_slice %arg4[%run_scoped3A_8, %add3A_7] : memref<2x2048xi32, #tpu.memory_space<hbm>> -> memref<1x32xi32, #tpu.memory_space<hbm>>
      %dma_start3A_186 = tpu.memref_squeeze %dma_start3A_185 : memref<1x32xi32, #tpu.memory_space<hbm>> -> memref<32xi32, #tpu.memory_space<hbm>>
      tpu.enqueue_dma source(%dma_start3A_186 : memref<32xi32, #tpu.memory_space<hbm>>) target(%dma_start3A_184 : memref<32xi32, #tpu.memory_space<vmem>>) target_semaphore(%run_scoped3A_176 : memref<!tpu.dma_semaphore, #tpu.memory_space<semaphore_mem>>)
      %dma_wait3A_187 = arith.constant 0 : i32
      %dma_wait3A_188 = tpu.memref_slice %arg7[%run_scoped3A_9, %dma_wait3A_187] : memref<4x32xi32, #tpu.memory_space<vmem>> -> memref<1x32xi32, #tpu.memory_space<vmem>>
      %dma_wait3A_189 = tpu.memref_squeeze %dma_wait3A_188 : memref<1x32xi32, #tpu.memory_space<vmem>> -> memref<32xi32, #tpu.memory_space<vmem>>
      %dma_wait3A_190 = tpu.memref_slice %arg4[%run_scoped3A_8, %add3A_7] : memref<2x2048xi32, #tpu.memory_space<hbm>> -> memref<1x32xi32, #tpu.memory_space<hbm>>
      %dma_wait3A_191 = tpu.memref_squeeze %dma_wait3A_190 : memref<1x32xi32, #tpu.memory_space<hbm>> -> memref<32xi32, #tpu.memory_space<hbm>>
      %dma_wait3A_192 = arith.constant 0 : i32
      %dma_wait3A_193 = tpu.memref_slice %arg7[%run_scoped3A_9, %dma_wait3A_192] : memref<4x32xi32, #tpu.memory_space<vmem>> -> memref<1x32xi32, #tpu.memory_space<vmem>>
      %dma_wait3A_194 = tpu.memref_squeeze %dma_wait3A_193 : memref<1x32xi32, #tpu.memory_space<vmem>> -> memref<32xi32, #tpu.memory_space<vmem>>
      %dma_wait3A_195 = tpu.memref_slice %arg4[%run_scoped3A_8, %add3A_7] : memref<2x2048xi32, #tpu.memory_space<hbm>> -> memref<1x32xi32, #tpu.memory_space<hbm>>
      %dma_wait3A_196 = tpu.memref_squeeze %dma_wait3A_195 : memref<1x32xi32, #tpu.memory_space<hbm>> -> memref<32xi32, #tpu.memory_space<hbm>>
      tpu.wait_dma2 semaphore(%run_scoped3A_176 : memref<!tpu.dma_semaphore, #tpu.memory_space<semaphore_mem>>) src(%dma_wait3A_196 : memref<32xi32, #tpu.memory_space<hbm>>) dst(%dma_wait3A_194 : memref<32xi32, #tpu.memory_space<vmem>>)
      tpu.yield
    }) : () -> ()
    %add3A_10 = arith.constant 0 : i32
    %add3A_11 = arith.addi %mul3A_2, %add3A_10 : i32
    %run_scoped3A_12 = arith.constant 1 : i32
    %run_scoped3A_13 = arith.constant 2 : i32
    "tpu.region"() ({
      %run_scoped3A_176 = tpu.sem_alloc : memref<!tpu.dma_semaphore, #tpu.memory_space<semaphore_mem>>
      %dma_start3A_177 = arith.constant 0 : i32
      %dma_start3A_178 = tpu.memref_slice %arg7[%run_scoped3A_13, %dma_start3A_177] : memref<4x32xi32, #tpu.memory_space<vmem>> -> memref<1x32xi32, #tpu.memory_space<vmem>>
      %dma_start3A_179 = tpu.memref_squeeze %dma_start3A_178 : memref<1x32xi32, #tpu.memory_space<vmem>> -> memref<32xi32, #tpu.memory_space<vmem>>
      %dma_start3A_180 = tpu.memref_slice %arg4[%run_scoped3A_12, %add3A_11] : memref<2x2048xi32, #tpu.memory_space<hbm>> -> memref<1x32xi32, #tpu.memory_space<hbm>>
      %dma_start3A_181 = tpu.memref_squeeze %dma_start3A_180 : memref<1x32xi32, #tpu.memory_space<hbm>> -> memref<32xi32, #tpu.memory_space<hbm>>
      %dma_start3A_182 = arith.constant 0 : i32
      %dma_start3A_183 = tpu.memref_slice %arg7[%run_scoped3A_13, %dma_start3A_182] : memref<4x32xi32, #tpu.memory_space<vmem>> -> memref<1x32xi32, #tpu.memory_space<vmem>>
      %dma_start3A_184 = tpu.memref_squeeze %dma_start3A_183 : memref<1x32xi32, #tpu.memory_space<vmem>> -> memref<32xi32, #tpu.memory_space<vmem>>
      %dma_start3A_185 = tpu.memref_slice %arg4[%run_scoped3A_12, %add3A_11] : memref<2x2048xi32, #tpu.memory_space<hbm>> -> memref<1x32xi32, #tpu.memory_space<hbm>>
      %dma_start3A_186 = tpu.memref_squeeze %dma_start3A_185 : memref<1x32xi32, #tpu.memory_space<hbm>> -> memref<32xi32, #tpu.memory_space<hbm>>
      tpu.enqueue_dma source(%dma_start3A_186 : memref<32xi32, #tpu.memory_space<hbm>>) target(%dma_start3A_184 : memref<32xi32, #tpu.memory_space<vmem>>) target_semaphore(%run_scoped3A_176 : memref<!tpu.dma_semaphore, #tpu.memory_space<semaphore_mem>>)
      %dma_wait3A_187 = arith.constant 0 : i32
      %dma_wait3A_188 = tpu.memref_slice %arg7[%run_scoped3A_13, %dma_wait3A_187] : memref<4x32xi32, #tpu.memory_space<vmem>> -> memref<1x32xi32, #tpu.memory_space<vmem>>
      %dma_wait3A_189 = tpu.memref_squeeze %dma_wait3A_188 : memref<1x32xi32, #tpu.memory_space<vmem>> -> memref<32xi32, #tpu.memory_space<vmem>>
      %dma_wait3A_190 = tpu.memref_slice %arg4[%run_scoped3A_12, %add3A_11] : memref<2x2048xi32, #tpu.memory_space<hbm>> -> memref<1x32xi32, #tpu.memory_space<hbm>>
      %dma_wait3A_191 = tpu.memref_squeeze %dma_wait3A_190 : memref<1x32xi32, #tpu.memory_space<hbm>> -> memref<32xi32, #tpu.memory_space<hbm>>
      %dma_wait3A_192 = arith.constant 0 : i32
      %dma_wait3A_193 = tpu.memref_slice %arg7[%run_scoped3A_13, %dma_wait3A_192] : memref<4x32xi32, #tpu.memory_space<vmem>> -> memref<1x32xi32, #tpu.memory_space<vmem>>
      %dma_wait3A_194 = tpu.memref_squeeze %dma_wait3A_193 : memref<1x32xi32, #tpu.memory_space<vmem>> -> memref<32xi32, #tpu.memory_space<vmem>>
      %dma_wait3A_195 = tpu.memref_slice %arg4[%run_scoped3A_12, %add3A_11] : memref<2x2048xi32, #tpu.memory_space<hbm>> -> memref<1x32xi32, #tpu.memory_space<hbm>>
      %dma_wait3A_196 = tpu.memref_squeeze %dma_wait3A_195 : memref<1x32xi32, #tpu.memory_space<hbm>> -> memref<32xi32, #tpu.memory_space<hbm>>
      tpu.wait_dma2 semaphore(%run_scoped3A_176 : memref<!tpu.dma_semaphore, #tpu.memory_space<semaphore_mem>>) src(%dma_wait3A_196 : memref<32xi32, #tpu.memory_space<hbm>>) dst(%dma_wait3A_194 : memref<32xi32, #tpu.memory_space<vmem>>)
      tpu.yield
    }) : () -> ()
    %add3A_14 = arith.constant 32 : i32
    %add3A_15 = arith.addi %mul3A_2, %add3A_14 : i32
    %run_scoped3A_16 = arith.constant 1 : i32
    %run_scoped3A_17 = arith.constant 3 : i32
    "tpu.region"() ({
      %run_scoped3A_176 = tpu.sem_alloc : memref<!tpu.dma_semaphore, #tpu.memory_space<semaphore_mem>>
      %dma_start3A_177 = arith.constant 0 : i32
      %dma_start3A_178 = tpu.memref_slice %arg7[%run_scoped3A_17, %dma_start3A_177] : memref<4x32xi32, #tpu.memory_space<vmem>> -> memref<1x32xi32, #tpu.memory_space<vmem>>
      %dma_start3A_179 = tpu.memref_squeeze %dma_start3A_178 : memref<1x32xi32, #tpu.memory_space<vmem>> -> memref<32xi32, #tpu.memory_space<vmem>>
      %dma_start3A_180 = tpu.memref_slice %arg4[%run_scoped3A_16, %add3A_15] : memref<2x2048xi32, #tpu.memory_space<hbm>> -> memref<1x32xi32, #tpu.memory_space<hbm>>
      %dma_start3A_181 = tpu.memref_squeeze %dma_start3A_180 : memref<1x32xi32, #tpu.memory_space<hbm>> -> memref<32xi32, #tpu.memory_space<hbm>>
      %dma_start3A_182 = arith.constant 0 : i32
      %dma_start3A_183 = tpu.memref_slice %arg7[%run_scoped3A_17, %dma_start3A_182] : memref<4x32xi32, #tpu.memory_space<vmem>> -> memref<1x32xi32, #tpu.memory_space<vmem>>
      %dma_start3A_184 = tpu.memref_squeeze %dma_start3A_183 : memref<1x32xi32, #tpu.memory_space<vmem>> -> memref<32xi32, #tpu.memory_space<vmem>>
      %dma_start3A_185 = tpu.memref_slice %arg4[%run_scoped3A_16, %add3A_15] : memref<2x2048xi32, #tpu.memory_space<hbm>> -> memref<1x32xi32, #tpu.memory_space<hbm>>
      %dma_start3A_186 = tpu.memref_squeeze %dma_start3A_185 : memref<1x32xi32, #tpu.memory_space<hbm>> -> memref<32xi32, #tpu.memory_space<hbm>>
      tpu.enqueue_dma source(%dma_start3A_186 : memref<32xi32, #tpu.memory_space<hbm>>) target(%dma_start3A_184 : memref<32xi32, #tpu.memory_space<vmem>>) target_semaphore(%run_scoped3A_176 : memref<!tpu.dma_semaphore, #tpu.memory_space<semaphore_mem>>)
      %dma_wait3A_187 = arith.constant 0 : i32
      %dma_wait3A_188 = tpu.memref_slice %arg7[%run_scoped3A_17, %dma_wait3A_187] : memref<4x32xi32, #tpu.memory_space<vmem>> -> memref<1x32xi32, #tpu.memory_space<vmem>>
      %dma_wait3A_189 = tpu.memref_squeeze %dma_wait3A_188 : memref<1x32xi32, #tpu.memory_space<vmem>> -> memref<32xi32, #tpu.memory_space<vmem>>
      %dma_wait3A_190 = tpu.memref_slice %arg4[%run_scoped3A_16, %add3A_15] : memref<2x2048xi32, #tpu.memory_space<hbm>> -> memref<1x32xi32, #tpu.memory_space<hbm>>
      %dma_wait3A_191 = tpu.memref_squeeze %dma_wait3A_190 : memref<1x32xi32, #tpu.memory_space<hbm>> -> memref<32xi32, #tpu.memory_space<hbm>>
      %dma_wait3A_192 = arith.constant 0 : i32
      %dma_wait3A_193 = tpu.memref_slice %arg7[%run_scoped3A_17, %dma_wait3A_192] : memref<4x32xi32, #tpu.memory_space<vmem>> -> memref<1x32xi32, #tpu.memory_space<vmem>>
      %dma_wait3A_194 = tpu.memref_squeeze %dma_wait3A_193 : memref<1x32xi32, #tpu.memory_space<vmem>> -> memref<32xi32, #tpu.memory_space<vmem>>
      %dma_wait3A_195 = tpu.memref_slice %arg4[%run_scoped3A_16, %add3A_15] : memref<2x2048xi32, #tpu.memory_space<hbm>> -> memref<1x32xi32, #tpu.memory_space<hbm>>
      %dma_wait3A_196 = tpu.memref_squeeze %dma_wait3A_195 : memref<1x32xi32, #tpu.memory_space<hbm>> -> memref<32xi32, #tpu.memory_space<hbm>>
      tpu.wait_dma2 semaphore(%run_scoped3A_176 : memref<!tpu.dma_semaphore, #tpu.memory_space<semaphore_mem>>) src(%dma_wait3A_196 : memref<32xi32, #tpu.memory_space<hbm>>) dst(%dma_wait3A_194 : memref<32xi32, #tpu.memory_space<vmem>>)
      tpu.yield
    }) : () -> ()
    %run_scoped3A_18 = arith.constant 0 : i32
    %run_scoped3A_19 = arith.constant 0 : i32
    "tpu.region"() ({
      %run_scoped3A_176 = tpu.sem_alloc : memref<!tpu.dma_semaphore, #tpu.memory_space<semaphore_mem>>
      %dma_start3A_177 = arith.constant 0 : i32
      %dma_start3A_178 = arith.constant 0 : i32
      %dma_start3A_179 = tpu.memref_slice %arg9[%run_scoped3A_19, %dma_start3A_177, %dma_start3A_178] : memref<2x64x128xf32, #tpu.memory_space<vmem>> -> memref<1x64x128xf32, #tpu.memory_space<vmem>>
      %dma_start3A_180 = tpu.memref_squeeze %dma_start3A_179 : memref<1x64x128xf32, #tpu.memory_space<vmem>> -> memref<64x128xf32, #tpu.memory_space<vmem>>
      %dma_start3A_181 = arith.constant 0 : i32
      %dma_start3A_182 = tpu.memref_slice %arg3[%run_scoped3A_18, %mul3A_2, %dma_start3A_181] : memref<2x2048x128xf32, #tpu.memory_space<hbm>> -> memref<1x64x128xf32, #tpu.memory_space<hbm>>
      %dma_start3A_183 = tpu.memref_squeeze %dma_start3A_182 : memref<1x64x128xf32, #tpu.memory_space<hbm>> -> memref<64x128xf32, #tpu.memory_space<hbm>>
      %dma_start3A_184 = arith.constant 0 : i32
      %dma_start3A_185 = arith.constant 0 : i32
      %dma_start3A_186 = tpu.memref_slice %arg9[%run_scoped3A_19, %dma_start3A_184, %dma_start3A_185] : memref<2x64x128xf32, #tpu.memory_space<vmem>> -> memref<1x64x128xf32, #tpu.memory_space<vmem>>
      %dma_start3A_187 = tpu.memref_squeeze %dma_start3A_186 : memref<1x64x128xf32, #tpu.memory_space<vmem>> -> memref<64x128xf32, #tpu.memory_space<vmem>>
      %dma_start3A_188 = arith.constant 0 : i32
      %dma_start3A_189 = tpu.memref_slice %arg3[%run_scoped3A_18, %mul3A_2, %dma_start3A_188] : memref<2x2048x128xf32, #tpu.memory_space<hbm>> -> memref<1x64x128xf32, #tpu.memory_space<hbm>>
      %dma_start3A_190 = tpu.memref_squeeze %dma_start3A_189 : memref<1x64x128xf32, #tpu.memory_space<hbm>> -> memref<64x128xf32, #tpu.memory_space<hbm>>
      tpu.enqueue_dma source(%dma_start3A_190 : memref<64x128xf32, #tpu.memory_space<hbm>>) target(%dma_start3A_187 : memref<64x128xf32, #tpu.memory_space<vmem>>) target_semaphore(%run_scoped3A_176 : memref<!tpu.dma_semaphore, #tpu.memory_space<semaphore_mem>>)
      %dma_wait3A_191 = arith.constant 0 : i32
      %dma_wait3A_192 = arith.constant 0 : i32
      %dma_wait3A_193 = tpu.memref_slice %arg9[%run_scoped3A_19, %dma_wait3A_191, %dma_wait3A_192] : memref<2x64x128xf32, #tpu.memory_space<vmem>> -> memref<1x64x128xf32, #tpu.memory_space<vmem>>
      %dma_wait3A_194 = tpu.memref_squeeze %dma_wait3A_193 : memref<1x64x128xf32, #tpu.memory_space<vmem>> -> memref<64x128xf32, #tpu.memory_space<vmem>>
      %dma_wait3A_195 = arith.constant 0 : i32
      %dma_wait3A_196 = tpu.memref_slice %arg3[%run_scoped3A_18, %mul3A_2, %dma_wait3A_195] : memref<2x2048x128xf32, #tpu.memory_space<hbm>> -> memref<1x64x128xf32, #tpu.memory_space<hbm>>
      %dma_wait3A_197 = tpu.memref_squeeze %dma_wait3A_196 : memref<1x64x128xf32, #tpu.memory_space<hbm>> -> memref<64x128xf32, #tpu.memory_space<hbm>>
      %dma_wait3A_198 = arith.constant 0 : i32
      %dma_wait3A_199 = arith.constant 0 : i32
      %dma_wait3A_200 = tpu.memref_slice %arg9[%run_scoped3A_19, %dma_wait3A_198, %dma_wait3A_199] : memref<2x64x128xf32, #tpu.memory_space<vmem>> -> memref<1x64x128xf32, #tpu.memory_space<vmem>>
      %dma_wait3A_201 = tpu.memref_squeeze %dma_wait3A_200 : memref<1x64x128xf32, #tpu.memory_space<vmem>> -> memref<64x128xf32, #tpu.memory_space<vmem>>
      %dma_wait3A_202 = arith.constant 0 : i32
      %dma_wait3A_203 = tpu.memref_slice %arg3[%run_scoped3A_18, %mul3A_2, %dma_wait3A_202] : memref<2x2048x128xf32, #tpu.memory_space<hbm>> -> memref<1x64x128xf32, #tpu.memory_space<hbm>>
      %dma_wait3A_204 = tpu.memref_squeeze %dma_wait3A_203 : memref<1x64x128xf32, #tpu.memory_space<hbm>> -> memref<64x128xf32, #tpu.memory_space<hbm>>
      tpu.wait_dma2 semaphore(%run_scoped3A_176 : memref<!tpu.dma_semaphore, #tpu.memory_space<semaphore_mem>>) src(%dma_wait3A_204 : memref<64x128xf32, #tpu.memory_space<hbm>>) dst(%dma_wait3A_201 : memref<64x128xf32, #tpu.memory_space<vmem>>)
      tpu.yield
    }) : () -> ()
    %run_scoped3A_20 = arith.constant 1 : i32
    %run_scoped3A_21 = arith.constant 1 : i32
    "tpu.region"() ({
      %run_scoped3A_176 = tpu.sem_alloc : memref<!tpu.dma_semaphore, #tpu.memory_space<semaphore_mem>>
      %dma_start3A_177 = arith.constant 0 : i32
      %dma_start3A_178 = arith.constant 0 : i32
      %dma_start3A_179 = tpu.memref_slice %arg9[%run_scoped3A_21, %dma_start3A_177, %dma_start3A_178] : memref<2x64x128xf32, #tpu.memory_space<vmem>> -> memref<1x64x128xf32, #tpu.memory_space<vmem>>
      %dma_start3A_180 = tpu.memref_squeeze %dma_start3A_179 : memref<1x64x128xf32, #tpu.memory_space<vmem>> -> memref<64x128xf32, #tpu.memory_space<vmem>>
      %dma_start3A_181 = arith.constant 0 : i32
      %dma_start3A_182 = tpu.memref_slice %arg3[%run_scoped3A_20, %mul3A_2, %dma_start3A_181] : memref<2x2048x128xf32, #tpu.memory_space<hbm>> -> memref<1x64x128xf32, #tpu.memory_space<hbm>>
      %dma_start3A_183 = tpu.memref_squeeze %dma_start3A_182 : memref<1x64x128xf32, #tpu.memory_space<hbm>> -> memref<64x128xf32, #tpu.memory_space<hbm>>
      %dma_start3A_184 = arith.constant 0 : i32
      %dma_start3A_185 = arith.constant 0 : i32
      %dma_start3A_186 = tpu.memref_slice %arg9[%run_scoped3A_21, %dma_start3A_184, %dma_start3A_185] : memref<2x64x128xf32, #tpu.memory_space<vmem>> -> memref<1x64x128xf32, #tpu.memory_space<vmem>>
      %dma_start3A_187 = tpu.memref_squeeze %dma_start3A_186 : memref<1x64x128xf32, #tpu.memory_space<vmem>> -> memref<64x128xf32, #tpu.memory_space<vmem>>
      %dma_start3A_188 = arith.constant 0 : i32
      %dma_start3A_189 = tpu.memref_slice %arg3[%run_scoped3A_20, %mul3A_2, %dma_start3A_188] : memref<2x2048x128xf32, #tpu.memory_space<hbm>> -> memref<1x64x128xf32, #tpu.memory_space<hbm>>
      %dma_start3A_190 = tpu.memref_squeeze %dma_start3A_189 : memref<1x64x128xf32, #tpu.memory_space<hbm>> -> memref<64x128xf32, #tpu.memory_space<hbm>>
      tpu.enqueue_dma source(%dma_start3A_190 : memref<64x128xf32, #tpu.memory_space<hbm>>) target(%dma_start3A_187 : memref<64x128xf32, #tpu.memory_space<vmem>>) target_semaphore(%run_scoped3A_176 : memref<!tpu.dma_semaphore, #tpu.memory_space<semaphore_mem>>)
      %dma_wait3A_191 = arith.constant 0 : i32
      %dma_wait3A_192 = arith.constant 0 : i32
      %dma_wait3A_193 = tpu.memref_slice %arg9[%run_scoped3A_21, %dma_wait3A_191, %dma_wait3A_192] : memref<2x64x128xf32, #tpu.memory_space<vmem>> -> memref<1x64x128xf32, #tpu.memory_space<vmem>>
      %dma_wait3A_194 = tpu.memref_squeeze %dma_wait3A_193 : memref<1x64x128xf32, #tpu.memory_space<vmem>> -> memref<64x128xf32, #tpu.memory_space<vmem>>
      %dma_wait3A_195 = arith.constant 0 : i32
      %dma_wait3A_196 = tpu.memref_slice %arg3[%run_scoped3A_20, %mul3A_2, %dma_wait3A_195] : memref<2x2048x128xf32, #tpu.memory_space<hbm>> -> memref<1x64x128xf32, #tpu.memory_space<hbm>>
      %dma_wait3A_197 = tpu.memref_squeeze %dma_wait3A_196 : memref<1x64x128xf32, #tpu.memory_space<hbm>> -> memref<64x128xf32, #tpu.memory_space<hbm>>
      %dma_wait3A_198 = arith.constant 0 : i32
      %dma_wait3A_199 = arith.constant 0 : i32
      %dma_wait3A_200 = tpu.memref_slice %arg9[%run_scoped3A_21, %dma_wait3A_198, %dma_wait3A_199] : memref<2x64x128xf32, #tpu.memory_space<vmem>> -> memref<1x64x128xf32, #tpu.memory_space<vmem>>
      %dma_wait3A_201 = tpu.memref_squeeze %dma_wait3A_200 : memref<1x64x128xf32, #tpu.memory_space<vmem>> -> memref<64x128xf32, #tpu.memory_space<vmem>>
      %dma_wait3A_202 = arith.constant 0 : i32
      %dma_wait3A_203 = tpu.memref_slice %arg3[%run_scoped3A_20, %mul3A_2, %dma_wait3A_202] : memref<2x2048x128xf32, #tpu.memory_space<hbm>> -> memref<1x64x128xf32, #tpu.memory_space<hbm>>
      %dma_wait3A_204 = tpu.memref_squeeze %dma_wait3A_203 : memref<1x64x128xf32, #tpu.memory_space<hbm>> -> memref<64x128xf32, #tpu.memory_space<hbm>>
      tpu.wait_dma2 semaphore(%run_scoped3A_176 : memref<!tpu.dma_semaphore, #tpu.memory_space<semaphore_mem>>) src(%dma_wait3A_204 : memref<64x128xf32, #tpu.memory_space<hbm>>) dst(%dma_wait3A_201 : memref<64x128xf32, #tpu.memory_space<vmem>>)
      tpu.yield
    }) : () -> ()
    %dma_start3A = arith.constant 0 : i32
    %dma_start3A_22 = arith.constant 0 : i32
    %dma_start3A_23 = arith.constant 0 : i32
    %dma_start3A_24 = arith.constant 0 : i32
    %dma_start3A_25 = tpu.memref_slice %arg9[%dma_start3A, %dma_start3A_23, %dma_start3A_24] : memref<2x64x128xf32, #tpu.memory_space<vmem>> -> memref<1x32x128xf32, #tpu.memory_space<vmem>>
    %dma_start3A_26 = tpu.memref_squeeze %dma_start3A_25 : memref<1x32x128xf32, #tpu.memory_space<vmem>> -> memref<32x128xf32, #tpu.memory_space<vmem>>
    %dma_start3A_27 = arith.constant 0 : i32
    %dma_start3A_28 = tpu.memref_slice %arg7[%dma_start3A_22, %dma_start3A_27] : memref<4x32xi32, #tpu.memory_space<vmem>> -> memref<1x32xi32, #tpu.memory_space<vmem>>
    %dma_start3A_29 = tpu.memref_squeeze %dma_start3A_28 : memref<1x32xi32, #tpu.memory_space<vmem>> -> memref<32xi32, #tpu.memory_space<vmem>>
    %dma_start3A_30 = arith.constant 0 : i32
    %dma_start3A_31 = arith.constant 0 : i32
    %dma_start3A_32 = tpu.memref_slice %arg6[%dma_start3A_30, %dma_start3A_31] : memref<5120x128xf32, #tpu.memory_space<hbm>> -> memref<5120x128xf32, #tpu.memory_space<hbm>>
    tpu.enqueue_indirect_dma source(%dma_start3A_26 : memref<32x128xf32, #tpu.memory_space<vmem>>) target(%dma_start3A_32 : memref<5120x128xf32, #tpu.memory_space<hbm>>) offsets(%dma_start3A_29 : memref<32xi32, #tpu.memory_space<vmem>>) semaphore(%arg10 : memref<!tpu.dma_semaphore, #tpu.memory_space<semaphore_mem>>)
    %dma_start3A_33 = arith.constant 0 : i32
    %dma_start3A_34 = arith.constant 1 : i32
    %dma_start3A_35 = arith.constant 32 : i32
    %dma_start3A_36 = arith.constant 0 : i32
    %dma_start3A_37 = tpu.memref_slice %arg9[%dma_start3A_33, %dma_start3A_35, %dma_start3A_36] : memref<2x64x128xf32, #tpu.memory_space<vmem>> -> memref<1x32x128xf32, #tpu.memory_space<vmem>>
    %dma_start3A_38 = tpu.memref_squeeze %dma_start3A_37 : memref<1x32x128xf32, #tpu.memory_space<vmem>> -> memref<32x128xf32, #tpu.memory_space<vmem>>
    %dma_start3A_39 = arith.constant 0 : i32
    %dma_start3A_40 = tpu.memref_slice %arg7[%dma_start3A_34, %dma_start3A_39] : memref<4x32xi32, #tpu.memory_space<vmem>> -> memref<1x32xi32, #tpu.memory_space<vmem>>
    %dma_start3A_41 = tpu.memref_squeeze %dma_start3A_40 : memref<1x32xi32, #tpu.memory_space<vmem>> -> memref<32xi32, #tpu.memory_space<vmem>>
    %dma_start3A_42 = arith.constant 0 : i32
    %dma_start3A_43 = arith.constant 0 : i32
    %dma_start3A_44 = tpu.memref_slice %arg6[%dma_start3A_42, %dma_start3A_43] : memref<5120x128xf32, #tpu.memory_space<hbm>> -> memref<5120x128xf32, #tpu.memory_space<hbm>>
    tpu.enqueue_indirect_dma source(%dma_start3A_38 : memref<32x128xf32, #tpu.memory_space<vmem>>) target(%dma_start3A_44 : memref<5120x128xf32, #tpu.memory_space<hbm>>) offsets(%dma_start3A_41 : memref<32xi32, #tpu.memory_space<vmem>>) semaphore(%arg10 : memref<!tpu.dma_semaphore, #tpu.memory_space<semaphore_mem>>)
    %dma_start3A_45 = arith.constant 1 : i32
    %dma_start3A_46 = arith.constant 2 : i32
    %dma_start3A_47 = arith.constant 0 : i32
    %dma_start3A_48 = arith.constant 0 : i32
    %dma_start3A_49 = tpu.memref_slice %arg9[%dma_start3A_45, %dma_start3A_47, %dma_start3A_48] : memref<2x64x128xf32, #tpu.memory_space<vmem>> -> memref<1x32x128xf32, #tpu.memory_space<vmem>>
    %dma_start3A_50 = tpu.memref_squeeze %dma_start3A_49 : memref<1x32x128xf32, #tpu.memory_space<vmem>> -> memref<32x128xf32, #tpu.memory_space<vmem>>
    %dma_start3A_51 = arith.constant 0 : i32
    %dma_start3A_52 = tpu.memref_slice %arg7[%dma_start3A_46, %dma_start3A_51] : memref<4x32xi32, #tpu.memory_space<vmem>> -> memref<1x32xi32, #tpu.memory_space<vmem>>
    %dma_start3A_53 = tpu.memref_squeeze %dma_start3A_52 : memref<1x32xi32, #tpu.memory_space<vmem>> -> memref<32xi32, #tpu.memory_space<vmem>>
    %dma_start3A_54 = arith.constant 0 : i32
    %dma_start3A_55 = arith.constant 0 : i32
    %dma_start3A_56 = tpu.memref_slice %arg6[%dma_start3A_54, %dma_start3A_55] : memref<5120x128xf32, #tpu.memory_space<hbm>> -> memref<5120x128xf32, #tpu.memory_space<hbm>>
    tpu.enqueue_indirect_dma source(%dma_start3A_50 : memref<32x128xf32, #tpu.memory_space<vmem>>) target(%dma_start3A_56 : memref<5120x128xf32, #tpu.memory_space<hbm>>) offsets(%dma_start3A_53 : memref<32xi32, #tpu.memory_space<vmem>>) semaphore(%arg10 : memref<!tpu.dma_semaphore, #tpu.memory_space<semaphore_mem>>)
    %dma_start3A_57 = arith.constant 1 : i32
    %dma_start3A_58 = arith.constant 3 : i32
    %dma_start3A_59 = arith.constant 32 : i32
    %dma_start3A_60 = arith.constant 0 : i32
    %dma_start3A_61 = tpu.memref_slice %arg9[%dma_start3A_57, %dma_start3A_59, %dma_start3A_60] : memref<2x64x128xf32, #tpu.memory_space<vmem>> -> memref<1x32x128xf32, #tpu.memory_space<vmem>>
    %dma_start3A_62 = tpu.memref_squeeze %dma_start3A_61 : memref<1x32x128xf32, #tpu.memory_space<vmem>> -> memref<32x128xf32, #tpu.memory_space<vmem>>
    %dma_start3A_63 = arith.constant 0 : i32
    %dma_start3A_64 = tpu.memref_slice %arg7[%dma_start3A_58, %dma_start3A_63] : memref<4x32xi32, #tpu.memory_space<vmem>> -> memref<1x32xi32, #tpu.memory_space<vmem>>
    %dma_start3A_65 = tpu.memref_squeeze %dma_start3A_64 : memref<1x32xi32, #tpu.memory_space<vmem>> -> memref<32xi32, #tpu.memory_space<vmem>>
    %dma_start3A_66 = arith.constant 0 : i32
    %dma_start3A_67 = arith.constant 0 : i32
    %dma_start3A_68 = tpu.memref_slice %arg6[%dma_start3A_66, %dma_start3A_67] : memref<5120x128xf32, #tpu.memory_space<hbm>> -> memref<5120x128xf32, #tpu.memory_space<hbm>>
    tpu.enqueue_indirect_dma source(%dma_start3A_62 : memref<32x128xf32, #tpu.memory_space<vmem>>) target(%dma_start3A_68 : memref<5120x128xf32, #tpu.memory_space<hbm>>) offsets(%dma_start3A_65 : memref<32xi32, #tpu.memory_space<vmem>>) semaphore(%arg10 : memref<!tpu.dma_semaphore, #tpu.memory_space<semaphore_mem>>)
    %dma_wait3A = arith.constant 0 : i32
    %dma_wait3A_69 = arith.constant 0 : i32
    %dma_wait3A_70 = arith.constant 0 : i32
    %dma_wait3A_71 = arith.constant 0 : i32
    %dma_wait3A_72 = tpu.memref_slice %arg9[%dma_wait3A, %dma_wait3A_70, %dma_wait3A_71] : memref<2x64x128xf32, #tpu.memory_space<vmem>> -> memref<1x32x128xf32, #tpu.memory_space<vmem>>
    %dma_wait3A_73 = tpu.memref_squeeze %dma_wait3A_72 : memref<1x32x128xf32, #tpu.memory_space<vmem>> -> memref<32x128xf32, #tpu.memory_space<vmem>>
    %dma_wait3A_74 = arith.constant 0 : i32
    %dma_wait3A_75 = tpu.memref_slice %arg7[%dma_wait3A_69, %dma_wait3A_74] : memref<4x32xi32, #tpu.memory_space<vmem>> -> memref<1x32xi32, #tpu.memory_space<vmem>>
    %dma_wait3A_76 = tpu.memref_squeeze %dma_wait3A_75 : memref<1x32xi32, #tpu.memory_space<vmem>> -> memref<32xi32, #tpu.memory_space<vmem>>
    %dma_wait3A_77 = arith.constant 0 : i32
    %dma_wait3A_78 = arith.constant 0 : i32
    %dma_wait3A_79 = tpu.memref_slice %arg6[%dma_wait3A_77, %dma_wait3A_78] : memref<5120x128xf32, #tpu.memory_space<hbm>> -> memref<5120x128xf32, #tpu.memory_space<hbm>>
    tpu.wait_indirect_dma semaphore(%arg10 : memref<!tpu.dma_semaphore, #tpu.memory_space<semaphore_mem>>) src(%dma_wait3A_73 : memref<32x128xf32, #tpu.memory_space<vmem>>) dst(%dma_wait3A_79 : memref<5120x128xf32, #tpu.memory_space<hbm>>)
    %dma_wait3A_80 = arith.constant 0 : i32
    %dma_wait3A_81 = arith.constant 1 : i32
    %dma_wait3A_82 = arith.constant 32 : i32
    %dma_wait3A_83 = arith.constant 0 : i32
    %dma_wait3A_84 = tpu.memref_slice %arg9[%dma_wait3A_80, %dma_wait3A_82, %dma_wait3A_83] : memref<2x64x128xf32, #tpu.memory_space<vmem>> -> memref<1x32x128xf32, #tpu.memory_space<vmem>>
    %dma_wait3A_85 = tpu.memref_squeeze %dma_wait3A_84 : memref<1x32x128xf32, #tpu.memory_space<vmem>> -> memref<32x128xf32, #tpu.memory_space<vmem>>
    %dma_wait3A_86 = arith.constant 0 : i32
    %dma_wait3A_87 = tpu.memref_slice %arg7[%dma_wait3A_81, %dma_wait3A_86] : memref<4x32xi32, #tpu.memory_space<vmem>> -> memref<1x32xi32, #tpu.memory_space<vmem>>
    %dma_wait3A_88 = tpu.memref_squeeze %dma_wait3A_87 : memref<1x32xi32, #tpu.memory_space<vmem>> -> memref<32xi32, #tpu.memory_space<vmem>>
    %dma_wait3A_89 = arith.constant 0 : i32
    %dma_wait3A_90 = arith.constant 0 : i32
    %dma_wait3A_91 = tpu.memref_slice %arg6[%dma_wait3A_89, %dma_wait3A_90] : memref<5120x128xf32, #tpu.memory_space<hbm>> -> memref<5120x128xf32, #tpu.memory_space<hbm>>
    tpu.wait_indirect_dma semaphore(%arg10 : memref<!tpu.dma_semaphore, #tpu.memory_space<semaphore_mem>>) src(%dma_wait3A_85 : memref<32x128xf32, #tpu.memory_space<vmem>>) dst(%dma_wait3A_91 : memref<5120x128xf32, #tpu.memory_space<hbm>>)
    %dma_wait3A_92 = arith.constant 1 : i32
    %dma_wait3A_93 = arith.constant 2 : i32
    %dma_wait3A_94 = arith.constant 0 : i32
    %dma_wait3A_95 = arith.constant 0 : i32
    %dma_wait3A_96 = tpu.memref_slice %arg9[%dma_wait3A_92, %dma_wait3A_94, %dma_wait3A_95] : memref<2x64x128xf32, #tpu.memory_space<vmem>> -> memref<1x32x128xf32, #tpu.memory_space<vmem>>
    %dma_wait3A_97 = tpu.memref_squeeze %dma_wait3A_96 : memref<1x32x128xf32, #tpu.memory_space<vmem>> -> memref<32x128xf32, #tpu.memory_space<vmem>>
    %dma_wait3A_98 = arith.constant 0 : i32
    %dma_wait3A_99 = tpu.memref_slice %arg7[%dma_wait3A_93, %dma_wait3A_98] : memref<4x32xi32, #tpu.memory_space<vmem>> -> memref<1x32xi32, #tpu.memory_space<vmem>>
    %dma_wait3A_100 = tpu.memref_squeeze %dma_wait3A_99 : memref<1x32xi32, #tpu.memory_space<vmem>> -> memref<32xi32, #tpu.memory_space<vmem>>
    %dma_wait3A_101 = arith.constant 0 : i32
    %dma_wait3A_102 = arith.constant 0 : i32
    %dma_wait3A_103 = tpu.memref_slice %arg6[%dma_wait3A_101, %dma_wait3A_102] : memref<5120x128xf32, #tpu.memory_space<hbm>> -> memref<5120x128xf32, #tpu.memory_space<hbm>>
    tpu.wait_indirect_dma semaphore(%arg10 : memref<!tpu.dma_semaphore, #tpu.memory_space<semaphore_mem>>) src(%dma_wait3A_97 : memref<32x128xf32, #tpu.memory_space<vmem>>) dst(%dma_wait3A_103 : memref<5120x128xf32, #tpu.memory_space<hbm>>)
    %dma_wait3A_104 = arith.constant 1 : i32
    %dma_wait3A_105 = arith.constant 3 : i32
    %dma_wait3A_106 = arith.constant 32 : i32
    %dma_wait3A_107 = arith.constant 0 : i32
    %dma_wait3A_108 = tpu.memref_slice %arg9[%dma_wait3A_104, %dma_wait3A_106, %dma_wait3A_107] : memref<2x64x128xf32, #tpu.memory_space<vmem>> -> memref<1x32x128xf32, #tpu.memory_space<vmem>>
    %dma_wait3A_109 = tpu.memref_squeeze %dma_wait3A_108 : memref<1x32x128xf32, #tpu.memory_space<vmem>> -> memref<32x128xf32, #tpu.memory_space<vmem>>
    %dma_wait3A_110 = arith.constant 0 : i32
    %dma_wait3A_111 = tpu.memref_slice %arg7[%dma_wait3A_105, %dma_wait3A_110] : memref<4x32xi32, #tpu.memory_space<vmem>> -> memref<1x32xi32, #tpu.memory_space<vmem>>
    %dma_wait3A_112 = tpu.memref_squeeze %dma_wait3A_111 : memref<1x32xi32, #tpu.memory_space<vmem>> -> memref<32xi32, #tpu.memory_space<vmem>>
    %dma_wait3A_113 = arith.constant 0 : i32
    %dma_wait3A_114 = arith.constant 0 : i32
    %dma_wait3A_115 = tpu.memref_slice %arg6[%dma_wait3A_113, %dma_wait3A_114] : memref<5120x128xf32, #tpu.memory_space<hbm>> -> memref<5120x128xf32, #tpu.memory_space<hbm>>
    tpu.wait_indirect_dma semaphore(%arg10 : memref<!tpu.dma_semaphore, #tpu.memory_space<semaphore_mem>>) src(%dma_wait3A_109 : memref<32x128xf32, #tpu.memory_space<vmem>>) dst(%dma_wait3A_115 : memref<5120x128xf32, #tpu.memory_space<hbm>>)
    %add3A_116 = arith.constant 0 : i32
    %add3A_117 = arith.addi %mul3A_2, %add3A_116 : i32
    "tpu.region"() ({
      %run_scoped3A_176 = tpu.sem_alloc : memref<!tpu.dma_semaphore, #tpu.memory_space<semaphore_mem>>
      %dma_start3A_177 = arith.constant 0 : i32
      %dma_start3A_178 = tpu.memref_slice %arg2[%add3A_117, %dma_start3A_177] : memref<2048x2048xf32, #tpu.memory_space<hbm>> -> memref<32x2048xf32, #tpu.memory_space<hbm>>
      %dma_start3A_179 = arith.constant 0 : i32
      %dma_start3A_180 = tpu.memref_slice %arg2[%add3A_117, %dma_start3A_179] : memref<2048x2048xf32, #tpu.memory_space<hbm>> -> memref<32x2048xf32, #tpu.memory_space<hbm>>
      tpu.enqueue_dma source(%dma_start3A_180 : memref<32x2048xf32, #tpu.memory_space<hbm>>) target(%arg8 : memref<32x2048xf32, #tpu.memory_space<vmem>>) target_semaphore(%run_scoped3A_176 : memref<!tpu.dma_semaphore, #tpu.memory_space<semaphore_mem>>)
      %dma_wait3A_181 = arith.constant 0 : i32
      %dma_wait3A_182 = tpu.memref_slice %arg2[%add3A_117, %dma_wait3A_181] : memref<2048x2048xf32, #tpu.memory_space<hbm>> -> memref<32x2048xf32, #tpu.memory_space<hbm>>
      %dma_wait3A_183 = arith.constant 0 : i32
      %dma_wait3A_184 = tpu.memref_slice %arg2[%add3A_117, %dma_wait3A_183] : memref<2048x2048xf32, #tpu.memory_space<hbm>> -> memref<32x2048xf32, #tpu.memory_space<hbm>>
      tpu.wait_dma2 semaphore(%run_scoped3A_176 : memref<!tpu.dma_semaphore, #tpu.memory_space<semaphore_mem>>) src(%dma_wait3A_184 : memref<32x2048xf32, #tpu.memory_space<hbm>>) dst(%arg8 : memref<32x2048xf32, #tpu.memory_space<vmem>>)
      tpu.yield
    }) : () -> ()
    %dma_start3A_118 = arith.constant 0 : i32
    %dma_start3A_119 = arith.constant 0 : i32
    %dma_start3A_120 = tpu.memref_slice %arg7[%dma_start3A_118, %dma_start3A_119] : memref<4x32xi32, #tpu.memory_space<vmem>> -> memref<1x32xi32, #tpu.memory_space<vmem>>
    %dma_start3A_121 = tpu.memref_squeeze %dma_start3A_120 : memref<1x32xi32, #tpu.memory_space<vmem>> -> memref<32xi32, #tpu.memory_space<vmem>>
    %dma_start3A_122 = arith.constant 0 : i32
    %dma_start3A_123 = arith.constant 0 : i32
    %dma_start3A_124 = tpu.memref_slice %arg5[%dma_start3A_122, %dma_start3A_123] : memref<5120x2048xf32, #tpu.memory_space<hbm>> -> memref<5120x2048xf32, #tpu.memory_space<hbm>>
    tpu.enqueue_indirect_dma source(%arg8 : memref<32x2048xf32, #tpu.memory_space<vmem>>) target(%dma_start3A_124 : memref<5120x2048xf32, #tpu.memory_space<hbm>>) offsets(%dma_start3A_121 : memref<32xi32, #tpu.memory_space<vmem>>) semaphore(%arg10 : memref<!tpu.dma_semaphore, #tpu.memory_space<semaphore_mem>>)
    %dma_start3A_125 = arith.constant 2 : i32
    %dma_start3A_126 = arith.constant 0 : i32
    %dma_start3A_127 = tpu.memref_slice %arg7[%dma_start3A_125, %dma_start3A_126] : memref<4x32xi32, #tpu.memory_space<vmem>> -> memref<1x32xi32, #tpu.memory_space<vmem>>
    %dma_start3A_128 = tpu.memref_squeeze %dma_start3A_127 : memref<1x32xi32, #tpu.memory_space<vmem>> -> memref<32xi32, #tpu.memory_space<vmem>>
    %dma_start3A_129 = arith.constant 0 : i32
    %dma_start3A_130 = arith.constant 0 : i32
    %dma_start3A_131 = tpu.memref_slice %arg5[%dma_start3A_129, %dma_start3A_130] : memref<5120x2048xf32, #tpu.memory_space<hbm>> -> memref<5120x2048xf32, #tpu.memory_space<hbm>>
    tpu.enqueue_indirect_dma source(%arg8 : memref<32x2048xf32, #tpu.memory_space<vmem>>) target(%dma_start3A_131 : memref<5120x2048xf32, #tpu.memory_space<hbm>>) offsets(%dma_start3A_128 : memref<32xi32, #tpu.memory_space<vmem>>) semaphore(%arg10 : memref<!tpu.dma_semaphore, #tpu.memory_space<semaphore_mem>>)
    %dma_wait3A_132 = arith.constant 0 : i32
    %dma_wait3A_133 = arith.constant 0 : i32
    %dma_wait3A_134 = tpu.memref_slice %arg7[%dma_wait3A_132, %dma_wait3A_133] : memref<4x32xi32, #tpu.memory_space<vmem>> -> memref<1x32xi32, #tpu.memory_space<vmem>>
    %dma_wait3A_135 = tpu.memref_squeeze %dma_wait3A_134 : memref<1x32xi32, #tpu.memory_space<vmem>> -> memref<32xi32, #tpu.memory_space<vmem>>
    %dma_wait3A_136 = arith.constant 0 : i32
    %dma_wait3A_137 = arith.constant 0 : i32
    %dma_wait3A_138 = tpu.memref_slice %arg5[%dma_wait3A_136, %dma_wait3A_137] : memref<5120x2048xf32, #tpu.memory_space<hbm>> -> memref<5120x2048xf32, #tpu.memory_space<hbm>>
    tpu.wait_indirect_dma semaphore(%arg10 : memref<!tpu.dma_semaphore, #tpu.memory_space<semaphore_mem>>) src(%arg8 : memref<32x2048xf32, #tpu.memory_space<vmem>>) dst(%dma_wait3A_138 : memref<5120x2048xf32, #tpu.memory_space<hbm>>)
    %dma_wait3A_139 = arith.constant 2 : i32
    %dma_wait3A_140 = arith.constant 0 : i32
    %dma_wait3A_141 = tpu.memref_slice %arg7[%dma_wait3A_139, %dma_wait3A_140] : memref<4x32xi32, #tpu.memory_space<vmem>> -> memref<1x32xi32, #tpu.memory_space<vmem>>
    %dma_wait3A_142 = tpu.memref_squeeze %dma_wait3A_141 : memref<1x32xi32, #tpu.memory_space<vmem>> -> memref<32xi32, #tpu.memory_space<vmem>>
    %dma_wait3A_143 = arith.constant 0 : i32
    %dma_wait3A_144 = arith.constant 0 : i32
    %dma_wait3A_145 = tpu.memref_slice %arg5[%dma_wait3A_143, %dma_wait3A_144] : memref<5120x2048xf32, #tpu.memory_space<hbm>> -> memref<5120x2048xf32, #tpu.memory_space<hbm>>
    tpu.wait_indirect_dma semaphore(%arg10 : memref<!tpu.dma_semaphore, #tpu.memory_space<semaphore_mem>>) src(%arg8 : memref<32x2048xf32, #tpu.memory_space<vmem>>) dst(%dma_wait3A_145 : memref<5120x2048xf32, #tpu.memory_space<hbm>>)
    %add3A_146 = arith.constant 32 : i32
    %add3A_147 = arith.addi %mul3A_2, %add3A_146 : i32
    "tpu.region"() ({
      %run_scoped3A_176 = tpu.sem_alloc : memref<!tpu.dma_semaphore, #tpu.memory_space<semaphore_mem>>
      %dma_start3A_177 = arith.constant 0 : i32
      %dma_start3A_178 = tpu.memref_slice %arg2[%add3A_147, %dma_start3A_177] : memref<2048x2048xf32, #tpu.memory_space<hbm>> -> memref<32x2048xf32, #tpu.memory_space<hbm>>
      %dma_start3A_179 = arith.constant 0 : i32
      %dma_start3A_180 = tpu.memref_slice %arg2[%add3A_147, %dma_start3A_179] : memref<2048x2048xf32, #tpu.memory_space<hbm>> -> memref<32x2048xf32, #tpu.memory_space<hbm>>
      tpu.enqueue_dma source(%dma_start3A_180 : memref<32x2048xf32, #tpu.memory_space<hbm>>) target(%arg8 : memref<32x2048xf32, #tpu.memory_space<vmem>>) target_semaphore(%run_scoped3A_176 : memref<!tpu.dma_semaphore, #tpu.memory_space<semaphore_mem>>)
      %dma_wait3A_181 = arith.constant 0 : i32
      %dma_wait3A_182 = tpu.memref_slice %arg2[%add3A_147, %dma_wait3A_181] : memref<2048x2048xf32, #tpu.memory_space<hbm>> -> memref<32x2048xf32, #tpu.memory_space<hbm>>
      %dma_wait3A_183 = arith.constant 0 : i32
      %dma_wait3A_184 = tpu.memref_slice %arg2[%add3A_147, %dma_wait3A_183] : memref<2048x2048xf32, #tpu.memory_space<hbm>> -> memref<32x2048xf32, #tpu.memory_space<hbm>>
      tpu.wait_dma2 semaphore(%run_scoped3A_176 : memref<!tpu.dma_semaphore, #tpu.memory_space<semaphore_mem>>) src(%dma_wait3A_184 : memref<32x2048xf32, #tpu.memory_space<hbm>>) dst(%arg8 : memref<32x2048xf32, #tpu.memory_space<vmem>>)
      tpu.yield
    }) : () -> ()
    %dma_start3A_148 = arith.constant 1 : i32
    %dma_start3A_149 = arith.constant 0 : i32
    %dma_start3A_150 = tpu.memref_slice %arg7[%dma_start3A_148, %dma_start3A_149] : memref<4x32xi32, #tpu.memory_space<vmem>> -> memref<1x32xi32, #tpu.memory_space<vmem>>
    %dma_start3A_151 = tpu.memref_squeeze %dma_start3A_150 : memref<1x32xi32, #tpu.memory_space<vmem>> -> memref<32xi32, #tpu.memory_space<vmem>>
    %dma_start3A_152 = arith.constant 0 : i32
    %dma_start3A_153 = arith.constant 0 : i32
    %dma_start3A_154 = tpu.memref_slice %arg5[%dma_start3A_152, %dma_start3A_153] : memref<5120x2048xf32, #tpu.memory_space<hbm>> -> memref<5120x2048xf32, #tpu.memory_space<hbm>>
    tpu.enqueue_indirect_dma source(%arg8 : memref<32x2048xf32, #tpu.memory_space<vmem>>) target(%dma_start3A_154 : memref<5120x2048xf32, #tpu.memory_space<hbm>>) offsets(%dma_start3A_151 : memref<32xi32, #tpu.memory_space<vmem>>) semaphore(%arg10 : memref<!tpu.dma_semaphore, #tpu.memory_space<semaphore_mem>>)
    %dma_start3A_155 = arith.constant 3 : i32
    %dma_start3A_156 = arith.constant 0 : i32
    %dma_start3A_157 = tpu.memref_slice %arg7[%dma_start3A_155, %dma_start3A_156] : memref<4x32xi32, #tpu.memory_space<vmem>> -> memref<1x32xi32, #tpu.memory_space<vmem>>
    %dma_start3A_158 = tpu.memref_squeeze %dma_start3A_157 : memref<1x32xi32, #tpu.memory_space<vmem>> -> memref<32xi32, #tpu.memory_space<vmem>>
    %dma_start3A_159 = arith.constant 0 : i32
    %dma_start3A_160 = arith.constant 0 : i32
    %dma_start3A_161 = tpu.memref_slice %arg5[%dma_start3A_159, %dma_start3A_160] : memref<5120x2048xf32, #tpu.memory_space<hbm>> -> memref<5120x2048xf32, #tpu.memory_space<hbm>>
    tpu.enqueue_indirect_dma source(%arg8 : memref<32x2048xf32, #tpu.memory_space<vmem>>) target(%dma_start3A_161 : memref<5120x2048xf32, #tpu.memory_space<hbm>>) offsets(%dma_start3A_158 : memref<32xi32, #tpu.memory_space<vmem>>) semaphore(%arg10 : memref<!tpu.dma_semaphore, #tpu.memory_space<semaphore_mem>>)
    %dma_wait3A_162 = arith.constant 1 : i32
    %dma_wait3A_163 = arith.constant 0 : i32
    %dma_wait3A_164 = tpu.memref_slice %arg7[%dma_wait3A_162, %dma_wait3A_163] : memref<4x32xi32, #tpu.memory_space<vmem>> -> memref<1x32xi32, #tpu.memory_space<vmem>>
    %dma_wait3A_165 = tpu.memref_squeeze %dma_wait3A_164 : memref<1x32xi32, #tpu.memory_space<vmem>> -> memref<32xi32, #tpu.memory_space<vmem>>
    %dma_wait3A_166 = arith.constant 0 : i32
    %dma_wait3A_167 = arith.constant 0 : i32
    %dma_wait3A_168 = tpu.memref_slice %arg5[%dma_wait3A_166, %dma_wait3A_167] : memref<5120x2048xf32, #tpu.memory_space<hbm>> -> memref<5120x2048xf32, #tpu.memory_space<hbm>>
    tpu.wait_indirect_dma semaphore(%arg10 : memref<!tpu.dma_semaphore, #tpu.memory_space<semaphore_mem>>) src(%arg8 : memref<32x2048xf32, #tpu.memory_space<vmem>>) dst(%dma_wait3A_168 : memref<5120x2048xf32, #tpu.memory_space<hbm>>)
    %dma_wait3A_169 = arith.constant 3 : i32
    %dma_wait3A_170 = arith.constant 0 : i32
    %dma_wait3A_171 = tpu.memref_slice %arg7[%dma_wait3A_169, %dma_wait3A_170] : memref<4x32xi32, #tpu.memory_space<vmem>> -> memref<1x32xi32, #tpu.memory_space<vmem>>
    %dma_wait3A_172 = tpu.memref_squeeze %dma_wait3A_171 : memref<1x32xi32, #tpu.memory_space<vmem>> -> memref<32xi32, #tpu.memory_space<vmem>>
    %dma_wait3A_173 = arith.constant 0 : i32
    %dma_wait3A_174 = arith.constant 0 : i32
    %dma_wait3A_175 = tpu.memref_slice %arg5[%dma_wait3A_173, %dma_wait3A_174] : memref<5120x2048xf32, #tpu.memory_space<hbm>> -> memref<5120x2048xf32, #tpu.memory_space<hbm>>
    tpu.wait_indirect_dma semaphore(%arg10 : memref<!tpu.dma_semaphore, #tpu.memory_space<semaphore_mem>>) src(%arg8 : memref<32x2048xf32, #tpu.memory_space<vmem>>) dst(%dma_wait3A_175 : memref<5120x2048xf32, #tpu.memory_space<hbm>>)
    return
  }
}

module attributes {stable_mosaic.version = 14 : i64} {
  func.func @_cast_kernel(%arg0: i32, %arg1: memref<1x256x2048xf32, #tpu.memory_space<vmem>>, %arg2: memref<1x256x2048xf32, #tpu.memory_space<vmem>>, %arg3: memref<1x512x1024xf32, #tpu.memory_space<vmem>>, %arg4: memref<256x2048xf32, #tpu.memory_space<vmem>>, %arg5: memref<256x2048xf32, #tpu.memory_space<vmem>>, %arg6: memref<256x2048xf32, #tpu.memory_space<vmem>>, %arg7: memref<1x256x2048xbf16, #tpu.memory_space<vmem>>, %arg8: memref<1x256x2048xbf16, #tpu.memory_space<vmem>>, %arg9: memref<1x512x1024xbf16, #tpu.memory_space<vmem>>, %arg10: memref<256x2048xbf16, #tpu.memory_space<vmem>>, %arg11: memref<256x2048xbf16, #tpu.memory_space<vmem>>, %arg12: memref<256x2048xbf16, #tpu.memory_space<vmem>>) attributes {dimension_semantics = [#tpu.dimension_semantics<arbitrary>], iteration_bounds = array<i64: 24>, scalar_prefetch = 0 : i64, scratch_operands = 0 : i64, tpu.core_type = #tpu.core_type<tc>, window_params = [{transform_indices = @transform_0, window_bounds = array<i64: 1, 256, 2048>}, {transform_indices = @transform_1, window_bounds = array<i64: 1, 256, 2048>}, {transform_indices = @transform_2, window_bounds = array<i64: 1, 512, 1024>}, {transform_indices = @transform_3, window_bounds = array<i64: 256, 2048>}, {transform_indices = @transform_4, window_bounds = array<i64: 256, 2048>}, {transform_indices = @transform_5, window_bounds = array<i64: 256, 2048>}, {transform_indices = @transform_6, window_bounds = array<i64: 1, 256, 2048>}, {transform_indices = @transform_7, window_bounds = array<i64: 1, 256, 2048>}, {transform_indices = @transform_8, window_bounds = array<i64: 1, 512, 1024>}, {transform_indices = @transform_9, window_bounds = array<i64: 256, 2048>}, {transform_indices = @transform_10, window_bounds = array<i64: 256, 2048>}, {transform_indices = @transform_11, window_bounds = array<i64: 256, 2048>}]} {
    %get3A = arith.constant 0 : index
    %get3A_0 = arith.constant 0 : index
    %get3A_1 = arith.constant 0 : index
    %get3A_2 = vector.load %arg1[%get3A, %get3A_0, %get3A_1] : memref<1x256x2048xf32, #tpu.memory_space<vmem>>, vector<1x256x2048xf32>
    %convert_element_type3A = arith.truncf %get3A_2 : vector<1x256x2048xf32> to vector<1x256x2048xbf16>
    %swap3A = arith.constant 0 : index
    %swap3A_3 = arith.constant 0 : index
    %swap3A_4 = arith.constant 0 : index
    %swap3A_5 = vector.load %arg7[%swap3A, %swap3A_3, %swap3A_4] : memref<1x256x2048xbf16, #tpu.memory_space<vmem>>, vector<1x256x2048xbf16>
    tpu.vector_store %arg7[%swap3A, %swap3A_3, %swap3A_4], %convert_element_type3A {strides = array<i32>} : memref<1x256x2048xbf16, #tpu.memory_space<vmem>>, vector<1x256x2048xbf16>,
    %get3A_6 = arith.constant 0 : index
    %get3A_7 = arith.constant 0 : index
    %get3A_8 = arith.constant 0 : index
    %get3A_9 = vector.load %arg2[%get3A_6, %get3A_7, %get3A_8] : memref<1x256x2048xf32, #tpu.memory_space<vmem>>, vector<1x256x2048xf32>
    %convert_element_type3A_10 = arith.truncf %get3A_9 : vector<1x256x2048xf32> to vector<1x256x2048xbf16>
    %swap3A_11 = arith.constant 0 : index
    %swap3A_12 = arith.constant 0 : index
    %swap3A_13 = arith.constant 0 : index
    %swap3A_14 = vector.load %arg8[%swap3A_11, %swap3A_12, %swap3A_13] : memref<1x256x2048xbf16, #tpu.memory_space<vmem>>, vector<1x256x2048xbf16>
    tpu.vector_store %arg8[%swap3A_11, %swap3A_12, %swap3A_13], %convert_element_type3A_10 {strides = array<i32>} : memref<1x256x2048xbf16, #tpu.memory_space<vmem>>, vector<1x256x2048xbf16>,
    %get3A_15 = arith.constant 0 : index
    %get3A_16 = arith.constant 0 : index
    %get3A_17 = arith.constant 0 : index
    %get3A_18 = vector.load %arg3[%get3A_15, %get3A_16, %get3A_17] : memref<1x512x1024xf32, #tpu.memory_space<vmem>>, vector<1x512x1024xf32>
    %convert_element_type3A_19 = arith.truncf %get3A_18 : vector<1x512x1024xf32> to vector<1x512x1024xbf16>
    %swap3A_20 = arith.constant 0 : index
    %swap3A_21 = arith.constant 0 : index
    %swap3A_22 = arith.constant 0 : index
    %swap3A_23 = vector.load %arg9[%swap3A_20, %swap3A_21, %swap3A_22] : memref<1x512x1024xbf16, #tpu.memory_space<vmem>>, vector<1x512x1024xbf16>
    tpu.vector_store %arg9[%swap3A_20, %swap3A_21, %swap3A_22], %convert_element_type3A_19 {strides = array<i32>} : memref<1x512x1024xbf16, #tpu.memory_space<vmem>>, vector<1x512x1024xbf16>,
    %get3A_24 = arith.constant 0 : index
    %get3A_25 = arith.constant 0 : index
    %get3A_26 = vector.load %arg4[%get3A_24, %get3A_25] : memref<256x2048xf32, #tpu.memory_space<vmem>>, vector<256x2048xf32>
    %convert_element_type3A_27 = arith.truncf %get3A_26 : vector<256x2048xf32> to vector<256x2048xbf16>
    %swap3A_28 = arith.constant 0 : index
    %swap3A_29 = arith.constant 0 : index
    %swap3A_30 = vector.load %arg10[%swap3A_28, %swap3A_29] : memref<256x2048xbf16, #tpu.memory_space<vmem>>, vector<256x2048xbf16>
    tpu.vector_store %arg10[%swap3A_28, %swap3A_29], %convert_element_type3A_27 {strides = array<i32>} : memref<256x2048xbf16, #tpu.memory_space<vmem>>, vector<256x2048xbf16>,
    %get3A_31 = arith.constant 0 : index
    %get3A_32 = arith.constant 0 : index
    %get3A_33 = vector.load %arg5[%get3A_31, %get3A_32] : memref<256x2048xf32, #tpu.memory_space<vmem>>, vector<256x2048xf32>
    %convert_element_type3A_34 = arith.truncf %get3A_33 : vector<256x2048xf32> to vector<256x2048xbf16>
    %swap3A_35 = arith.constant 0 : index
    %swap3A_36 = arith.constant 0 : index
    %swap3A_37 = vector.load %arg11[%swap3A_35, %swap3A_36] : memref<256x2048xbf16, #tpu.memory_space<vmem>>, vector<256x2048xbf16>
    tpu.vector_store %arg11[%swap3A_35, %swap3A_36], %convert_element_type3A_34 {strides = array<i32>} : memref<256x2048xbf16, #tpu.memory_space<vmem>>, vector<256x2048xbf16>,
    %get3A_38 = arith.constant 0 : index
    %get3A_39 = arith.constant 0 : index
    %get3A_40 = vector.load %arg6[%get3A_38, %get3A_39] : memref<256x2048xf32, #tpu.memory_space<vmem>>, vector<256x2048xf32>
    %convert_element_type3A_41 = arith.truncf %get3A_40 : vector<256x2048xf32> to vector<256x2048xbf16>
    %swap3A_42 = arith.constant 0 : index
    %swap3A_43 = arith.constant 0 : index
    %swap3A_44 = vector.load %arg12[%swap3A_42, %swap3A_43] : memref<256x2048xbf16, #tpu.memory_space<vmem>>, vector<256x2048xbf16>
    tpu.vector_store %arg12[%swap3A_42, %swap3A_43], %convert_element_type3A_41 {strides = array<i32>} : memref<256x2048xbf16, #tpu.memory_space<vmem>>, vector<256x2048xbf16>,
    return
  }
  func.func @transform_0(%arg0: i32) -> (i32, i32, i32) {
    %min3A = arith.constant 15 : i32
    %min3A_0 = arith.minsi %arg0, %min3A : i32
    %jit3A = arith.constant 4 : i32
    %div3A = arith.divsi %min3A_0, %jit3A : i32
    %sign3A = arith.constant 0 : i32
    %sign3A_1 = arith.cmpi sgt, %min3A_0, %sign3A : i32
    %sign3A_2 = arith.extui %sign3A_1 : i1 to i32
    %sign3A_3 = arith.constant 0 : i32
    %sign3A_4 = arith.cmpi slt, %min3A_0, %sign3A_3 : i32
    %sign3A_5 = arith.extui %sign3A_4 : i1 to i32
    %sign3A_6 = arith.subi %sign3A_2, %sign3A_5 : i32
    %sign3A_7 = arith.constant 0 : i32
    %sign3A_8 = arith.cmpi sgt, %jit3A, %sign3A_7 : i32
    %sign3A_9 = arith.extui %sign3A_8 : i1 to i32
    %sign3A_10 = arith.constant 0 : i32
    %sign3A_11 = arith.cmpi slt, %jit3A, %sign3A_10 : i32
    %sign3A_12 = arith.extui %sign3A_11 : i1 to i32
    %sign3A_13 = arith.subi %sign3A_9, %sign3A_12 : i32
    %ne3A = arith.cmpi ne, %sign3A_6, %sign3A_13 : i32
    %rem3A = arith.remsi %min3A_0, %jit3A : i32
    %ne3A_14 = arith.constant 0 : i32
    %ne3A_15 = arith.cmpi ne, %rem3A, %ne3A_14 : i32
    %and3A = arith.andi %ne3A, %ne3A_15 : i1
    %sub3A = arith.constant 1 : i32
    %sub3A_16 = arith.subi %div3A, %sub3A : i32
    %select_n3A = arith.select %and3A, %sub3A_16, %div3A : i32
    %jit3A_17 = arith.constant 4 : i32
    %eq3A = arith.constant 0 : i32
    %eq3A_18 = arith.cmpi eq, %jit3A_17, %eq3A : i32
    %jit3A_19 = arith.constant 1 : i32
    %select_n3A_20 = arith.select %eq3A_18, %jit3A_19, %jit3A_17 : i32
    %rem3A_21 = arith.remsi %min3A_0, %select_n3A_20 : i32
    %ne3A_22 = arith.constant 0 : i32
    %ne3A_23 = arith.cmpi ne, %rem3A_21, %ne3A_22 : i32
    %lt3A = arith.constant 0 : i32
    %lt3A_24 = arith.cmpi slt, %rem3A_21, %lt3A : i32
    %lt3A_25 = arith.constant 0 : i32
    %lt3A_26 = arith.cmpi slt, %select_n3A_20, %lt3A_25 : i32
    %ne3A_27 = arith.xori %lt3A_24, %lt3A_26 : i1
    %and3A_28 = arith.andi %ne3A_27, %ne3A_23 : i1
    %add3A = arith.addi %rem3A_21, %select_n3A_20 : i32
    %select_n3A_29 = arith.select %and3A_28, %add3A, %rem3A_21 : i32
    %c0_i32 = arith.constant 0 : i32
    %c0_i32_30 = arith.constant 0 : i32
    return %select_n3A, %select_n3A_29, %c0_i32 : i32, i32, i32
  }
  func.func @transform_1(%arg0: i32) -> (i32, i32, i32) {
    %min3A = arith.constant 15 : i32
    %min3A_0 = arith.minsi %arg0, %min3A : i32
    %jit3A = arith.constant 4 : i32
    %div3A = arith.divsi %min3A_0, %jit3A : i32
    %sign3A = arith.constant 0 : i32
    %sign3A_1 = arith.cmpi sgt, %min3A_0, %sign3A : i32
    %sign3A_2 = arith.extui %sign3A_1 : i1 to i32
    %sign3A_3 = arith.constant 0 : i32
    %sign3A_4 = arith.cmpi slt, %min3A_0, %sign3A_3 : i32
    %sign3A_5 = arith.extui %sign3A_4 : i1 to i32
    %sign3A_6 = arith.subi %sign3A_2, %sign3A_5 : i32
    %sign3A_7 = arith.constant 0 : i32
    %sign3A_8 = arith.cmpi sgt, %jit3A, %sign3A_7 : i32
    %sign3A_9 = arith.extui %sign3A_8 : i1 to i32
    %sign3A_10 = arith.constant 0 : i32
    %sign3A_11 = arith.cmpi slt, %jit3A, %sign3A_10 : i32
    %sign3A_12 = arith.extui %sign3A_11 : i1 to i32
    %sign3A_13 = arith.subi %sign3A_9, %sign3A_12 : i32
    %ne3A = arith.cmpi ne, %sign3A_6, %sign3A_13 : i32
    %rem3A = arith.remsi %min3A_0, %jit3A : i32
    %ne3A_14 = arith.constant 0 : i32
    %ne3A_15 = arith.cmpi ne, %rem3A, %ne3A_14 : i32
    %and3A = arith.andi %ne3A, %ne3A_15 : i1
    %sub3A = arith.constant 1 : i32
    %sub3A_16 = arith.subi %div3A, %sub3A : i32
    %select_n3A = arith.select %and3A, %sub3A_16, %div3A : i32
    %jit3A_17 = arith.constant 4 : i32
    %eq3A = arith.constant 0 : i32
    %eq3A_18 = arith.cmpi eq, %jit3A_17, %eq3A : i32
    %jit3A_19 = arith.constant 1 : i32
    %select_n3A_20 = arith.select %eq3A_18, %jit3A_19, %jit3A_17 : i32
    %rem3A_21 = arith.remsi %min3A_0, %select_n3A_20 : i32
    %ne3A_22 = arith.constant 0 : i32
    %ne3A_23 = arith.cmpi ne, %rem3A_21, %ne3A_22 : i32
    %lt3A = arith.constant 0 : i32
    %lt3A_24 = arith.cmpi slt, %rem3A_21, %lt3A : i32
    %lt3A_25 = arith.constant 0 : i32
    %lt3A_26 = arith.cmpi slt, %select_n3A_20, %lt3A_25 : i32
    %ne3A_27 = arith.xori %lt3A_24, %lt3A_26 : i1
    %and3A_28 = arith.andi %ne3A_27, %ne3A_23 : i1
    %add3A = arith.addi %rem3A_21, %select_n3A_20 : i32
    %select_n3A_29 = arith.select %and3A_28, %add3A, %rem3A_21 : i32
    %c0_i32 = arith.constant 0 : i32
    %c0_i32_30 = arith.constant 0 : i32
    return %select_n3A, %select_n3A_29, %c0_i32 : i32, i32, i32
  }
  func.func @transform_2(%arg0: i32) -> (i32, i32, i32) {
    %min3A = arith.constant 15 : i32
    %min3A_0 = arith.minsi %arg0, %min3A : i32
    %jit3A = arith.constant 4 : i32
    %div3A = arith.divsi %min3A_0, %jit3A : i32
    %sign3A = arith.constant 0 : i32
    %sign3A_1 = arith.cmpi sgt, %min3A_0, %sign3A : i32
    %sign3A_2 = arith.extui %sign3A_1 : i1 to i32
    %sign3A_3 = arith.constant 0 : i32
    %sign3A_4 = arith.cmpi slt, %min3A_0, %sign3A_3 : i32
    %sign3A_5 = arith.extui %sign3A_4 : i1 to i32
    %sign3A_6 = arith.subi %sign3A_2, %sign3A_5 : i32
    %sign3A_7 = arith.constant 0 : i32
    %sign3A_8 = arith.cmpi sgt, %jit3A, %sign3A_7 : i32
    %sign3A_9 = arith.extui %sign3A_8 : i1 to i32
    %sign3A_10 = arith.constant 0 : i32
    %sign3A_11 = arith.cmpi slt, %jit3A, %sign3A_10 : i32
    %sign3A_12 = arith.extui %sign3A_11 : i1 to i32
    %sign3A_13 = arith.subi %sign3A_9, %sign3A_12 : i32
    %ne3A = arith.cmpi ne, %sign3A_6, %sign3A_13 : i32
    %rem3A = arith.remsi %min3A_0, %jit3A : i32
    %ne3A_14 = arith.constant 0 : i32
    %ne3A_15 = arith.cmpi ne, %rem3A, %ne3A_14 : i32
    %and3A = arith.andi %ne3A, %ne3A_15 : i1
    %sub3A = arith.constant 1 : i32
    %sub3A_16 = arith.subi %div3A, %sub3A : i32
    %select_n3A = arith.select %and3A, %sub3A_16, %div3A : i32
    %jit3A_17 = arith.constant 4 : i32
    %eq3A = arith.constant 0 : i32
    %eq3A_18 = arith.cmpi eq, %jit3A_17, %eq3A : i32
    %jit3A_19 = arith.constant 1 : i32
    %select_n3A_20 = arith.select %eq3A_18, %jit3A_19, %jit3A_17 : i32
    %rem3A_21 = arith.remsi %min3A_0, %select_n3A_20 : i32
    %ne3A_22 = arith.constant 0 : i32
    %ne3A_23 = arith.cmpi ne, %rem3A_21, %ne3A_22 : i32
    %lt3A = arith.constant 0 : i32
    %lt3A_24 = arith.cmpi slt, %rem3A_21, %lt3A : i32
    %lt3A_25 = arith.constant 0 : i32
    %lt3A_26 = arith.cmpi slt, %select_n3A_20, %lt3A_25 : i32
    %ne3A_27 = arith.xori %lt3A_24, %lt3A_26 : i1
    %and3A_28 = arith.andi %ne3A_27, %ne3A_23 : i1
    %add3A = arith.addi %rem3A_21, %select_n3A_20 : i32
    %select_n3A_29 = arith.select %and3A_28, %add3A, %rem3A_21 : i32
    %c0_i32 = arith.constant 0 : i32
    %c0_i32_30 = arith.constant 0 : i32
    return %select_n3A, %select_n3A_29, %c0_i32 : i32, i32, i32
  }
  func.func @transform_3(%arg0: i32) -> (i32, i32) {
    %sub3A = arith.constant 16 : i32
    %sub3A_0 = arith.subi %arg0, %sub3A : i32
    %jit3A = arith.constant 0 : i32
    %jit3A_1 = arith.constant 7 : i32
    %max3A = arith.maxsi %jit3A, %sub3A_0 : i32
    %min3A = arith.minsi %jit3A_1, %max3A : i32
    %c0_i32 = arith.constant 0 : i32
    %c0_i32_2 = arith.constant 0 : i32
    return %min3A, %c0_i32 : i32, i32
  }
  func.func @transform_4(%arg0: i32) -> (i32, i32) {
    %sub3A = arith.constant 16 : i32
    %sub3A_0 = arith.subi %arg0, %sub3A : i32
    %jit3A = arith.constant 0 : i32
    %jit3A_1 = arith.constant 7 : i32
    %max3A = arith.maxsi %jit3A, %sub3A_0 : i32
    %min3A = arith.minsi %jit3A_1, %max3A : i32
    %c0_i32 = arith.constant 0 : i32
    %c0_i32_2 = arith.constant 0 : i32
    return %min3A, %c0_i32 : i32, i32
  }
  func.func @transform_5(%arg0: i32) -> (i32, i32) {
    %sub3A = arith.constant 16 : i32
    %sub3A_0 = arith.subi %arg0, %sub3A : i32
    %jit3A = arith.constant 0 : i32
    %jit3A_1 = arith.constant 7 : i32
    %max3A = arith.maxsi %jit3A, %sub3A_0 : i32
    %min3A = arith.minsi %jit3A_1, %max3A : i32
    %c0_i32 = arith.constant 0 : i32
    %c0_i32_2 = arith.constant 0 : i32
    return %min3A, %c0_i32 : i32, i32
  }
  func.func @transform_6(%arg0: i32) -> (i32, i32, i32) {
    %min3A = arith.constant 15 : i32
    %min3A_0 = arith.minsi %arg0, %min3A : i32
    %jit3A = arith.constant 4 : i32
    %div3A = arith.divsi %min3A_0, %jit3A : i32
    %sign3A = arith.constant 0 : i32
    %sign3A_1 = arith.cmpi sgt, %min3A_0, %sign3A : i32
    %sign3A_2 = arith.extui %sign3A_1 : i1 to i32
    %sign3A_3 = arith.constant 0 : i32
    %sign3A_4 = arith.cmpi slt, %min3A_0, %sign3A_3 : i32
    %sign3A_5 = arith.extui %sign3A_4 : i1 to i32
    %sign3A_6 = arith.subi %sign3A_2, %sign3A_5 : i32
    %sign3A_7 = arith.constant 0 : i32
    %sign3A_8 = arith.cmpi sgt, %jit3A, %sign3A_7 : i32
    %sign3A_9 = arith.extui %sign3A_8 : i1 to i32
    %sign3A_10 = arith.constant 0 : i32
    %sign3A_11 = arith.cmpi slt, %jit3A, %sign3A_10 : i32
    %sign3A_12 = arith.extui %sign3A_11 : i1 to i32
    %sign3A_13 = arith.subi %sign3A_9, %sign3A_12 : i32
    %ne3A = arith.cmpi ne, %sign3A_6, %sign3A_13 : i32
    %rem3A = arith.remsi %min3A_0, %jit3A : i32
    %ne3A_14 = arith.constant 0 : i32
    %ne3A_15 = arith.cmpi ne, %rem3A, %ne3A_14 : i32
    %and3A = arith.andi %ne3A, %ne3A_15 : i1
    %sub3A = arith.constant 1 : i32
    %sub3A_16 = arith.subi %div3A, %sub3A : i32
    %select_n3A = arith.select %and3A, %sub3A_16, %div3A : i32
    %jit3A_17 = arith.constant 4 : i32
    %eq3A = arith.constant 0 : i32
    %eq3A_18 = arith.cmpi eq, %jit3A_17, %eq3A : i32
    %jit3A_19 = arith.constant 1 : i32
    %select_n3A_20 = arith.select %eq3A_18, %jit3A_19, %jit3A_17 : i32
    %rem3A_21 = arith.remsi %min3A_0, %select_n3A_20 : i32
    %ne3A_22 = arith.constant 0 : i32
    %ne3A_23 = arith.cmpi ne, %rem3A_21, %ne3A_22 : i32
    %lt3A = arith.constant 0 : i32
    %lt3A_24 = arith.cmpi slt, %rem3A_21, %lt3A : i32
    %lt3A_25 = arith.constant 0 : i32
    %lt3A_26 = arith.cmpi slt, %select_n3A_20, %lt3A_25 : i32
    %ne3A_27 = arith.xori %lt3A_24, %lt3A_26 : i1
    %and3A_28 = arith.andi %ne3A_27, %ne3A_23 : i1
    %add3A = arith.addi %rem3A_21, %select_n3A_20 : i32
    %select_n3A_29 = arith.select %and3A_28, %add3A, %rem3A_21 : i32
    %c0_i32 = arith.constant 0 : i32
    %c0_i32_30 = arith.constant 0 : i32
    return %select_n3A, %select_n3A_29, %c0_i32 : i32, i32, i32
  }
  func.func @transform_7(%arg0: i32) -> (i32, i32, i32) {
    %min3A = arith.constant 15 : i32
    %min3A_0 = arith.minsi %arg0, %min3A : i32
    %jit3A = arith.constant 4 : i32
    %div3A = arith.divsi %min3A_0, %jit3A : i32
    %sign3A = arith.constant 0 : i32
    %sign3A_1 = arith.cmpi sgt, %min3A_0, %sign3A : i32
    %sign3A_2 = arith.extui %sign3A_1 : i1 to i32
    %sign3A_3 = arith.constant 0 : i32
    %sign3A_4 = arith.cmpi slt, %min3A_0, %sign3A_3 : i32
    %sign3A_5 = arith.extui %sign3A_4 : i1 to i32
    %sign3A_6 = arith.subi %sign3A_2, %sign3A_5 : i32
    %sign3A_7 = arith.constant 0 : i32
    %sign3A_8 = arith.cmpi sgt, %jit3A, %sign3A_7 : i32
    %sign3A_9 = arith.extui %sign3A_8 : i1 to i32
    %sign3A_10 = arith.constant 0 : i32
    %sign3A_11 = arith.cmpi slt, %jit3A, %sign3A_10 : i32
    %sign3A_12 = arith.extui %sign3A_11 : i1 to i32
    %sign3A_13 = arith.subi %sign3A_9, %sign3A_12 : i32
    %ne3A = arith.cmpi ne, %sign3A_6, %sign3A_13 : i32
    %rem3A = arith.remsi %min3A_0, %jit3A : i32
    %ne3A_14 = arith.constant 0 : i32
    %ne3A_15 = arith.cmpi ne, %rem3A, %ne3A_14 : i32
    %and3A = arith.andi %ne3A, %ne3A_15 : i1
    %sub3A = arith.constant 1 : i32
    %sub3A_16 = arith.subi %div3A, %sub3A : i32
    %select_n3A = arith.select %and3A, %sub3A_16, %div3A : i32
    %jit3A_17 = arith.constant 4 : i32
    %eq3A = arith.constant 0 : i32
    %eq3A_18 = arith.cmpi eq, %jit3A_17, %eq3A : i32
    %jit3A_19 = arith.constant 1 : i32
    %select_n3A_20 = arith.select %eq3A_18, %jit3A_19, %jit3A_17 : i32
    %rem3A_21 = arith.remsi %min3A_0, %select_n3A_20 : i32
    %ne3A_22 = arith.constant 0 : i32
    %ne3A_23 = arith.cmpi ne, %rem3A_21, %ne3A_22 : i32
    %lt3A = arith.constant 0 : i32
    %lt3A_24 = arith.cmpi slt, %rem3A_21, %lt3A : i32
    %lt3A_25 = arith.constant 0 : i32
    %lt3A_26 = arith.cmpi slt, %select_n3A_20, %lt3A_25 : i32
    %ne3A_27 = arith.xori %lt3A_24, %lt3A_26 : i1
    %and3A_28 = arith.andi %ne3A_27, %ne3A_23 : i1
    %add3A = arith.addi %rem3A_21, %select_n3A_20 : i32
    %select_n3A_29 = arith.select %and3A_28, %add3A, %rem3A_21 : i32
    %c0_i32 = arith.constant 0 : i32
    %c0_i32_30 = arith.constant 0 : i32
    return %select_n3A, %select_n3A_29, %c0_i32 : i32, i32, i32
  }
  func.func @transform_8(%arg0: i32) -> (i32, i32, i32) {
    %min3A = arith.constant 15 : i32
    %min3A_0 = arith.minsi %arg0, %min3A : i32
    %jit3A = arith.constant 4 : i32
    %div3A = arith.divsi %min3A_0, %jit3A : i32
    %sign3A = arith.constant 0 : i32
    %sign3A_1 = arith.cmpi sgt, %min3A_0, %sign3A : i32
    %sign3A_2 = arith.extui %sign3A_1 : i1 to i32
    %sign3A_3 = arith.constant 0 : i32
    %sign3A_4 = arith.cmpi slt, %min3A_0, %sign3A_3 : i32
    %sign3A_5 = arith.extui %sign3A_4 : i1 to i32
    %sign3A_6 = arith.subi %sign3A_2, %sign3A_5 : i32
    %sign3A_7 = arith.constant 0 : i32
    %sign3A_8 = arith.cmpi sgt, %jit3A, %sign3A_7 : i32
    %sign3A_9 = arith.extui %sign3A_8 : i1 to i32
    %sign3A_10 = arith.constant 0 : i32
    %sign3A_11 = arith.cmpi slt, %jit3A, %sign3A_10 : i32
    %sign3A_12 = arith.extui %sign3A_11 : i1 to i32
    %sign3A_13 = arith.subi %sign3A_9, %sign3A_12 : i32
    %ne3A = arith.cmpi ne, %sign3A_6, %sign3A_13 : i32
    %rem3A = arith.remsi %min3A_0, %jit3A : i32
    %ne3A_14 = arith.constant 0 : i32
    %ne3A_15 = arith.cmpi ne, %rem3A, %ne3A_14 : i32
    %and3A = arith.andi %ne3A, %ne3A_15 : i1
    %sub3A = arith.constant 1 : i32
    %sub3A_16 = arith.subi %div3A, %sub3A : i32
    %select_n3A = arith.select %and3A, %sub3A_16, %div3A : i32
    %jit3A_17 = arith.constant 4 : i32
    %eq3A = arith.constant 0 : i32
    %eq3A_18 = arith.cmpi eq, %jit3A_17, %eq3A : i32
    %jit3A_19 = arith.constant 1 : i32
    %select_n3A_20 = arith.select %eq3A_18, %jit3A_19, %jit3A_17 : i32
    %rem3A_21 = arith.remsi %min3A_0, %select_n3A_20 : i32
    %ne3A_22 = arith.constant 0 : i32
    %ne3A_23 = arith.cmpi ne, %rem3A_21, %ne3A_22 : i32
    %lt3A = arith.constant 0 : i32
    %lt3A_24 = arith.cmpi slt, %rem3A_21, %lt3A : i32
    %lt3A_25 = arith.constant 0 : i32
    %lt3A_26 = arith.cmpi slt, %select_n3A_20, %lt3A_25 : i32
    %ne3A_27 = arith.xori %lt3A_24, %lt3A_26 : i1
    %and3A_28 = arith.andi %ne3A_27, %ne3A_23 : i1
    %add3A = arith.addi %rem3A_21, %select_n3A_20 : i32
    %select_n3A_29 = arith.select %and3A_28, %add3A, %rem3A_21 : i32
    %c0_i32 = arith.constant 0 : i32
    %c0_i32_30 = arith.constant 0 : i32
    return %select_n3A, %select_n3A_29, %c0_i32 : i32, i32, i32
  }
  func.func @transform_9(%arg0: i32) -> (i32, i32) {
    %sub3A = arith.constant 16 : i32
    %sub3A_0 = arith.subi %arg0, %sub3A : i32
    %jit3A = arith.constant 0 : i32
    %jit3A_1 = arith.constant 7 : i32
    %max3A = arith.maxsi %jit3A, %sub3A_0 : i32
    %min3A = arith.minsi %jit3A_1, %max3A : i32
    %c0_i32 = arith.constant 0 : i32
    %c0_i32_2 = arith.constant 0 : i32
    return %min3A, %c0_i32 : i32, i32
  }
  func.func @transform_10(%arg0: i32) -> (i32, i32) {
    %sub3A = arith.constant 16 : i32
    %sub3A_0 = arith.subi %arg0, %sub3A : i32
    %jit3A = arith.constant 0 : i32
    %jit3A_1 = arith.constant 7 : i32
    %max3A = arith.maxsi %jit3A, %sub3A_0 : i32
    %min3A = arith.minsi %jit3A_1, %max3A : i32
    %c0_i32 = arith.constant 0 : i32
    %c0_i32_2 = arith.constant 0 : i32
    return %min3A, %c0_i32 : i32, i32
  }
  func.func @transform_11(%arg0: i32) -> (i32, i32) {
    %sub3A = arith.constant 16 : i32
    %sub3A_0 = arith.subi %arg0, %sub3A : i32
    %jit3A = arith.constant 0 : i32
    %jit3A_1 = arith.constant 7 : i32
    %max3A = arith.maxsi %jit3A, %sub3A_0 : i32
    %min3A = arith.minsi %jit3A_1, %max3A : i32
    %c0_i32 = arith.constant 0 : i32
    %c0_i32_2 = arith.constant 0 : i32
    return %min3A, %c0_i32 : i32, i32
  }
}

module attributes {stable_mosaic.version = 14 : i64} {
  func.func @_moe_kernel(%arg0: i32, %arg1: memref<20xi32, #tpu.memory_space<smem>>, %arg2: memref<256x2048xf32, #tpu.memory_space<vmem>>, %arg3: memref<256x128xf32, #tpu.memory_space<vmem>>, %arg4: memref<1x1024x2048xbf16, #tpu.memory_space<vmem>>, %arg5: memref<1x1024x2048xbf16, #tpu.memory_space<vmem>>, %arg6: memref<1x2048x1024xbf16, #tpu.memory_space<vmem>>, %arg7: memref<1x2048x4xf32, #tpu.memory_space<vmem>>, %arg8: memref<256x2048xf32, #tpu.memory_space<vmem>>) attributes {dimension_semantics = [#tpu.dimension_semantics<arbitrary>], iteration_bounds = array<i64: 20>, scalar_prefetch = 1 : i64, scratch_operands = 0 : i64, tpu.core_type = #tpu.core_type<tc>, window_params = [{transform_indices = @transform_0, window_bounds = array<i64: 256, 2048>}, {transform_indices = @transform_1, window_bounds = array<i64: 256, 128>}, {transform_indices = @transform_2, window_bounds = array<i64: 1, 1024, 2048>}, {transform_indices = @transform_3, window_bounds = array<i64: 1, 1024, 2048>}, {transform_indices = @transform_4, window_bounds = array<i64: 1, 2048, 1024>}, {transform_indices = @transform_5, window_bounds = array<i64: 1, 2048, 4>}, {transform_indices = @transform_6, window_bounds = array<i64: 256, 2048>}]} {
    %get3A = arith.constant 0 : index
    %get3A_0 = arith.constant 0 : index
    %get3A_1 = vector.load %arg3[%get3A, %get3A_0] : memref<256x128xf32, #tpu.memory_space<vmem>>, vector<256x4xf32>
    %get3A_2 = arith.constant 0 : index
    %get3A_3 = arith.constant 4 : index
    %get3A_4 = vector.load %arg3[%get3A_2, %get3A_3] : memref<256x128xf32, #tpu.memory_space<vmem>>, vector<256x1xf32>
    %convert_element_type3A = arith.truncf %get3A_1 : vector<256x4xf32> to vector<256x4xbf16>
    %get3A_5 = arith.constant 0 : index
    %get3A_6 = arith.constant 0 : index
    %get3A_7 = arith.constant 0 : index
    %get3A_8 = vector.load %arg7[%get3A_5, %get3A_6, %get3A_7] : memref<1x2048x4xf32, #tpu.memory_space<vmem>>, vector<1x2048x4xf32>
    %get3A_9 = vector.shape_cast %get3A_8 : vector<1x2048x4xf32> to vector<2048x4xf32>
    %convert_element_type3A_10 = arith.truncf %get3A_9 : vector<2048x4xf32> to vector<2048x4xbf16>
    %dot_general3A = arith.constant dense<0.000000e+00> : vector<256x2048xf32>
    %dot_general3A_11 = tpu.matmul %convert_element_type3A, %convert_element_type3A_10, %dot_general3A {dimension_numbers = #tpu.dot_dimension_numbers<[1], [1], [0], [0], [0, 0, 1, 0], [], []>, transpose_lhs_hint = false} : vector<256x4xbf16>, vector<2048x4xbf16>, vector<256x2048xf32> -> vector<256x2048xf32>
    %get3A_12 = arith.constant 0 : index
    %get3A_13 = arith.constant 0 : index
    %get3A_14 = vector.load %arg2[%get3A_12, %get3A_13] : memref<256x2048xf32, #tpu.memory_space<vmem>>, vector<256x2048xf32>
    %add3A = arith.addf %get3A_14, %dot_general3A_11 : vector<256x2048xf32>
    %convert_element_type3A_15 = arith.truncf %add3A : vector<256x2048xf32> to vector<256x2048xbf16>
    %get3A_16 = arith.constant 0 : index
    %get3A_17 = arith.constant 0 : index
    %get3A_18 = arith.constant 0 : index
    %get3A_19 = vector.load %arg4[%get3A_16, %get3A_17, %get3A_18] : memref<1x1024x2048xbf16, #tpu.memory_space<vmem>>, vector<1x1024x2048xbf16>
    %get3A_20 = vector.shape_cast %get3A_19 : vector<1x1024x2048xbf16> to vector<1024x2048xbf16>
    %dot_general3A_21 = arith.constant dense<0.000000e+00> : vector<256x1024xf32>
    %dot_general3A_22 = tpu.matmul %convert_element_type3A_15, %get3A_20, %dot_general3A_21 {dimension_numbers = #tpu.dot_dimension_numbers<[1], [1], [0], [0], [0, 0, 1, 0], [], []>, transpose_lhs_hint = false} : vector<256x2048xbf16>, vector<1024x2048xbf16>, vector<256x1024xf32> -> vector<256x1024xf32>
    %get3A_23 = arith.constant 0 : index
    %get3A_24 = arith.constant 0 : index
    %get3A_25 = arith.constant 0 : index
    %get3A_26 = vector.load %arg5[%get3A_23, %get3A_24, %get3A_25] : memref<1x1024x2048xbf16, #tpu.memory_space<vmem>>, vector<1x1024x2048xbf16>
    %get3A_27 = vector.shape_cast %get3A_26 : vector<1x1024x2048xbf16> to vector<1024x2048xbf16>
    %dot_general3A_28 = arith.constant dense<0.000000e+00> : vector<256x1024xf32>
    %dot_general3A_29 = tpu.matmul %convert_element_type3A_15, %get3A_27, %dot_general3A_28 {dimension_numbers = #tpu.dot_dimension_numbers<[1], [1], [0], [0], [0, 0, 1, 0], [], []>, transpose_lhs_hint = false} : vector<256x2048xbf16>, vector<1024x2048xbf16>, vector<256x1024xf32> -> vector<256x1024xf32>
    %logistic3A = arith.negf %dot_general3A_22 : vector<256x1024xf32>
    %logistic3A_30 = math.exp %logistic3A : vector<256x1024xf32>
    %logistic3A_31 = arith.constant 1.000000e+00 : f32
    %logistic3A_32 = vector.broadcast %logistic3A_31 : f32 to vector<256x1024xf32>
    %logistic3A_33 = arith.addf %logistic3A_32, %logistic3A_30 : vector<256x1024xf32>
    %logistic3A_34 = arith.divf %logistic3A_32, %logistic3A_33 : vector<256x1024xf32>
    %mul3A = arith.mulf %dot_general3A_22, %logistic3A_34 : vector<256x1024xf32>
    %mul3A_35 = arith.mulf %mul3A, %dot_general3A_29 : vector<256x1024xf32>
    %convert_element_type3A_36 = arith.truncf %mul3A_35 : vector<256x1024xf32> to vector<256x1024xbf16>
    %get3A_37 = arith.constant 0 : index
    %get3A_38 = arith.constant 0 : index
    %get3A_39 = arith.constant 0 : index
    %get3A_40 = vector.load %arg6[%get3A_37, %get3A_38, %get3A_39] : memref<1x2048x1024xbf16, #tpu.memory_space<vmem>>, vector<1x2048x1024xbf16>
    %get3A_41 = vector.shape_cast %get3A_40 : vector<1x2048x1024xbf16> to vector<2048x1024xbf16>
    %dot_general3A_42 = arith.constant dense<0.000000e+00> : vector<256x2048xf32>
    %dot_general3A_43 = tpu.matmul %convert_element_type3A_36, %get3A_41, %dot_general3A_42 {dimension_numbers = #tpu.dot_dimension_numbers<[1], [1], [0], [0], [0, 0, 1, 0], [], []>, transpose_lhs_hint = false} : vector<256x1024xbf16>, vector<2048x1024xbf16>, vector<256x2048xf32> -> vector<256x2048xf32>
    %mul3A_44 = vector.broadcast %get3A_4 : vector<256x1xf32> to vector<256x2048xf32>
    %mul3A_45 = arith.mulf %mul3A_44, %dot_general3A_43 : vector<256x2048xf32>
    %swap3A = arith.constant 0 : index
    %swap3A_46 = arith.constant 0 : index
    %swap3A_47 = vector.load %arg8[%swap3A, %swap3A_46] : memref<256x2048xf32, #tpu.memory_space<vmem>>, vector<256x2048xf32>
    tpu.vector_store %arg8[%swap3A, %swap3A_46], %mul3A_45 {strides = array<i32>} : memref<256x2048xf32, #tpu.memory_space<vmem>>, vector<256x2048xf32>,
    return
  }
  func.func @transform_0(%arg0: i32, %arg1: memref<20xi32, #tpu.memory_space<smem>>) -> (i32, i32) {
    %c0_i32 = arith.constant 0 : i32
    %c0_i32_0 = arith.constant 0 : i32
    return %arg0, %c0_i32 : i32, i32
  }
  func.func @transform_1(%arg0: i32, %arg1: memref<20xi32, #tpu.memory_space<smem>>) -> (i32, i32) {
    %c0_i32 = arith.constant 0 : i32
    %c0_i32_0 = arith.constant 0 : i32
    return %arg0, %c0_i32 : i32, i32
  }
  func.func @transform_2(%arg0: i32, %arg1: memref<20xi32, #tpu.memory_space<smem>>) -> (i32, i32, i32) {
    %get3A = arith.index_cast %arg0 : i32 to index
    %get3A_0 = memref.load %arg1[%get3A] : memref<20xi32, #tpu.memory_space<smem>>
    %c0_i32 = arith.constant 0 : i32
    %c0_i32_1 = arith.constant 0 : i32
    %c0_i32_2 = arith.constant 0 : i32
    return %get3A_0, %c0_i32, %c0_i32_1 : i32, i32, i32
  }
  func.func @transform_3(%arg0: i32, %arg1: memref<20xi32, #tpu.memory_space<smem>>) -> (i32, i32, i32) {
    %get3A = arith.index_cast %arg0 : i32 to index
    %get3A_0 = memref.load %arg1[%get3A] : memref<20xi32, #tpu.memory_space<smem>>
    %c0_i32 = arith.constant 0 : i32
    %c0_i32_1 = arith.constant 0 : i32
    %c0_i32_2 = arith.constant 0 : i32
    return %get3A_0, %c0_i32, %c0_i32_1 : i32, i32, i32
  }
  func.func @transform_4(%arg0: i32, %arg1: memref<20xi32, #tpu.memory_space<smem>>) -> (i32, i32, i32) {
    %get3A = arith.index_cast %arg0 : i32 to index
    %get3A_0 = memref.load %arg1[%get3A] : memref<20xi32, #tpu.memory_space<smem>>
    %c0_i32 = arith.constant 0 : i32
    %c0_i32_1 = arith.constant 0 : i32
    %c0_i32_2 = arith.constant 0 : i32
    return %get3A_0, %c0_i32, %c0_i32_1 : i32, i32, i32
  }
  func.func @transform_5(%arg0: i32, %arg1: memref<20xi32, #tpu.memory_space<smem>>) -> (i32, i32, i32) {
    %get3A = arith.index_cast %arg0 : i32 to index
    %get3A_0 = memref.load %arg1[%get3A] : memref<20xi32, #tpu.memory_space<smem>>
    %c0_i32 = arith.constant 0 : i32
    %c0_i32_1 = arith.constant 0 : i32
    %c0_i32_2 = arith.constant 0 : i32
    return %get3A_0, %c0_i32, %c0_i32_1 : i32, i32, i32
  }
  func.func @transform_6(%arg0: i32, %arg1: memref<20xi32, #tpu.memory_space<smem>>) -> (i32, i32) {
    %c0_i32 = arith.constant 0 : i32
    %c0_i32_0 = arith.constant 0 : i32
    return %arg0, %c0_i32 : i32, i32
  }
}

module attributes {stable_mosaic.version = 14 : i64} {
  func.func @_route_kernel(%arg0: i32, %arg1: i32, %arg2: memref<256x2048xf32, #tpu.memory_space<vmem>>, %arg3: memref<16x2048xf32, #tpu.memory_space<vmem>>, %arg4: memref<2x2048x128xf32, #tpu.memory_space<vmem>>, %arg5: memref<2x2048xi32, #tpu.memory_space<vmem>>, %arg6: memref<8x128xi32, #tpu.memory_space<vmem>>, %arg7: memref<8x128xf32, #tpu.memory_space<vmem>>, %arg8: memref<2x2048x4xf32, #tpu.memory_space<vmem>>, %arg9: memref<2x2048x1xf32, #tpu.memory_space<vmem>>) attributes {dimension_semantics = [#tpu.dimension_semantics<arbitrary>, #tpu.dimension_semantics<arbitrary>], iteration_bounds = array<i64: 3, 8>, scalar_prefetch = 0 : i64, scratch_operands = 3 : i64, tpu.core_type = #tpu.core_type<tc>, window_params = [{transform_indices = @transform_0, window_bounds = array<i64: 256, 2048>}, {pipeline_mode = #tpu.pipeline_mode<synchronous>, transform_indices = @transform_1, window_bounds = array<i64: 16, 2048>}, {pipeline_mode = #tpu.pipeline_mode<synchronous>, transform_indices = @transform_2, window_bounds = array<i64: 2, 2048, 128>}, {pipeline_mode = #tpu.pipeline_mode<synchronous>, transform_indices = @transform_3, window_bounds = array<i64: 2, 2048>}, {pipeline_mode = #tpu.pipeline_mode<synchronous>, transform_indices = @transform_4, window_bounds = array<i64: 8, 128>}]} {
    %eq3A = arith.constant 0 : i32
    %eq3A_0 = arith.cmpi eq, %arg0, %eq3A : i32
    %eq3A_1 = arith.constant 0 : i32
    %eq3A_2 = arith.cmpi eq, %arg1, %eq3A_1 : i32
    %and3A = arith.andi %eq3A_0, %eq3A_2 : i1
    %convert_element_type3A = arith.extui %and3A : i1 to i32
    %cond3A = arith.constant 0 : i32
    %cond3A_3 = arith.cmpi ne, %convert_element_type3A, %cond3A : i32
    scf.if %cond3A_3 {
      %broadcast_in_dim3A = arith.constant 0.000000e+00 : f32
      %broadcast_in_dim3A_18 = vector.broadcast %broadcast_in_dim3A : f32 to vector<8x128xf32>
      %swap3A = arith.constant 0 : index
      %swap3A_19 = arith.constant 0 : index
      %swap3A_20 = vector.load %arg7[%swap3A, %swap3A_19] : memref<8x128xf32, #tpu.memory_space<vmem>>, vector<8x128xf32>
      tpu.vector_store %arg7[%swap3A, %swap3A_19], %broadcast_in_dim3A_18 {strides = array<i32>} : memref<8x128xf32, #tpu.memory_space<vmem>>, vector<8x128xf32>,
    } else {
    }
    %eq3A_4 = arith.constant 0 : i32
    %eq3A_5 = arith.cmpi eq, %arg0, %eq3A_4 : i32
    %convert_element_type3A_6 = arith.extui %eq3A_5 : i1 to i32
    %cond3A_7 = arith.constant 0 : i32
    %cond3A_8 = arith.cmpi ne, %convert_element_type3A_6, %cond3A_7 : i32
    scf.if %cond3A_8 {
      %get3A = arith.constant 0 : index
      %get3A_18 = arith.constant 0 : index
      %get3A_19 = vector.load %arg2[%get3A, %get3A_18] : memref<256x2048xf32, #tpu.memory_space<vmem>>, vector<256x2048xf32>
      %get3A_20 = arith.constant 0 : index
      %get3A_21 = arith.constant 0 : index
      %get3A_22 = vector.load %arg3[%get3A_20, %get3A_21] : memref<16x2048xf32, #tpu.memory_space<vmem>>, vector<16x2048xf32>
      %dot_general3A = arith.constant dense<0.000000e+00> : vector<256x16xf32>
      %dot_general3A_23 = tpu.matmul %get3A_19, %get3A_22, %dot_general3A {dimension_numbers = #tpu.dot_dimension_numbers<[1], [1], [0], [0], [0, 0, 1, 0], [], []>, transpose_lhs_hint = false} : vector<256x2048xf32>, vector<16x2048xf32>, vector<256x16xf32> -> vector<256x16xf32>
      %reduce_max3A = arith.constant dense<0xFF800000> : vector<256xf32>
      %reduce_max3A_24 = vector.multi_reduction <maximumf>, %dot_general3A_23, %reduce_max3A [1] : vector<256x16xf32> to vector<256xf32>
      %broadcast_in_dim3A = vector.shape_cast %reduce_max3A_24 : vector<256xf32> to vector<256x1xf32>
      %sub3A = vector.broadcast %broadcast_in_dim3A : vector<256x1xf32> to vector<256x16xf32>
      %sub3A_25 = arith.subf %dot_general3A_23, %sub3A : vector<256x16xf32>
      %exp3A = math.exp %sub3A_25 : vector<256x16xf32>
      %reduce_sum3A = arith.constant dense<0.000000e+00> : vector<256xf32>
      %reduce_sum3A_26 = vector.multi_reduction <add>, %exp3A, %reduce_sum3A [1] : vector<256x16xf32> to vector<256xf32>
      %broadcast_in_dim3A_27 = vector.shape_cast %reduce_sum3A_26 : vector<256xf32> to vector<256x1xf32>
      %div3A = vector.broadcast %broadcast_in_dim3A_27 : vector<256x1xf32> to vector<256x16xf32>
      %div3A_28 = arith.divf %exp3A, %div3A : vector<256x16xf32>
      %iota3A = tpu.iota {dimensions = array<i32: 1>} : vector<256x16xi32>
      %reduce_max3A_29 = arith.constant dense<0xFF800000> : vector<256xf32>
      %reduce_max3A_30 = vector.multi_reduction <maximumf>, %div3A_28, %reduce_max3A_29 [1] : vector<256x16xf32> to vector<256xf32>
      %broadcast_in_dim3A_31 = vector.shape_cast %reduce_max3A_30 : vector<256xf32> to vector<256x1xf32>
      %eq3A_32 = vector.broadcast %broadcast_in_dim3A_31 : vector<256x1xf32> to vector<256x16xf32>
      %eq3A_33 = arith.cmpf oeq, %div3A_28, %eq3A_32 : vector<256x16xf32>
      %jit3A = arith.constant 16 : i32
      %broadcast_in_dim3A_34 = vector.broadcast %jit3A : i32 to vector<256x16xi32>
      %select_n3A = arith.select %eq3A_33, %iota3A, %broadcast_in_dim3A_34 : vector<256x16xi1>, vector<256x16xi32>
      %reduce_min3A = arith.constant dense<2147483647> : vector<256xi32>
      %reduce_min3A_35 = vector.multi_reduction <minsi>, %select_n3A, %reduce_min3A [1] : vector<256x16xi32> to vector<256xi32>
      %broadcast_in_dim3A_36 = vector.shape_cast %reduce_min3A_35 : vector<256xi32> to vector<256x1xi32>
      %eq3A_37 = vector.broadcast %broadcast_in_dim3A_36 : vector<256x1xi32> to vector<256x16xi32>
      %eq3A_38 = arith.cmpi eq, %iota3A, %eq3A_37 : vector<256x16xi32>
      %jit3A_39 = arith.constant -1.000000e+00 : f32
      %broadcast_in_dim3A_40 = vector.broadcast %jit3A_39 : f32 to vector<256x16xf32>
      %select_n3A_41 = arith.select %eq3A_38, %broadcast_in_dim3A_40, %div3A_28 : vector<256x16xi1>, vector<256x16xf32>
      %reduce_max3A_42 = arith.constant dense<0xFF800000> : vector<256xf32>
      %reduce_max3A_43 = vector.multi_reduction <maximumf>, %select_n3A_41, %reduce_max3A_42 [1] : vector<256x16xf32> to vector<256xf32>
      %broadcast_in_dim3A_44 = vector.shape_cast %reduce_max3A_43 : vector<256xf32> to vector<256x1xf32>
      %eq3A_45 = vector.broadcast %broadcast_in_dim3A_44 : vector<256x1xf32> to vector<256x16xf32>
      %eq3A_46 = arith.cmpf oeq, %select_n3A_41, %eq3A_45 : vector<256x16xf32>
      %jit3A_47 = arith.constant 16 : i32
      %broadcast_in_dim3A_48 = vector.broadcast %jit3A_47 : i32 to vector<256x16xi32>
      %select_n3A_49 = arith.select %eq3A_46, %iota3A, %broadcast_in_dim3A_48 : vector<256x16xi1>, vector<256x16xi32>
      %reduce_min3A_50 = arith.constant dense<2147483647> : vector<256xi32>
      %reduce_min3A_51 = vector.multi_reduction <minsi>, %select_n3A_49, %reduce_min3A_50 [1] : vector<256x16xi32> to vector<256xi32>
      %broadcast_in_dim3A_52 = vector.shape_cast %reduce_min3A_51 : vector<256xi32> to vector<256x1xi32>
      %jit3A_53 = arith.constant 4 : i32
      %div3A_54 = vector.broadcast %jit3A_53 : i32 to vector<256x1xi32>
      %div3A_55 = arith.divsi %broadcast_in_dim3A_36, %div3A_54 : vector<256x1xi32>
      %sign3A = arith.constant 0 : i32
      %sign3A_56 = vector.broadcast %sign3A : i32 to vector<256x1xi32>
      %sign3A_57 = arith.cmpi sgt, %broadcast_in_dim3A_36, %sign3A_56 : vector<256x1xi32>
      %sign3A_58 = arith.extui %sign3A_57 : vector<256x1xi1> to vector<256x1xi32>
      %sign3A_59 = arith.constant 0 : i32
      %sign3A_60 = vector.broadcast %sign3A_59 : i32 to vector<256x1xi32>
      %sign3A_61 = arith.cmpi slt, %broadcast_in_dim3A_36, %sign3A_60 : vector<256x1xi32>
      %sign3A_62 = arith.extui %sign3A_61 : vector<256x1xi1> to vector<256x1xi32>
      %sign3A_63 = arith.subi %sign3A_58, %sign3A_62 : vector<256x1xi32>
      %sign3A_64 = arith.constant 0 : i32
      %sign3A_65 = arith.cmpi sgt, %jit3A_53, %sign3A_64 : i32
      %sign3A_66 = arith.extui %sign3A_65 : i1 to i32
      %sign3A_67 = arith.constant 0 : i32
      %sign3A_68 = arith.cmpi slt, %jit3A_53, %sign3A_67 : i32
      %sign3A_69 = arith.extui %sign3A_68 : i1 to i32
      %sign3A_70 = arith.subi %sign3A_66, %sign3A_69 : i32
      %ne3A = vector.broadcast %sign3A_70 : i32 to vector<256x1xi32>
      %ne3A_71 = arith.cmpi ne, %sign3A_63, %ne3A : vector<256x1xi32>
      %rem3A = vector.broadcast %jit3A_53 : i32 to vector<256x1xi32>
      %rem3A_72 = arith.remsi %broadcast_in_dim3A_36, %rem3A : vector<256x1xi32>
      %ne3A_73 = arith.constant 0 : i32
      %ne3A_74 = vector.broadcast %ne3A_73 : i32 to vector<256x1xi32>
      %ne3A_75 = arith.cmpi ne, %rem3A_72, %ne3A_74 : vector<256x1xi32>
      %and3A_76 = arith.andi %ne3A_71, %ne3A_75 : vector<256x1xi1>
      %sub3A_77 = arith.constant 1 : i32
      %sub3A_78 = vector.broadcast %sub3A_77 : i32 to vector<256x1xi32>
      %sub3A_79 = arith.subi %div3A_55, %sub3A_78 : vector<256x1xi32>
      %select_n3A_80 = arith.select %and3A_76, %sub3A_79, %div3A_55 : vector<256x1xi1>, vector<256x1xi32>
      %mul3A = arith.constant 4 : i32
      %mul3A_81 = vector.broadcast %mul3A : i32 to vector<256x1xi32>
      %mul3A_82 = arith.muli %select_n3A_80, %mul3A_81 : vector<256x1xi32>
      %sub3A_83 = arith.subi %broadcast_in_dim3A_36, %mul3A_82 : vector<256x1xi32>
      %jit3A_84 = arith.constant 4 : i32
      %div3A_85 = vector.broadcast %jit3A_84 : i32 to vector<256x1xi32>
      %div3A_86 = arith.divsi %broadcast_in_dim3A_52, %div3A_85 : vector<256x1xi32>
      %sign3A_87 = arith.constant 0 : i32
      %sign3A_88 = vector.broadcast %sign3A_87 : i32 to vector<256x1xi32>
      %sign3A_89 = arith.cmpi sgt, %broadcast_in_dim3A_52, %sign3A_88 : vector<256x1xi32>
      %sign3A_90 = arith.extui %sign3A_89 : vector<256x1xi1> to vector<256x1xi32>
      %sign3A_91 = arith.constant 0 : i32
      %sign3A_92 = vector.broadcast %sign3A_91 : i32 to vector<256x1xi32>
      %sign3A_93 = arith.cmpi slt, %broadcast_in_dim3A_52, %sign3A_92 : vector<256x1xi32>
      %sign3A_94 = arith.extui %sign3A_93 : vector<256x1xi1> to vector<256x1xi32>
      %sign3A_95 = arith.subi %sign3A_90, %sign3A_94 : vector<256x1xi32>
      %sign3A_96 = arith.constant 0 : i32
      %sign3A_97 = arith.cmpi sgt, %jit3A_84, %sign3A_96 : i32
      %sign3A_98 = arith.extui %sign3A_97 : i1 to i32
      %sign3A_99 = arith.constant 0 : i32
      %sign3A_100 = arith.cmpi slt, %jit3A_84, %sign3A_99 : i32
      %sign3A_101 = arith.extui %sign3A_100 : i1 to i32
      %sign3A_102 = arith.subi %sign3A_98, %sign3A_101 : i32
      %ne3A_103 = vector.broadcast %sign3A_102 : i32 to vector<256x1xi32>
      %ne3A_104 = arith.cmpi ne, %sign3A_95, %ne3A_103 : vector<256x1xi32>
      %rem3A_105 = vector.broadcast %jit3A_84 : i32 to vector<256x1xi32>
      %rem3A_106 = arith.remsi %broadcast_in_dim3A_52, %rem3A_105 : vector<256x1xi32>
      %ne3A_107 = arith.constant 0 : i32
      %ne3A_108 = vector.broadcast %ne3A_107 : i32 to vector<256x1xi32>
      %ne3A_109 = arith.cmpi ne, %rem3A_106, %ne3A_108 : vector<256x1xi32>
      %and3A_110 = arith.andi %ne3A_104, %ne3A_109 : vector<256x1xi1>
      %sub3A_111 = arith.constant 1 : i32
      %sub3A_112 = vector.broadcast %sub3A_111 : i32 to vector<256x1xi32>
      %sub3A_113 = arith.subi %div3A_86, %sub3A_112 : vector<256x1xi32>
      %select_n3A_114 = arith.select %and3A_110, %sub3A_113, %div3A_86 : vector<256x1xi1>, vector<256x1xi32>
      %mul3A_115 = arith.constant 4 : i32
      %mul3A_116 = vector.broadcast %mul3A_115 : i32 to vector<256x1xi32>
      %mul3A_117 = arith.muli %select_n3A_114, %mul3A_116 : vector<256x1xi32>
      %sub3A_118 = arith.subi %broadcast_in_dim3A_52, %mul3A_117 : vector<256x1xi32>
      %eq3A_119 = arith.cmpi eq, %select_n3A_80, %select_n3A_114 : vector<256x1xi32>
      %convert_element_type3A_120 = arith.extui %eq3A_119 : vector<256x1xi1> to vector<256x1xi32>
      %convert_element_type3A_121 = arith.sitofp %convert_element_type3A_120 : vector<256x1xi32> to vector<256x1xf32>
      %iota3A_122 = tpu.iota {dimensions = array<i32: 1>} : vector<256x4xi32>
      %eq3A_123 = vector.broadcast %sub3A_83 : vector<256x1xi32> to vector<256x4xi32>
      %eq3A_124 = arith.cmpi eq, %iota3A_122, %eq3A_123 : vector<256x4xi32>
      %convert_element_type3A_125 = arith.extui %eq3A_124 : vector<256x4xi1> to vector<256x4xi32>
      %convert_element_type3A_126 = arith.sitofp %convert_element_type3A_125 : vector<256x4xi32> to vector<256x4xf32>
      %eq3A_127 = vector.broadcast %sub3A_118 : vector<256x1xi32> to vector<256x4xi32>
      %eq3A_128 = arith.cmpi eq, %iota3A_122, %eq3A_127 : vector<256x4xi32>
      %convert_element_type3A_129 = arith.extui %eq3A_128 : vector<256x4xi1> to vector<256x4xi32>
      %convert_element_type3A_130 = arith.sitofp %convert_element_type3A_129 : vector<256x4xi32> to vector<256x4xf32>
      %mul3A_131 = vector.broadcast %broadcast_in_dim3A_31 : vector<256x1xf32> to vector<256x4xf32>
      %mul3A_132 = arith.mulf %mul3A_131, %convert_element_type3A_126 : vector<256x4xf32>
      %mul3A_133 = arith.mulf %convert_element_type3A_121, %broadcast_in_dim3A_44 : vector<256x1xf32>
      %mul3A_134 = vector.broadcast %mul3A_133 : vector<256x1xf32> to vector<256x4xf32>
      %mul3A_135 = arith.mulf %mul3A_134, %convert_element_type3A_130 : vector<256x4xf32>
      %add3A = arith.addf %mul3A_132, %mul3A_135 : vector<256x4xf32>
      %mul3A_136 = vector.broadcast %broadcast_in_dim3A_44 : vector<256x1xf32> to vector<256x4xf32>
      %mul3A_137 = arith.mulf %mul3A_136, %convert_element_type3A_130 : vector<256x4xf32>
      %mul3A_138 = arith.mulf %convert_element_type3A_121, %broadcast_in_dim3A_44 : vector<256x1xf32>
      %add3A_139 = arith.addf %broadcast_in_dim3A_31, %mul3A_138 : vector<256x1xf32>
      %sub3A_140 = arith.constant 1.000000e+00 : f32
      %sub3A_141 = vector.broadcast %sub3A_140 : f32 to vector<256x1xf32>
      %sub3A_142 = arith.subf %sub3A_141, %convert_element_type3A_121 : vector<256x1xf32>
      %mul3A_143 = arith.mulf %sub3A_142, %broadcast_in_dim3A_44 : vector<256x1xf32>
      %broadcast_in_dim3A_144 = arith.constant 0.000000e+00 : f32
      %broadcast_in_dim3A_145 = vector.broadcast %broadcast_in_dim3A_144 : f32 to vector<256x123xf32>
      %eq3A_146 = arith.constant 0.000000e+00 : f32
      %eq3A_147 = vector.broadcast %eq3A_146 : f32 to vector<256x4xf32>
      %eq3A_148 = arith.cmpf oeq, %add3A, %eq3A_147 : vector<256x4xf32>
      %jit3A_149 = arith.constant -1.000000e+09 : f32
      %broadcast_in_dim3A_150 = vector.broadcast %jit3A_149 : f32 to vector<256x4xf32>
      %select_n3A_151 = arith.select %eq3A_148, %broadcast_in_dim3A_150, %add3A : vector<256x4xi1>, vector<256x4xf32>
      %reduce_max3A_152 = arith.constant dense<0xFF800000> : vector<256xf32>
      %reduce_max3A_153 = vector.multi_reduction <maximumf>, %select_n3A_151, %reduce_max3A_152 [1] : vector<256x4xf32> to vector<256xf32>
      %broadcast_in_dim3A_154 = vector.shape_cast %reduce_max3A_153 : vector<256xf32> to vector<256x1xf32>
      %sub3A_155 = vector.broadcast %broadcast_in_dim3A_154 : vector<256x1xf32> to vector<256x4xf32>
      %sub3A_156 = arith.subf %select_n3A_151, %sub3A_155 : vector<256x4xf32>
      %exp3A_157 = math.exp %sub3A_156 : vector<256x4xf32>
      %reduce_sum3A_158 = arith.constant dense<0.000000e+00> : vector<256xf32>
      %reduce_sum3A_159 = vector.multi_reduction <add>, %exp3A_157, %reduce_sum3A_158 [1] : vector<256x4xf32> to vector<256xf32>
      %broadcast_in_dim3A_160 = vector.shape_cast %reduce_sum3A_159 : vector<256xf32> to vector<256x1xf32>
      %div3A_161 = vector.broadcast %broadcast_in_dim3A_160 : vector<256x1xf32> to vector<256x4xf32>
      %div3A_162 = arith.divf %exp3A_157, %div3A_161 : vector<256x4xf32>
      %concatenate3A = tpu.concatenate %div3A_162, %add3A_139, %broadcast_in_dim3A_145 in 1 : vector<256x4xf32>, vector<256x1xf32>, vector<256x123xf32> -> vector<256x128xf32>
      %mul3A_163 = arith.constant 256 : i32
      %mul3A_164 = arith.muli %arg1, %mul3A_163 : i32
      %swap3A = arith.constant 0 : index
      %swap3A_165 = arith.index_cast %mul3A_164 : i32 to index
      %swap3A_166 = arith.constant 0 : index
      %swap3A_167 = vector.load %arg4[%swap3A, %swap3A_165, %swap3A_166] : memref<2x2048x128xf32, #tpu.memory_space<vmem>>, vector<1x256x128xf32>
      %swap3A_168 = vector.shape_cast %swap3A_167 : vector<1x256x128xf32> to vector<256x128xf32>
      %swap3A_169 = vector.shape_cast %concatenate3A : vector<256x128xf32> to vector<1x256x128xf32>
      tpu.vector_store %arg4[%swap3A, %swap3A_165, %swap3A_166], %swap3A_169 {strides = array<i32>} : memref<2x2048x128xf32, #tpu.memory_space<vmem>>, vector<1x256x128xf32>,
      %eq3A_170 = arith.constant 0.000000e+00 : f32
      %eq3A_171 = vector.broadcast %eq3A_170 : f32 to vector<256x4xf32>
      %eq3A_172 = arith.cmpf oeq, %mul3A_137, %eq3A_171 : vector<256x4xf32>
      %jit3A_173 = arith.constant -1.000000e+09 : f32
      %broadcast_in_dim3A_174 = vector.broadcast %jit3A_173 : f32 to vector<256x4xf32>
      %select_n3A_175 = arith.select %eq3A_172, %broadcast_in_dim3A_174, %mul3A_137 : vector<256x4xi1>, vector<256x4xf32>
      %reduce_max3A_176 = arith.constant dense<0xFF800000> : vector<256xf32>
      %reduce_max3A_177 = vector.multi_reduction <maximumf>, %select_n3A_175, %reduce_max3A_176 [1] : vector<256x4xf32> to vector<256xf32>
      %broadcast_in_dim3A_178 = vector.shape_cast %reduce_max3A_177 : vector<256xf32> to vector<256x1xf32>
      %sub3A_179 = vector.broadcast %broadcast_in_dim3A_178 : vector<256x1xf32> to vector<256x4xf32>
      %sub3A_180 = arith.subf %select_n3A_175, %sub3A_179 : vector<256x4xf32>
      %exp3A_181 = math.exp %sub3A_180 : vector<256x4xf32>
      %reduce_sum3A_182 = arith.constant dense<0.000000e+00> : vector<256xf32>
      %reduce_sum3A_183 = vector.multi_reduction <add>, %exp3A_181, %reduce_sum3A_182 [1] : vector<256x4xf32> to vector<256xf32>
      %broadcast_in_dim3A_184 = vector.shape_cast %reduce_sum3A_183 : vector<256xf32> to vector<256x1xf32>
      %div3A_185 = vector.broadcast %broadcast_in_dim3A_184 : vector<256x1xf32> to vector<256x4xf32>
      %div3A_186 = arith.divf %exp3A_181, %div3A_185 : vector<256x4xf32>
      %concatenate3A_187 = tpu.concatenate %div3A_186, %mul3A_143, %broadcast_in_dim3A_145 in 1 : vector<256x4xf32>, vector<256x1xf32>, vector<256x123xf32> -> vector<256x128xf32>
      %mul3A_188 = arith.constant 256 : i32
      %mul3A_189 = arith.muli %arg1, %mul3A_188 : i32
      %swap3A_190 = arith.constant 1 : index
      %swap3A_191 = arith.index_cast %mul3A_189 : i32 to index
      %swap3A_192 = arith.constant 0 : index
      %swap3A_193 = vector.load %arg4[%swap3A_190, %swap3A_191, %swap3A_192] : memref<2x2048x128xf32, #tpu.memory_space<vmem>>, vector<1x256x128xf32>
      %swap3A_194 = vector.shape_cast %swap3A_193 : vector<1x256x128xf32> to vector<256x128xf32>
      %swap3A_195 = vector.shape_cast %concatenate3A_187 : vector<256x128xf32> to vector<1x256x128xf32>
      tpu.vector_store %arg4[%swap3A_190, %swap3A_191, %swap3A_192], %swap3A_195 {strides = array<i32>} : memref<2x2048x128xf32, #tpu.memory_space<vmem>>, vector<1x256x128xf32>,
      %eq3A_196 = vector.broadcast %select_n3A_80 : vector<256x1xi32> to vector<256x4xi32>
      %eq3A_197 = arith.cmpi eq, %iota3A_122, %eq3A_196 : vector<256x4xi32>
      %convert_element_type3A_198 = arith.extui %eq3A_197 : vector<256x4xi1> to vector<256x4xi32>
      %convert_element_type3A_199 = arith.sitofp %convert_element_type3A_198 : vector<256x4xi32> to vector<256x4xf32>
      %mul3A_200 = arith.constant 256 : i32
      %mul3A_201 = arith.muli %arg1, %mul3A_200 : i32
      %swap3A_202 = arith.constant 0 : index
      %swap3A_203 = arith.index_cast %mul3A_201 : i32 to index
      %swap3A_204 = arith.constant 0 : index
      %swap3A_205 = vector.load %arg8[%swap3A_202, %swap3A_203, %swap3A_204] : memref<2x2048x4xf32, #tpu.memory_space<vmem>>, vector<1x256x4xf32>
      %swap3A_206 = vector.shape_cast %swap3A_205 : vector<1x256x4xf32> to vector<256x4xf32>
      %swap3A_207 = vector.shape_cast %convert_element_type3A_199 : vector<256x4xf32> to vector<1x256x4xf32>
      tpu.vector_store %arg8[%swap3A_202, %swap3A_203, %swap3A_204], %swap3A_207 {strides = array<i32>} : memref<2x2048x4xf32, #tpu.memory_space<vmem>>, vector<1x256x4xf32>,
      %eq3A_208 = vector.broadcast %select_n3A_114 : vector<256x1xi32> to vector<256x4xi32>
      %eq3A_209 = arith.cmpi eq, %iota3A_122, %eq3A_208 : vector<256x4xi32>
      %convert_element_type3A_210 = arith.extui %eq3A_209 : vector<256x4xi1> to vector<256x4xi32>
      %convert_element_type3A_211 = arith.sitofp %convert_element_type3A_210 : vector<256x4xi32> to vector<256x4xf32>
      %mul3A_212 = arith.constant 256 : i32
      %mul3A_213 = arith.muli %arg1, %mul3A_212 : i32
      %swap3A_214 = arith.constant 1 : index
      %swap3A_215 = arith.index_cast %mul3A_213 : i32 to index
      %swap3A_216 = arith.constant 0 : index
      %swap3A_217 = vector.load %arg8[%swap3A_214, %swap3A_215, %swap3A_216] : memref<2x2048x4xf32, #tpu.memory_space<vmem>>, vector<1x256x4xf32>
      %swap3A_218 = vector.shape_cast %swap3A_217 : vector<1x256x4xf32> to vector<256x4xf32>
      %swap3A_219 = vector.shape_cast %convert_element_type3A_211 : vector<256x4xf32> to vector<1x256x4xf32>
      tpu.vector_store %arg8[%swap3A_214, %swap3A_215, %swap3A_216], %swap3A_219 {strides = array<i32>} : memref<2x2048x4xf32, #tpu.memory_space<vmem>>, vector<1x256x4xf32>,
    } else {
    }
    %lt3A = arith.constant 2 : i32
    %lt3A_9 = arith.cmpi slt, %arg0, %lt3A : i32
    %convert_element_type3A_10 = arith.extui %lt3A_9 : i1 to i32
    %cond3A_11 = arith.constant 0 : i32
    %cond3A_12 = arith.cmpi ne, %convert_element_type3A_10, %cond3A_11 : i32
    scf.if %cond3A_12 {
      %mul3A = arith.constant 256 : i32
      %mul3A_18 = arith.muli %arg1, %mul3A : i32
      %get3A = arith.index_cast %arg0 : i32 to index
      %get3A_19 = arith.index_cast %mul3A_18 : i32 to index
      %get3A_20 = arith.constant 0 : index
      %get3A_21 = vector.load %arg8[%get3A, %get3A_19, %get3A_20] : memref<2x2048x4xf32, #tpu.memory_space<vmem>>, vector<1x256x4xf32>
      %get3A_22 = vector.shape_cast %get3A_21 : vector<1x256x4xf32> to vector<256x4xf32>
      %iota3A = tpu.iota {dimensions = array<i32: 0>} : vector<256x256xi32>
      %iota3A_23 = tpu.iota {dimensions = array<i32: 1>} : vector<256x256xi32>
      %gt3A = arith.cmpi sgt, %iota3A, %iota3A_23 : vector<256x256xi32>
      %convert_element_type3A_24 = arith.extui %gt3A : vector<256x256xi1> to vector<256x256xi32>
      %convert_element_type3A_25 = arith.sitofp %convert_element_type3A_24 : vector<256x256xi32> to vector<256x256xf32>
      %convert_element_type3A_26 = arith.truncf %convert_element_type3A_25 : vector<256x256xf32> to vector<256x256xbf16>
      %convert_element_type3A_27 = arith.truncf %get3A_22 : vector<256x4xf32> to vector<256x4xbf16>
      %dot_general3A = arith.constant dense<0.000000e+00> : vector<256x4xf32>
      %dot_general3A_28 = tpu.matmul %convert_element_type3A_26, %convert_element_type3A_27, %dot_general3A {dimension_numbers = #tpu.dot_dimension_numbers<[1], [0], [0], [1], [0, 0, 1, 1], [], []>, transpose_lhs_hint = false} : vector<256x256xbf16>, vector<256x4xbf16>, vector<256x4xf32> -> vector<256x4xf32>
      %get3A_29 = arith.constant 0 : index
      %get3A_30 = arith.constant 0 : index
      %get3A_31 = vector.load %arg7[%get3A_29, %get3A_30] : memref<8x128xf32, #tpu.memory_space<vmem>>, vector<1x4xf32>
      %add3A = vector.broadcast %get3A_31 : vector<1x4xf32> to vector<256x4xf32>
      %add3A_32 = arith.addf %dot_general3A_28, %add3A : vector<256x4xf32>
      %mul3A_33 = arith.mulf %get3A_22, %add3A_32 : vector<256x4xf32>
      %reduce_sum3A = arith.constant dense<0.000000e+00> : vector<256xf32>
      %reduce_sum3A_34 = vector.multi_reduction <add>, %mul3A_33, %reduce_sum3A [1] : vector<256x4xf32> to vector<256xf32>
      %broadcast_in_dim3A = vector.shape_cast %reduce_sum3A_34 : vector<256xf32> to vector<256x1xf32>
      %mul3A_35 = arith.constant 256 : i32
      %mul3A_36 = arith.muli %arg1, %mul3A_35 : i32
      %swap3A = arith.index_cast %arg0 : i32 to index
      %swap3A_37 = arith.index_cast %mul3A_36 : i32 to index
      %swap3A_38 = arith.constant 0 : index
      %swap3A_39 = vector.load %arg9[%swap3A, %swap3A_37, %swap3A_38] : memref<2x2048x1xf32, #tpu.memory_space<vmem>>, vector<1x256x1xf32>
      %swap3A_40 = vector.shape_cast %swap3A_39 : vector<1x256x1xf32> to vector<256x1xf32>
      %swap3A_41 = vector.shape_cast %broadcast_in_dim3A : vector<256x1xf32> to vector<1x256x1xf32>
      tpu.vector_store %arg9[%swap3A, %swap3A_37, %swap3A_38], %swap3A_41 {strides = array<i32>} : memref<2x2048x1xf32, #tpu.memory_space<vmem>>, vector<1x256x1xf32>,
      %reduce_sum3A_42 = arith.constant dense<0.000000e+00> : vector<4xf32>
      %reduce_sum3A_43 = vector.multi_reduction <add>, %get3A_22, %reduce_sum3A_42 [0] : vector<256x4xf32> to vector<4xf32>
      %broadcast_in_dim3A_44 = vector.shape_cast %reduce_sum3A_43 : vector<4xf32> to vector<1x4xf32>
      %add3A_45 = arith.addf %get3A_31, %broadcast_in_dim3A_44 : vector<1x4xf32>
      %swap3A_46 = arith.constant 0 : index
      %swap3A_47 = arith.constant 0 : index
      %swap3A_48 = vector.load %arg7[%swap3A_46, %swap3A_47] : memref<8x128xf32, #tpu.memory_space<vmem>>, vector<1x4xf32>
      tpu.vector_store %arg7[%swap3A_46, %swap3A_47], %add3A_45 {strides = array<i32>} : memref<8x128xf32, #tpu.memory_space<vmem>>, vector<1x4xf32>,
    } else {
    }
    %eq3A_13 = arith.constant 2 : i32
    %eq3A_14 = arith.cmpi eq, %arg0, %eq3A_13 : i32
    %convert_element_type3A_15 = arith.extui %eq3A_14 : i1 to i32
    %cond3A_16 = arith.constant 0 : i32
    %cond3A_17 = arith.cmpi ne, %convert_element_type3A_15, %cond3A_16 : i32
    scf.if %cond3A_17 {
      %get3A = arith.constant 0 : index
      %get3A_18 = arith.constant 0 : index
      %get3A_19 = vector.load %arg7[%get3A, %get3A_18] : memref<8x128xf32, #tpu.memory_space<vmem>>, vector<1x4xf32>
      %div3A = arith.constant 2.560000e+02 : f32
      %div3A_20 = vector.broadcast %div3A : f32 to vector<1x4xf32>
      %div3A_21 = arith.divf %get3A_19, %div3A_20 : vector<1x4xf32>
      %ceil3A = math.ceil %div3A_21 : vector<1x4xf32>
      %mul3A = arith.constant 2.560000e+02 : f32
      %mul3A_22 = vector.broadcast %mul3A : f32 to vector<1x4xf32>
      %mul3A_23 = arith.mulf %ceil3A, %mul3A_22 : vector<1x4xf32>
      %slice3A = vector.extract_strided_slice %mul3A_23 {offsets = [0, 0], sizes = [1, 1], strides = [1, 1]} : vector<1x4xf32> to vector<1x1xf32>
      %slice3A_24 = vector.extract_strided_slice %mul3A_23 {offsets = [0, 1], sizes = [1, 1], strides = [1, 1]} : vector<1x4xf32> to vector<1x1xf32>
      %add3A = arith.addf %slice3A, %slice3A_24 : vector<1x1xf32>
      %slice3A_25 = vector.extract_strided_slice %mul3A_23 {offsets = [0, 2], sizes = [1, 1], strides = [1, 1]} : vector<1x4xf32> to vector<1x1xf32>
      %add3A_26 = arith.addf %add3A, %slice3A_25 : vector<1x1xf32>
      %mul3A_27 = arith.constant 256 : i32
      %mul3A_28 = arith.muli %arg1, %mul3A_27 : i32
      %get3A_29 = arith.constant 0 : index
      %get3A_30 = arith.index_cast %mul3A_28 : i32 to index
      %get3A_31 = arith.constant 0 : index
      %get3A_32 = vector.load %arg8[%get3A_29, %get3A_30, %get3A_31] : memref<2x2048x4xf32, #tpu.memory_space<vmem>>, vector<1x256x4xf32>
      %get3A_33 = vector.shape_cast %get3A_32 : vector<1x256x4xf32> to vector<256x4xf32>
      %mul3A_34 = arith.constant 256 : i32
      %mul3A_35 = arith.muli %arg1, %mul3A_34 : i32
      %get3A_36 = arith.constant 0 : index
      %get3A_37 = arith.index_cast %mul3A_35 : i32 to index
      %get3A_38 = arith.constant 0 : index
      %get3A_39 = vector.load %arg9[%get3A_36, %get3A_37, %get3A_38] : memref<2x2048x1xf32, #tpu.memory_space<vmem>>, vector<1x256x1xf32>
      %get3A_40 = vector.shape_cast %get3A_39 : vector<1x256x1xf32> to vector<256x1xf32>
      %slice3A_41 = vector.extract_strided_slice %get3A_33 {offsets = [0, 1], sizes = [256, 1], strides = [1, 1]} : vector<256x4xf32> to vector<256x1xf32>
      %mul3A_42 = vector.broadcast %slice3A : vector<1x1xf32> to vector<256x1xf32>
      %mul3A_43 = arith.mulf %slice3A_41, %mul3A_42 : vector<256x1xf32>
      %add3A_44 = arith.addf %get3A_40, %mul3A_43 : vector<256x1xf32>
      %slice3A_45 = vector.extract_strided_slice %get3A_33 {offsets = [0, 2], sizes = [256, 1], strides = [1, 1]} : vector<256x4xf32> to vector<256x1xf32>
      %mul3A_46 = vector.broadcast %add3A : vector<1x1xf32> to vector<256x1xf32>
      %mul3A_47 = arith.mulf %slice3A_45, %mul3A_46 : vector<256x1xf32>
      %add3A_48 = arith.addf %add3A_44, %mul3A_47 : vector<256x1xf32>
      %slice3A_49 = vector.extract_strided_slice %get3A_33 {offsets = [0, 3], sizes = [256, 1], strides = [1, 1]} : vector<256x4xf32> to vector<256x1xf32>
      %mul3A_50 = vector.broadcast %add3A_26 : vector<1x1xf32> to vector<256x1xf32>
      %mul3A_51 = arith.mulf %slice3A_49, %mul3A_50 : vector<256x1xf32>
      %add3A_52 = arith.addf %add3A_48, %mul3A_51 : vector<256x1xf32>
      %convert_element_type3A_53 = arith.fptosi %add3A_52 : vector<256x1xf32> to vector<256x1xi32>
      %transpose3A = tpu.transpose %convert_element_type3A_53, [1, 0] : vector<256x1xi32> -> vector<1x256xi32>
      %squeeze3A = vector.shape_cast %transpose3A : vector<1x256xi32> to vector<256xi32>
      %mul3A_54 = arith.constant 256 : i32
      %mul3A_55 = arith.muli %arg1, %mul3A_54 : i32
      %swap3A = arith.constant 0 : index
      %swap3A_56 = arith.index_cast %mul3A_55 : i32 to index
      %swap3A_57 = vector.load %arg5[%swap3A, %swap3A_56] : memref<2x2048xi32, #tpu.memory_space<vmem>>, vector<1x256xi32>
      %swap3A_58 = vector.shape_cast %swap3A_57 : vector<1x256xi32> to vector<256xi32>
      %swap3A_59 = vector.shape_cast %squeeze3A : vector<256xi32> to vector<1x256xi32>
      tpu.vector_store %arg5[%swap3A, %swap3A_56], %swap3A_59 {strides = array<i32>} : memref<2x2048xi32, #tpu.memory_space<vmem>>, vector<1x256xi32>,
      %mul3A_60 = arith.constant 256 : i32
      %mul3A_61 = arith.muli %arg1, %mul3A_60 : i32
      %get3A_62 = arith.constant 1 : index
      %get3A_63 = arith.index_cast %mul3A_61 : i32 to index
      %get3A_64 = arith.constant 0 : index
      %get3A_65 = vector.load %arg8[%get3A_62, %get3A_63, %get3A_64] : memref<2x2048x4xf32, #tpu.memory_space<vmem>>, vector<1x256x4xf32>
      %get3A_66 = vector.shape_cast %get3A_65 : vector<1x256x4xf32> to vector<256x4xf32>
      %mul3A_67 = arith.constant 256 : i32
      %mul3A_68 = arith.muli %arg1, %mul3A_67 : i32
      %get3A_69 = arith.constant 1 : index
      %get3A_70 = arith.index_cast %mul3A_68 : i32 to index
      %get3A_71 = arith.constant 0 : index
      %get3A_72 = vector.load %arg9[%get3A_69, %get3A_70, %get3A_71] : memref<2x2048x1xf32, #tpu.memory_space<vmem>>, vector<1x256x1xf32>
      %get3A_73 = vector.shape_cast %get3A_72 : vector<1x256x1xf32> to vector<256x1xf32>
      %slice3A_74 = vector.extract_strided_slice %get3A_66 {offsets = [0, 1], sizes = [256, 1], strides = [1, 1]} : vector<256x4xf32> to vector<256x1xf32>
      %mul3A_75 = vector.broadcast %slice3A : vector<1x1xf32> to vector<256x1xf32>
      %mul3A_76 = arith.mulf %slice3A_74, %mul3A_75 : vector<256x1xf32>
      %add3A_77 = arith.addf %get3A_73, %mul3A_76 : vector<256x1xf32>
      %slice3A_78 = vector.extract_strided_slice %get3A_66 {offsets = [0, 2], sizes = [256, 1], strides = [1, 1]} : vector<256x4xf32> to vector<256x1xf32>
      %mul3A_79 = vector.broadcast %add3A : vector<1x1xf32> to vector<256x1xf32>
      %mul3A_80 = arith.mulf %slice3A_78, %mul3A_79 : vector<256x1xf32>
      %add3A_81 = arith.addf %add3A_77, %mul3A_80 : vector<256x1xf32>
      %slice3A_82 = vector.extract_strided_slice %get3A_66 {offsets = [0, 3], sizes = [256, 1], strides = [1, 1]} : vector<256x4xf32> to vector<256x1xf32>
      %mul3A_83 = vector.broadcast %add3A_26 : vector<1x1xf32> to vector<256x1xf32>
      %mul3A_84 = arith.mulf %slice3A_82, %mul3A_83 : vector<256x1xf32>
      %add3A_85 = arith.addf %add3A_81, %mul3A_84 : vector<256x1xf32>
      %convert_element_type3A_86 = arith.fptosi %add3A_85 : vector<256x1xf32> to vector<256x1xi32>
      %transpose3A_87 = tpu.transpose %convert_element_type3A_86, [1, 0] : vector<256x1xi32> -> vector<1x256xi32>
      %squeeze3A_88 = vector.shape_cast %transpose3A_87 : vector<1x256xi32> to vector<256xi32>
      %mul3A_89 = arith.constant 256 : i32
      %mul3A_90 = arith.muli %arg1, %mul3A_89 : i32
      %swap3A_91 = arith.constant 1 : index
      %swap3A_92 = arith.index_cast %mul3A_90 : i32 to index
      %swap3A_93 = vector.load %arg5[%swap3A_91, %swap3A_92] : memref<2x2048xi32, #tpu.memory_space<vmem>>, vector<1x256xi32>
      %swap3A_94 = vector.shape_cast %swap3A_93 : vector<1x256xi32> to vector<256xi32>
      %swap3A_95 = vector.shape_cast %squeeze3A_88 : vector<256xi32> to vector<1x256xi32>
      tpu.vector_store %arg5[%swap3A_91, %swap3A_92], %swap3A_95 {strides = array<i32>} : memref<2x2048xi32, #tpu.memory_space<vmem>>, vector<1x256xi32>,
      %eq3A_96 = arith.constant 0 : i32
      %eq3A_97 = arith.cmpi eq, %arg1, %eq3A_96 : i32
      %convert_element_type3A_98 = arith.extui %eq3A_97 : i1 to i32
      %cond3A_99 = arith.constant 0 : i32
      %cond3A_100 = arith.cmpi ne, %convert_element_type3A_98, %cond3A_99 : i32
      scf.if %cond3A_100 {
        %iota3A = tpu.iota {dimensions = array<i32: 1>} : vector<8x128xi32>
        %convert_element_type3A_101 = arith.sitofp %iota3A : vector<8x128xi32> to vector<8x128xf32>
        %mul3A_102 = arith.constant 2.560000e+02 : f32
        %mul3A_103 = vector.broadcast %mul3A_102 : f32 to vector<8x128xf32>
        %mul3A_104 = arith.mulf %convert_element_type3A_101, %mul3A_103 : vector<8x128xf32>
        %ge3A = vector.broadcast %slice3A : vector<1x1xf32> to vector<8x128xf32>
        %ge3A_105 = arith.cmpf oge, %mul3A_104, %ge3A : vector<8x128xf32>
        %convert_element_type3A_106 = arith.extui %ge3A_105 : vector<8x128xi1> to vector<8x128xi32>
        %ge3A_107 = vector.broadcast %add3A : vector<1x1xf32> to vector<8x128xf32>
        %ge3A_108 = arith.cmpf oge, %mul3A_104, %ge3A_107 : vector<8x128xf32>
        %convert_element_type3A_109 = arith.extui %ge3A_108 : vector<8x128xi1> to vector<8x128xi32>
        %add3A_110 = arith.addi %convert_element_type3A_106, %convert_element_type3A_109 : vector<8x128xi32>
        %ge3A_111 = vector.broadcast %add3A_26 : vector<1x1xf32> to vector<8x128xf32>
        %ge3A_112 = arith.cmpf oge, %mul3A_104, %ge3A_111 : vector<8x128xf32>
        %convert_element_type3A_113 = arith.extui %ge3A_112 : vector<8x128xi1> to vector<8x128xi32>
        %add3A_114 = arith.addi %add3A_110, %convert_element_type3A_113 : vector<8x128xi32>
        %swap3A_115 = arith.constant 0 : index
        %swap3A_116 = arith.constant 0 : index
        %swap3A_117 = vector.load %arg6[%swap3A_115, %swap3A_116] : memref<8x128xi32, #tpu.memory_space<vmem>>, vector<8x128xi32>
        tpu.vector_store %arg6[%swap3A_115, %swap3A_116], %add3A_114 {strides = array<i32>} : memref<8x128xi32, #tpu.memory_space<vmem>>, vector<8x128xi32>,
      } else {
      }
    } else {
    }
    return
  }
  func.func @transform_0(%arg0: i32, %arg1: i32) -> (i32, i32) {
    %c0_i32 = arith.constant 0 : i32
    %c0_i32_0 = arith.constant 0 : i32
    return %arg1, %c0_i32 : i32, i32
  }
  func.func @transform_1(%arg0: i32, %arg1: i32) -> (i32, i32) {
    %c0_i32 = arith.constant 0 : i32
    %c0_i32_0 = arith.constant 0 : i32
    %c0_i32_1 = arith.constant 0 : i32
    return %c0_i32, %c0_i32_0 : i32, i32
  }
  func.func @transform_2(%arg0: i32, %arg1: i32) -> (i32, i32, i32) {
    %c0_i32 = arith.constant 0 : i32
    %c0_i32_0 = arith.constant 0 : i32
    %c0_i32_1 = arith.constant 0 : i32
    %c0_i32_2 = arith.constant 0 : i32
    return %c0_i32, %c0_i32_0, %c0_i32_1 : i32, i32, i32
  }
  func.func @transform_3(%arg0: i32, %arg1: i32) -> (i32, i32) {
    %c0_i32 = arith.constant 0 : i32
    %c0_i32_0 = arith.constant 0 : i32
    %c0_i32_1 = arith.constant 0 : i32
    return %c0_i32, %c0_i32_0 : i32, i32
  }
  func.func @transform_4(%arg0: i32, %arg1: i32) -> (i32, i32) {
    %c0_i32 = arith.constant 0 : i32
    %c0_i32_0 = arith.constant 0 : i32
    %c0_i32_1 = arith.constant 0 : i32
    return %c0_i32, %c0_i32_0 : i32, i32
  }
}

module attributes {stable_mosaic.version = 14 : i64} {
  func.func @_shared_kernel(%arg0: i32, %arg1: memref<256x2048xf32, #tpu.memory_space<vmem>>, %arg2: memref<2048x2048xbf16, #tpu.memory_space<vmem>>, %arg3: memref<2048x2048xbf16, #tpu.memory_space<vmem>>, %arg4: memref<2048x2048xbf16, #tpu.memory_space<vmem>>, %arg5: memref<256x2048xf32, #tpu.memory_space<vmem>>) attributes {dimension_semantics = [#tpu.dimension_semantics<arbitrary>], iteration_bounds = array<i64: 8>, scalar_prefetch = 0 : i64, scratch_operands = 0 : i64, tpu.core_type = #tpu.core_type<tc>, window_params = [{transform_indices = @transform_0, window_bounds = array<i64: 256, 2048>}, {pipeline_mode = #tpu.pipeline_mode<synchronous>, transform_indices = @transform_1, window_bounds = array<i64: 2048, 2048>}, {pipeline_mode = #tpu.pipeline_mode<synchronous>, transform_indices = @transform_2, window_bounds = array<i64: 2048, 2048>}, {pipeline_mode = #tpu.pipeline_mode<synchronous>, transform_indices = @transform_3, window_bounds = array<i64: 2048, 2048>}, {transform_indices = @transform_4, window_bounds = array<i64: 256, 2048>}]} {
    %get3A = arith.constant 0 : index
    %get3A_0 = arith.constant 0 : index
    %get3A_1 = vector.load %arg1[%get3A, %get3A_0] : memref<256x2048xf32, #tpu.memory_space<vmem>>, vector<256x2048xf32>
    %convert_element_type3A = arith.truncf %get3A_1 : vector<256x2048xf32> to vector<256x2048xbf16>
    %get3A_2 = arith.constant 0 : index
    %get3A_3 = arith.constant 0 : index
    %get3A_4 = vector.load %arg2[%get3A_2, %get3A_3] : memref<2048x2048xbf16, #tpu.memory_space<vmem>>, vector<2048x2048xbf16>
    %dot_general3A = arith.constant dense<0.000000e+00> : vector<256x2048xf32>
    %dot_general3A_5 = tpu.matmul %convert_element_type3A, %get3A_4, %dot_general3A {dimension_numbers = #tpu.dot_dimension_numbers<[1], [1], [0], [0], [0, 0, 1, 0], [], []>, transpose_lhs_hint = false} : vector<256x2048xbf16>, vector<2048x2048xbf16>, vector<256x2048xf32> -> vector<256x2048xf32>
    %get3A_6 = arith.constant 0 : index
    %get3A_7 = arith.constant 0 : index
    %get3A_8 = vector.load %arg3[%get3A_6, %get3A_7] : memref<2048x2048xbf16, #tpu.memory_space<vmem>>, vector<2048x2048xbf16>
    %dot_general3A_9 = arith.constant dense<0.000000e+00> : vector<256x2048xf32>
    %dot_general3A_10 = tpu.matmul %convert_element_type3A, %get3A_8, %dot_general3A_9 {dimension_numbers = #tpu.dot_dimension_numbers<[1], [1], [0], [0], [0, 0, 1, 0], [], []>, transpose_lhs_hint = false} : vector<256x2048xbf16>, vector<2048x2048xbf16>, vector<256x2048xf32> -> vector<256x2048xf32>
    %logistic3A = arith.negf %dot_general3A_5 : vector<256x2048xf32>
    %logistic3A_11 = math.exp %logistic3A : vector<256x2048xf32>
    %logistic3A_12 = arith.constant 1.000000e+00 : f32
    %logistic3A_13 = vector.broadcast %logistic3A_12 : f32 to vector<256x2048xf32>
    %logistic3A_14 = arith.addf %logistic3A_13, %logistic3A_11 : vector<256x2048xf32>
    %logistic3A_15 = arith.divf %logistic3A_13, %logistic3A_14 : vector<256x2048xf32>
    %mul3A = arith.mulf %dot_general3A_5, %logistic3A_15 : vector<256x2048xf32>
    %mul3A_16 = arith.mulf %mul3A, %dot_general3A_10 : vector<256x2048xf32>
    %convert_element_type3A_17 = arith.truncf %mul3A_16 : vector<256x2048xf32> to vector<256x2048xbf16>
    %get3A_18 = arith.constant 0 : index
    %get3A_19 = arith.constant 0 : index
    %get3A_20 = vector.load %arg4[%get3A_18, %get3A_19] : memref<2048x2048xbf16, #tpu.memory_space<vmem>>, vector<2048x2048xbf16>
    %dot_general3A_21 = arith.constant dense<0.000000e+00> : vector<256x2048xf32>
    %dot_general3A_22 = tpu.matmul %convert_element_type3A_17, %get3A_20, %dot_general3A_21 {dimension_numbers = #tpu.dot_dimension_numbers<[1], [1], [0], [0], [0, 0, 1, 0], [], []>, transpose_lhs_hint = false} : vector<256x2048xbf16>, vector<2048x2048xbf16>, vector<256x2048xf32> -> vector<256x2048xf32>
    %swap3A = arith.constant 0 : index
    %swap3A_23 = arith.constant 0 : index
    %swap3A_24 = vector.load %arg5[%swap3A, %swap3A_23] : memref<256x2048xf32, #tpu.memory_space<vmem>>, vector<256x2048xf32>
    tpu.vector_store %arg5[%swap3A, %swap3A_23], %dot_general3A_22 {strides = array<i32>} : memref<256x2048xf32, #tpu.memory_space<vmem>>, vector<256x2048xf32>,
    return
  }
  func.func @transform_0(%arg0: i32) -> (i32, i32) {
    %c0_i32 = arith.constant 0 : i32
    %c0_i32_0 = arith.constant 0 : i32
    return %arg0, %c0_i32 : i32, i32
  }
  func.func @transform_1(%arg0: i32) -> (i32, i32) {
    %c0_i32 = arith.constant 0 : i32
    %c0_i32_0 = arith.constant 0 : i32
    %c0_i32_1 = arith.constant 0 : i32
    return %c0_i32, %c0_i32_0 : i32, i32
  }
  func.func @transform_2(%arg0: i32) -> (i32, i32) {
    %c0_i32 = arith.constant 0 : i32
    %c0_i32_0 = arith.constant 0 : i32
    %c0_i32_1 = arith.constant 0 : i32
    return %c0_i32, %c0_i32_0 : i32, i32
  }
  func.func @transform_3(%arg0: i32) -> (i32, i32) {
    %c0_i32 = arith.constant 0 : i32
    %c0_i32_0 = arith.constant 0 : i32
    %c0_i32_1 = arith.constant 0 : i32
    return %c0_i32, %c0_i32_0 : i32, i32
  }
  func.func @transform_4(%arg0: i32) -> (i32, i32) {
    %c0_i32 = arith.constant 0 : i32
    %c0_i32_0 = arith.constant 0 : i32
    return %arg0, %c0_i32 : i32, i32
  }
}

module attributes {stable_mosaic.version = 14 : i64} {
  func.func @_final_kernel(%arg0: i32, %arg1: memref<256x2048xf32, #tpu.memory_space<vmem>>, %arg2: memref<2x256x2048xf32, #tpu.memory_space<vmem>>, %arg3: memref<256x2048xf32, #tpu.memory_space<vmem>>) attributes {dimension_semantics = [#tpu.dimension_semantics<arbitrary>], iteration_bounds = array<i64: 8>, scalar_prefetch = 0 : i64, scratch_operands = 0 : i64, tpu.core_type = #tpu.core_type<tc>, window_params = [{transform_indices = @transform_0, window_bounds = array<i64: 256, 2048>}, {transform_indices = @transform_1, window_bounds = array<i64: 2, 256, 2048>}, {transform_indices = @transform_2, window_bounds = array<i64: 256, 2048>}]} {
    %get3A = arith.constant 0 : index
    %get3A_0 = arith.constant 0 : index
    %get3A_1 = arith.constant 0 : index
    %get3A_2 = vector.load %arg2[%get3A, %get3A_0, %get3A_1] : memref<2x256x2048xf32, #tpu.memory_space<vmem>>, vector<1x256x2048xf32>
    %get3A_3 = vector.shape_cast %get3A_2 : vector<1x256x2048xf32> to vector<256x2048xf32>
    %get3A_4 = arith.constant 1 : index
    %get3A_5 = arith.constant 0 : index
    %get3A_6 = arith.constant 0 : index
    %get3A_7 = vector.load %arg2[%get3A_4, %get3A_5, %get3A_6] : memref<2x256x2048xf32, #tpu.memory_space<vmem>>, vector<1x256x2048xf32>
    %get3A_8 = vector.shape_cast %get3A_7 : vector<1x256x2048xf32> to vector<256x2048xf32>
    %add3A = arith.addf %get3A_3, %get3A_8 : vector<256x2048xf32>
    %get3A_9 = arith.constant 0 : index
    %get3A_10 = arith.constant 0 : index
    %get3A_11 = vector.load %arg1[%get3A_9, %get3A_10] : memref<256x2048xf32, #tpu.memory_space<vmem>>, vector<256x2048xf32>
    %add3A_12 = arith.addf %add3A, %get3A_11 : vector<256x2048xf32>
    %swap3A = arith.constant 0 : index
    %swap3A_13 = arith.constant 0 : index
    %swap3A_14 = vector.load %arg3[%swap3A, %swap3A_13] : memref<256x2048xf32, #tpu.memory_space<vmem>>, vector<256x2048xf32>
    tpu.vector_store %arg3[%swap3A, %swap3A_13], %add3A_12 {strides = array<i32>} : memref<256x2048xf32, #tpu.memory_space<vmem>>, vector<256x2048xf32>,
    return
  }
  func.func @transform_0(%arg0: i32) -> (i32, i32) {
    %c0_i32 = arith.constant 0 : i32
    %c0_i32_0 = arith.constant 0 : i32
    return %arg0, %c0_i32 : i32, i32
  }
  func.func @transform_1(%arg0: i32) -> (i32, i32, i32) {
    %c0_i32 = arith.constant 0 : i32
    %c0_i32_0 = arith.constant 0 : i32
    %c0_i32_1 = arith.constant 0 : i32
    return %c0_i32, %arg0, %c0_i32_0 : i32, i32, i32
  }
  func.func @transform_2(%arg0: i32) -> (i32, i32) {
    %c0_i32 = arith.constant 0 : i32
    %c0_i32_0 = arith.constant 0 : i32
    return %arg0, %c0_i32 : i32, i32
  }
}

</mosaic_0001>

<sc_bundles>
// kernel: kernel.12.cloned.1.call-start
scs
__scs_entry_jumppad:
0x0: {  	(pc) =	sbr.rel $0x88, $3  }
0x1: {  	(tag) =	ssettag $0x0;
	lr =	simm.s32 $0x1  }
0x2: {  	[smem:$0x3F98] =	sst lr;
	_ =	strace $0xD0000000  }
0x3: {  	_ = 	snop  }
0x4: {  	_ = 	snop  }
0x5: {  	_ = 	snop  }
0x6: {  	_ = 	snop  }
0x7: {  	_ = 	snop  }
__scs_overlays_trampoline_lowered:
0x8: {  	[smem:$0x3FA7] =	sst s0  }
0x9: {  	[smem:$0x3FA8] =	sst s1  }
0xa: {  	[smem:$0x3FA9] =	sst s2  }
0xb: {  	[smem:$0x3FAA] =	sst s3  }
0xc: {  	[smem:$0x3FAB] =	sst s4  }
0xd: {  	[smem:$0x3FAC] =	sst s5  }
0xe: {  	[smem:$0x3FAD] =	sst s6  }
0xf: {  	[smem:$0x3FAE] =	sst s7  }
0x10: {  	[smem:$0x3FAF] =	sst s8  }
0x11: {  	[smem:$0x3FB0] =	sst s9;
	s0 =	simm.s32 @!p0 $0x0  }
0x12: {  	s1 =	sld [smem:$0x3F96];
	s0 =	simm.s32 @p0 $0x1  }
0x13: {  	[smem:$0x3FB1] =	sst s0;
	s0 =	simm.s32 @!p1 $0x0  }
0x14: {  	s2 =	sld [smem:$0x3F95];
	s0 =	simm.s32 @p1 $0x1  }
0x15: {  	[smem:$0x3FB2] =	sst s0;
	s0 =	simm.s32 @!p2 $0x0  }
0x16: {  	s3 =	sld [smem:$0x3FDB];
	s0 =	simm.s32 @p2 $0x1  }
0x17: {  	s4 =	simm.s32 $0x1BF5;
	[smem:$0x3FB4] =	sst s0  }
0x18: {  	s0 =	sld [smem:$0x3F97];
	_ =	swait.ge [sflag:s4], $0x0  }
0x19: {  	s7 =	sld [smem:$0x3F98]  }
0x1a: {  	s8 =	sadd.s32 $0xFFFFE003, lr  }
0x1b: {  	s9 =	sadd.s32 $0xFFFFFEF7, lr;
	s5 =	simm.s32 $0xFFFFFFFF;
	p2 =	slt.u32 s8, $0xFFFFF086  }
0x1c: {  	p1 =	slt.u32 s9, $0xF7A;
	s5 =	simm.s32 @!p2 $0x0  }
0x1d: {  	s5 =	simm.s32 @p1 $0x1;
	p0 =	seq.s32 s7, s2  }
0x1e: {  	s7 =	smul.u32 @!p0 $0xF7A, s2;
	p2 =	seq.s32 @!p0 s5, $0x0  }
0x1f: {  	s9 =	smul.u32 $0xF7A, s1;
	s8 =	simm.s32 @!p0 $0x1BF5;
	p2 =	por !p2, p0  }
0x20: {  	[sflag:s8] =	ssyncset.s32 @!p0 $0xFFFFF086;
	s6 =	sadd.s32 @!p0 s3, s7;
	s7 =	simm.s32 @!p0 $0x108  }
0x21: {  	s3 =	sadd.s32 s3, s9;
	s6 =	sadd.s32 @!p0 $0x88, s6;
	s7 =	simm.s32 @p2 $0x1082  }
0x22: {  	[simem:s7], [sflag:s8] =	dma.local @!p0 [hbm:s6], $0xF7A  }
0x23: {  	s9 =	sor.u32 $0xD0000000, s2;
	s6 =	simm.s32 $0x108;
	_ =	swait.ge @!p0 [sflag:s8], $0x0  }
0x24: {  	s3 =	sadd.s32 $0x88, s3;
	s6 =	simm.s32 @!p1 $0x1082;
	[sflag:s4] =	ssyncset.s32 $0xFFFFF086  }
0x25: {  	[simem:s6], [sflag:s4] =	dma.local [hbm:s3], $0xF7A  }
0x26: {  	[smem:$0x3F98] =	sst s1;
	(tag) =	ssettag s2;
	_ =	strace s9  }
0x27: {  	s1 =	sld [smem:$0x3FA8]  }
0x28: {  	s2 =	sld [smem:$0x3FA9]  }
0x29: {  	s4 =	sld [smem:$0x3FAB]  }
0x2a: {  	p0 =	seq.s32 s5, $0x0;
	s5 =	sld [smem:$0x3FAC]  }
0x2b: {  	s6 =	sld [smem:$0x3FAD]  }
0x2c: {  	s7 =	sld [smem:$0x3FAE]  }
0x2d: {  	s3 =	simm.s32 $0x108;
	s8 =	sld [smem:$0x3FAF]  }
0x2e: {  	s3 =	simm.s32 @!p0 $0x1082;
	s9 =	sld [smem:$0x3FB0]  }
0x2f: {  	lr =	sadd.s32 s0, s3;
	s0 =	sld [smem:$0x3FA7]  }
0x30: {  	s3 =	sld [smem:$0x3FAA]  }
0x31: {  	[smem:$0x3FB3] =	sst s10  }
0x32: {  	s10 =	sld [smem:$0x3FB1];
	_ =	sdelay $0x3  }
0x33: {  	p0 =	seq.s32 s10, $0x1;
	s10 =	sld [smem:$0x3FB3];
	_ =	sdelay $0x3  }
0x34: {  	[smem:$0x3FB3] =	sst s10  }
0x35: {  	s10 =	sld [smem:$0x3FB2];
	_ =	sdelay $0x3  }
0x36: {  	p1 =	seq.s32 s10, $0x1;
	s10 =	sld [smem:$0x3FB3];
	_ =	sdelay $0x3  }
0x37: {  	[smem:$0x3FB3] =	sst s10  }
0x38: {  	s10 =	sld [smem:$0x3FB4]  }
0x39: {  	_ = 	snop;
	(pc) =	sbr.ind lr, $3  }
0x3a: {  	_ = 	snop  }
0x3b: {  	_ = 	snop  }
0x3c: {  	p2 =	seq.s32 s10, $0x1;
	s10 =	sld [smem:$0x3FB3]  }
0x3d: {  	_ =	shalt  }
0x3e: {  	_ =	shalt  }
0x3f: {  	_ =	shalt  }
0x40: {  	_ =	shalt  }
0x41: {  	_ =	shalt  }
0x42: {  	_ =	shalt  }
0x43: {  	_ =	shalt  }
0x44: {  	_ =	shalt  }
0x45: {  	_ =	shalt  }
0x46: {  	_ =	shalt  }
0x47: {  	_ =	shalt  }
0x48: {  	_ =	shalt  }
0x49: {  	_ =	shalt  }
0x4a: {  	_ =	shalt  }
0x4b: {  	_ =	shalt  }
0x4c: {  	_ =	shalt  }
0x4d: {  	_ =	shalt  }
0x4e: {  	_ =	shalt  }
0x4f: {  	_ =	shalt  }
0x50: {  	_ =	shalt  }
0x51: {  	_ =	shalt  }
0x52: {  	_ =	shalt  }
0x53: {  	_ =	shalt  }
0x54: {  	_ =	shalt  }
0x55: {  	_ =	shalt  }
0x56: {  	_ =	shalt  }
0x57: {  	_ =	shalt  }
0x58: {  	_ =	shalt  }
0x59: {  	_ =	shalt  }
0x5a: {  	_ =	shalt  }
0x5b: {  	_ =	shalt  }
0x5c: {  	_ =	shalt  }
0x5d: {  	_ =	shalt  }
0x5e: {  	_ =	shalt  }
0x5f: {  	_ =	shalt  }
0x60: {  	_ =	shalt  }
0x61: {  	_ =	shalt  }
0x62: {  	_ =	shalt  }
0x63: {  	_ =	shalt  }
0x64: {  	_ =	shalt  }
0x65: {  	_ =	shalt  }
0x66: {  	_ =	shalt  }
0x67: {  	_ =	shalt  }
0x68: {  	_ =	shalt  }
0x69: {  	_ =	shalt  }
0x6a: {  	_ =	shalt  }
0x6b: {  	_ =	shalt  }
0x6c: {  	_ =	shalt  }
0x6d: {  	_ =	shalt  }
0x6e: {  	_ =	shalt  }
0x6f: {  	_ =	shalt  }
0x70: {  	_ =	shalt  }
0x71: {  	_ =	shalt  }
0x72: {  	_ =	shalt  }
0x73: {  	_ =	shalt  }
0x74: {  	_ =	shalt  }
0x75: {  	_ =	shalt  }
0x76: {  	_ =	shalt  }
0x77: {  	_ =	shalt  }
0x78: {  	_ =	shalt  }
0x79: {  	_ =	shalt  }
0x7a: {  	_ =	shalt  }
0x7b: {  	_ =	shalt  }
0x7c: {  	_ =	shalt  }
0x7d: {  	_ =	shalt  }
0x7e: {  	_ =	shalt  }
0x7f: {  	_ =	shalt  }
0x80: {  	_ =	shalt  }
0x81: {  	_ =	shalt  }
0x82: {  	_ =	shalt  }
0x83: {  	_ =	shalt  }
0x84: {  	_ =	shalt  }
0x85: {  	_ =	shalt  }
0x86: {  	_ =	shalt  }
0x87: {  	_ =	shalt  }
.Lfunc_end0:
.L_simem_size_0:
called_computation.1_lowered:
.L_overlay_start_0:
0x88: {  	s2 =	sld [smem:$0x3FD9]  }
0x89: {  	s3 =	sld [smem:$0x3FFE];
	_ =	sdelay $0x1  }
0x8a: {  	s1 =	srdreg.scid  }
0x8b: {  	s0 =	sand.u32 $0x1, s1  }
0x8c: {  	s16 =	sshll.u32 s0, $0xA;
	s2 =	sadd.s32 s3, s2  }
0x8d: {  	s2 =	sadd.s32 s2, s16  }
0x8e: {  	[smem:$0x3FBF] =	sst s2  }
0x8f: {  	_ = 	snop  }
0x90: {  	(tm) =	ssettm $0x1  }
0x91: {  	s17 =	sld [smem:$0x3FFB];
	_ =	sdelay $0x3  }
0x92: {  	_ =	strace s17  }
0x93: {  	s2 =	sld [smem:$0x3FFC];
	_ =	sdelay $0x3  }
0x94: {  	_ =	strace s2  }
0x95: {  	s2 =	sld [smem:$0x3FFD];
	_ =	sdelay $0x3  }
0x96: {  	_ =	strace s2  }
0x97: {  	_ =	strace $0x8FFFFFFF  }
0x98: {  	s18 =	sld [smem:$0x3FDB];
	_ =	sdelay $0x1  }
0x99: {  	s19 =	simm.s32 $_scs_section_size  }
0x9a: {  	s4 =	simm.s32 $_size__tile_overlayer_lowered;
	s5 =	simm.s32 $_tile_overlayer_lowered  }
0x9b: {  	s22 =	simm.s32 $0x1BFF;
	s21 =	sshll.u32 s5, $0x1;
	s2 =	sadd.s32 s19, s18  }
0x9c: {  	s6 =	simm.s32 $0x0;
	s20 =	sshll.u32 s4, $0x1;
	s4 =	sadd.s32 s21, s2  }
0x9d: {  	[timem:s6], [sflag:s22] =	dma.local [hbm:s4], s20  }
0x9e: {  	_ =	swait.ge [sflag:s22], s20  }
0x9f: {  	s3 =	ssub.s32 $0x0, s20;
	[sflag:s22] =	ssyncset.done $0x0  }
0xa0: {  	[sflag:s22] =	ssyncadd.s32 s3;
	_ =	sdelay $0x1  }
0xa1: {  	s23 =	simm.s32 $0x1B8B  }
0xa2: {  	_ =	swait.ge [sflag:s23], $0x1  }
0xa3: {  	[sflag:s23] =	ssyncset.done $0x0  }
0xa4: {  	s25 =	simm.s32 $0x1B8E;
	s24 =	sld [smem:$0x3FFE];
	[sflag:s23] =	ssyncadd.s32 $0xFFFFFFFF  }
0xa5: {  	s26 =	simm.s32 $execute0_lowered;
	[smem:$0x3FD2] =	sst s25  }
0xa6: {  	s4 =	sshll.u32 s26, $0x1;
	_ =	strace $0x80000049;
	[dreg:$0x1] =	wrdreg $0xFFFFFFFF  }
0xa7: {  	s28 =	simm.s32 $_size_execute0_lowered;
	s2 =	sadd.s32 s2, s4;
	[dreg:$0x0] =	wrdreg $0x0  }
0xa8: {  	s4 =	sshll.u32 s28, $0x1;
	[dreg:$0x2] =	wrdreg s2  }
0xa9: {  	[dreg:$0x3] =	wrdreg s4  }
0xaa: {  	[dreg:$0x4] =	wrdreg $0xC0  }
0xab: {  	_ =	task [dreg:s6], $0x5FFFF  }
0xac: {  	[dreg:$0x1] =	wrdreg $0xFFFFFFFF  }
0xad: {  	[dreg:$0x0] =	wrdreg $0x60  }
0xae: {  	[dreg:$0x2] =	wrdreg s24  }
0xaf: {  	[dreg:$0x3] =	wrdreg $0x9  }
0xb0: {  	_ =	task.clear_ibuf [dreg:s6], $0x4FFFF;
	_ =	strace $0x90000049  }
0xb1: {  	s29 =	simm.s32 $0x9;
	_ =	strace $0x8000004B  }
0xb2: {  	_ =	swait.ge [sflag:s29], $0x1  }
0xb3: {  	[sflag:s29] =	ssyncadd.s32 $0xFFFFFFFF  }
0xb4: {  	_ =	strace $0x9000004B  }
0xb5: {  	_ =	sfence  }
0xb6: {  	s30 =	sld [smem:$0x0];
	_ =	sdelay $0x2  }
0xb7: {  	s31 =	sshll.u32 s1, $0xD;
	s1 =	sshrl.u32 s1, $0x2  }
0xb8: {  	s3 =	sand.u32 $0x4000, s31;
	s1 =	sadd.s32 s1, s30  }
0xb9: {  	s0 =	sor.u32 s3, s0;
	s1 =	sshll.u32 s1, $0x11  }
0xba: {  	s0 =	sor.u32 s1, s0  }
0xbb: {  	s0 =	sadd.s32 $0x8F2B, s0  }
0xbc: {  	[sflag:s0] =	ssyncadd.remote.s32 $0x1  }
0xbd: {  	_ =	sfence.sel $0xFFFF  }
0xbe: {  	[dreg:$0x0] =	wrdreg $0xFFFFFFFF;
	(pc) =	sbr.abs _section_cstart, $3  }
0xbf: {  	[dreg:$0x1] =	wrdreg $0xFFFFFFFF  }
0xc0: {  	_ =	task.clear_ibuf [dreg:s6], $0x2FFFF;
	_ =	strace $0x9FFFFFFF  }
0xc1: {  	(tm) =	ssettm $0x7FFFFFFF  }
tec
execute0_lowered:
.L_overlay_start_1:
0x0: {  	(tag) =	ssettag $0x1  }
0x1: {  	s0 =	rddreg [dreg:$0x0]  }
0x2: {  	s1 =	srdreg.scid;
	s3 =	stileid.u32  }
0x3: {  	s2 =	simm.s32 $0x0;
	s26 =	simm.s32 $0x80;
	s28 =	simm.s32 $0x100  }
0x4: {  	s29 =	simm.s32 $0x180;
	s30 =	simm.s32 $0x1200;
	s31 =	simm.s32 $0x1A00  }
0x5: {  	s14 =	simm.s32 $0x3200;
	s15 =	simm.s32 $0x3A00;
	s16 =	simm.s32 $0x4200  }
0x6: {  	s17 =	simm.s32 $0x4A00;
	s18 =	simm.s32 $0x5200;
	s1 =	sand.u32 $0x1, s1  }
0x7: {  	s3 =	sshll.u32 s3, $0x7;
	[smem:$0x7FF] =	sst s2;
	s8 =	sadd.s32 $0x11400, s0  }
0x8: {  	s9 =	sadd.s32 $0x11600, s0;
	_ =	strace $0x8000004A;
	[dreg:$0xa] =	wrdreg s26  }
0x9: {  	s23 =	sadd.s32 $0x91600, s0;
	s4 =	sshll.u32 s1, $0x6;
	[dreg:$0xb] =	wrdreg s28  }
0xa: {  	s1 =	ssub.s32 $0x2, s1;
	[dreg:$0xc] =	wrdreg s29;
	s26 =	simm.s32 $0x1  }
0xb: {  	s5 =	sor.u32 s4, s3;
	s3 =	sadd.s32 $0x345800, s0;
	s12 =	sshrl.u32 s1, $0x1  }
0xc: {  	s6 =	sshll.u32 s5, $0x1;
	s11 =	sor.u32 $0x20, s5;
	s1 =	ssub.s32 s1, s12  }
0xd: {  	s20 =	sshll.u32 s5, $0x8;
	s5 =	sadd.s32 $0x345A00, s0;
	s12 =	simm.s32 $0x2  }
0xe: {  	s7 =	sand.u32 $0xF00, s6;
	s13 =	sand.u32 $0x60, s11;
	s21 =	sadd.s32 s9, s20  }
0xf: {  	s22 =	sshll.u32 s11, $0x8;
	s24 =	sadd.s32 s20, s23;
	s11 =	smax.u32 s1, $0x1  }
0x10: {  	s20 =	simm.s32 $0x6200;
	s10 =	sor.u32 s4, s7;
	s7 =	sor.u32 s13, s7  }
0x11: {  	s4 =	sor.u32 s4, s6;
	s6 =	sor.u32 s6, s13;
	[dreg:$0x6] =	wrdreg s21  }
0x12: {  	s9 =	sadd.s32 s9, s22;
	[dreg:$0x8] =	wrdreg s24;
	s25 =	sadd.s32 s22, s23  }
0x13: {  	s21 =	simm.s32 $0x6A00;
	s22 =	simm.s32 $0x7200;
	s23 =	simm.s32 $0x7A00  }
0x14: {  	s24 =	simm.s32 $0x8200;
	s13 =	simm.s32 $0x9200;
	s10 =	sshrl.u32 s10, $0x3  }
0x15: {  	s7 =	sshrl.u32 s7, $0x3;
	s4 =	sshrl.u32 s4, $0x3;
	[dreg:$0x7] =	wrdreg s9  }
0x16: {  	s6 =	sshrl.u32 s6, $0x3;
	[dreg:$0x9] =	wrdreg s25;
	s9 =	sadd.s32 $0x345E00, s0  }
0x17: {  	s25 =	simm.s32 $0x8A00;
	s10 =	sadd.s32 s8, s10;
	s7 =	sadd.s32 s8, s7  }
0x18: {  	s4 =	sor.u32 $0x10, s4;
	s6 =	sor.u32 $0x10, s6;
	[dreg:$0x2] =	wrdreg s10  }
0x19: {  	[dreg:$0x3] =	wrdreg s7;
	s4 =	sadd.s32 s8, s4;
	s19 =	sadd.s32 s8, s6  }
0x1a: {  	v2 =	vlaneseq.u32;
	s6 =	sadd.s32 $0x345B00, s0;
	s7 =	sadd.s32 $0x345C00, s0;
	[dreg:$0x4] =	wrdreg s4  }
0x1b: {  	vm0 =	vmmov $0xffff;
	v1 =	vshrl.u32 v2, $0x3;
	s8 =	sadd.s32 $0x345D00, s0;
	s10 =	sadd.s32 $0x345F00, s0;
	[dreg:$0x5] =	wrdreg s19  }
0x1c: {  	v0 =	vand.u32 $0x7, v2;
	v2 =	vor.u32 $0x8, v2;
	v1 =	vmul.u32 $0x8, v1;
	s4 =	sadd.s32 $0x345900, s0;
	s0 =	simm.s32 $0x200;
	s19 =	simm.s32 $0x5A00  }
.LBB2_1:
0x1d: {  	s28 =	rddreg [dreg:$0x2]  }
0x1e: {  	[tilespmem:s2], [sflag:$0x2] =	stream.linear.gather [hbm4b:s28+s2], $0x20, $0x38;
	[tilespmem:$0x10200] =	vst v63  }
0x1f: {  	_ =	swait.ge [sflag:s12], $0x20  }
0x20: {  	s1 =	rddreg [dreg:$0x3];
	[sflag:s12] =	ssyncset.done $0x0  }
0x21: {  	s29 =	rddreg [dreg:$0xa];
	[sflag:s12] =	ssyncadd.s32 $0xFFFFFFE0  }
0x22: {  	[tilespmem:s29], [sflag:$0x2] =	stream.linear.gather [hbm4b:s1+s2], $0x20, $0x38;
	[tilespmem:$0x10200] =	vst v63  }
0x23: {  	_ =	swait.ge [sflag:s12], $0x20  }
0x24: {  	s28 =	rddreg [dreg:$0x4];
	[sflag:s12] =	ssyncset.done $0x0  }
0x25: {  	s1 =	rddreg [dreg:$0xb];
	[sflag:s12] =	ssyncadd.s32 $0xFFFFFFE0  }
0x26: {  	[tilespmem:s1], [sflag:$0x2] =	stream.linear.gather [hbm4b:s28+s2], $0x20, $0x38;
	[tilespmem:$0x10200] =	vst v63  }
0x27: {  	_ =	swait.ge [sflag:s12], $0x20  }
0x28: {  	s28 =	rddreg [dreg:$0x5];
	[sflag:s12] =	ssyncset.done $0x0  }
0x29: {  	s1 =	rddreg [dreg:$0xc];
	[sflag:s12] =	ssyncadd.s32 $0xFFFFFFE0  }
0x2a: {  	[tilespmem:s1], [sflag:$0x2] =	stream.linear.gather [hbm4b:s28+s2], $0x20, $0x38;
	[tilespmem:$0x10200] =	vst v63  }
0x2b: {  	_ =	swait.ge [sflag:s12], $0x20  }
0x2c: {  	[sflag:s12] =	ssyncset.done $0x0  }
0x2d: {  	[sflag:s12] =	ssyncadd.s32 $0xFFFFFFE0  }
0x2e: {  	v3 =	vld [tilespmem:$0x0];
	_ =	sdelay $0x4  }
0x2f: {  	v4 =	vshll.u32 v3, $0x4  }
0x30: {  	v3 =	vand.u32 $0x7, v3;
	v4 =	vand.u32 $0xFFFFFF80, v4  }
0x31: {  	v3 =	vor.u32 v3, v4  }
0x32: {  	v4 =	vperm.xlane v3, v0;
	_ =	sdelay $0x1  }
0x33: {  	v4 =	vadd.s32 v1, v4;
	_ =	sdelay $0x4  }
0x34: {  	[tilespmem:s0], [sflag:$0x1] =	stream.indirect_vreg.gather [hbm4b:s3+s2], $0x80, v4, vm0, $0xb8;
	[tilespmem:$0x10200] =	vst v63  }
0x35: {  	s29 =	simm.s32 $0xA00  }
0x36: {  	[tilespmem:s29], [sflag:$0x1] =	stream.indirect_vreg.gather [hbm4b:s4+s2], $0x80, v4, vm0, $0xb8;
	[tilespmem:$0x10200] =	vst v63  }
0x37: {  	_ = 	snop  }
0x38: {  	[tilespmem:s30], [sflag:$0x1] =	stream.indirect_vreg.gather [hbm4b:s5+s2], $0x80, v4, vm0, $0xb8;
	[tilespmem:$0x10200] =	vst v63  }
0x39: {  	_ = 	snop  }
0x3a: {  	[tilespmem:s31], [sflag:$0x1] =	stream.indirect_vreg.gather [hbm4b:s6+s2], $0x80, v4, vm0, $0xb8;
	[tilespmem:$0x10200] =	vst v63  }
0x3b: {  	s1 =	simm.s32 $0x2200  }
0x3c: {  	[tilespmem:s1], [sflag:$0x1] =	stream.indirect_vreg.gather [hbm4b:s7+s2], $0x80, v4, vm0, $0xb8;
	[tilespmem:$0x10200] =	vst v63  }
0x3d: {  	v3 =	vperm.xlane v3, v2;
	s1 =	simm.s32 $0x2A00  }
0x3e: {  	[tilespmem:s1], [sflag:$0x1] =	stream.indirect_vreg.gather [hbm4b:s8+s2], $0x80, v4, vm0, $0xb8;
	[tilespmem:$0x10200] =	vst v63  }
0x3f: {  	v3 =	vadd.s32 v1, v3  }
0x40: {  	[tilespmem:s14], [sflag:$0x1] =	stream.indirect_vreg.gather [hbm4b:s9+s2], $0x80, v4, vm0, $0xb8;
	[tilespmem:$0x10200] =	vst v63  }
0x41: {  	_ = 	snop  }
0x42: {  	[tilespmem:s15], [sflag:$0x1] =	stream.indirect_vreg.gather [hbm4b:s10+s2], $0x80, v4, vm0, $0xb8;
	[tilespmem:$0x10200] =	vst v63  }
0x43: {  	_ = 	snop  }
0x44: {  	[tilespmem:s16], [sflag:$0x1] =	stream.indirect_vreg.gather [hbm4b:s3+s2], $0x80, v3, vm0, $0xb8;
	[tilespmem:$0x10200] =	vst v63  }
0x45: {  	_ = 	snop  }
0x46: {  	[tilespmem:s17], [sflag:$0x1] =	stream.indirect_vreg.gather [hbm4b:s4+s2], $0x80, v3, vm0, $0xb8;
	[tilespmem:$0x10200] =	vst v63  }
0x47: {  	_ = 	snop  }
0x48: {  	[tilespmem:s18], [sflag:$0x1] =	stream.indirect_vreg.gather [hbm4b:s5+s2], $0x80, v3, vm0, $0xb8;
	[tilespmem:$0x10200] =	vst v63  }
0x49: {  	_ = 	snop  }
0x4a: {  	[tilespmem:s19], [sflag:$0x1] =	stream.indirect_vreg.gather [hbm4b:s6+s2], $0x80, v3, vm0, $0xb8;
	[tilespmem:$0x10200] =	vst v63  }
0x4b: {  	_ = 	snop  }
0x4c: {  	[tilespmem:s20], [sflag:$0x1] =	stream.indirect_vreg.gather [hbm4b:s7+s2], $0x80, v3, vm0, $0xb8;
	[tilespmem:$0x10200] =	vst v63  }
0x4d: {  	_ = 	snop  }
0x4e: {  	[tilespmem:s21], [sflag:$0x1] =	stream.indirect_vreg.gather [hbm4b:s8+s2], $0x80, v3, vm0, $0xb8;
	[tilespmem:$0x10200] =	vst v63  }
0x4f: {  	_ = 	snop  }
0x50: {  	[tilespmem:s22], [sflag:$0x1] =	stream.indirect_vreg.gather [hbm4b:s9+s2], $0x80, v3, vm0, $0xb8;
	[tilespmem:$0x10200] =	vst v63  }
0x51: {  	_ = 	snop  }
0x52: {  	[tilespmem:s23], [sflag:$0x1] =	stream.indirect_vreg.gather [hbm4b:s10+s2], $0x80, v3, vm0, $0xb8;
	[tilespmem:$0x10200] =	vst v63  }
0x53: {  	v3 =	vld [tilespmem:$0x10];
	_ =	sdelay $0x4  }
0x54: {  	v57 =	vshll.u32 v3, $0x4  }
0x55: {  	v3 =	vand.u32 $0x7, v3;
	v4 =	vand.u32 $0xFFFFFF80, v57  }
0x56: {  	v3 =	vor.u32 v3, v4  }
0x57: {  	v4 =	vperm.xlane v3, v0;
	_ =	sdelay $0x1  }
0x58: {  	v4 =	vadd.s32 v1, v4;
	_ =	sdelay $0x4  }
0x59: {  	[tilespmem:s24], [sflag:$0x1] =	stream.indirect_vreg.gather [hbm4b:s3+s2], $0x80, v4, vm0, $0xb8;
	[tilespmem:$0x10200] =	vst v63  }
0x5a: {  	_ = 	snop  }
0x5b: {  	[tilespmem:s25], [sflag:$0x1] =	stream.indirect_vreg.gather [hbm4b:s4+s2], $0x80, v4, vm0, $0xb8;
	[tilespmem:$0x10200] =	vst v63  }
0x5c: {  	_ = 	snop  }
0x5d: {  	[tilespmem:s13], [sflag:$0x1] =	stream.indirect_vreg.gather [hbm4b:s5+s2], $0x80, v4, vm0, $0xb8;
	[tilespmem:$0x10200] =	vst v63  }
0x5e: {  	s28 =	simm.s32 $0x9A00  }
0x5f: {  	[tilespmem:s28], [sflag:$0x1] =	stream.indirect_vreg.gather [hbm4b:s6+s2], $0x80, v4, vm0, $0xb8;
	[tilespmem:$0x10200] =	vst v63  }
0x60: {  	s28 =	simm.s32 $0xA200  }
0x61: {  	[tilespmem:s28], [sflag:$0x1] =	stream.indirect_vreg.gather [hbm4b:s7+s2], $0x80, v4, vm0, $0xb8;
	[tilespmem:$0x10200] =	vst v63  }
0x62: {  	v3 =	vperm.xlane v3, v2;
	s28 =	simm.s32 $0xAA00  }
0x63: {  	[tilespmem:s28], [sflag:$0x1] =	stream.indirect_vreg.gather [hbm4b:s8+s2], $0x80, v4, vm0, $0xb8;
	[tilespmem:$0x10200] =	vst v63  }
0x64: {  	v3 =	vadd.s32 v1, v3;
	s28 =	simm.s32 $0xB200  }
0x65: {  	[tilespmem:s28], [sflag:$0x1] =	stream.indirect_vreg.gather [hbm4b:s9+s2], $0x80, v4, vm0, $0xb8;
	[tilespmem:$0x10200] =	vst v63  }
0x66: {  	s28 =	simm.s32 $0xBA00  }
0x67: {  	[tilespmem:s28], [sflag:$0x1] =	stream.indirect_vreg.gather [hbm4b:s10+s2], $0x80, v4, vm0, $0xb8;
	[tilespmem:$0x10200] =	vst v63  }
0x68: {  	s28 =	simm.s32 $0xC200  }
0x69: {  	[tilespmem:s28], [sflag:$0x1] =	stream.indirect_vreg.gather [hbm4b:s3+s2], $0x80, v3, vm0, $0xb8;
	[tilespmem:$0x10200] =	vst v63  }
0x6a: {  	s28 =	simm.s32 $0xCA00  }
0x6b: {  	[tilespmem:s28], [sflag:$0x1] =	stream.indirect_vreg.gather [hbm4b:s4+s2], $0x80, v3, vm0, $0xb8;
	[tilespmem:$0x10200] =	vst v63  }
0x6c: {  	s28 =	simm.s32 $0xD200  }
0x6d: {  	[tilespmem:s28], [sflag:$0x1] =	stream.indirect_vreg.gather [hbm4b:s5+s2], $0x80, v3, vm0, $0xb8;
	[tilespmem:$0x10200] =	vst v63  }
0x6e: {  	s28 =	simm.s32 $0xDA00  }
0x6f: {  	[tilespmem:s28], [sflag:$0x1] =	stream.indirect_vreg.gather [hbm4b:s6+s2], $0x80, v3, vm0, $0xb8;
	[tilespmem:$0x10200] =	vst v63  }
0x70: {  	s28 =	simm.s32 $0xE200  }
0x71: {  	[tilespmem:s28], [sflag:$0x1] =	stream.indirect_vreg.gather [hbm4b:s7+s2], $0x80, v3, vm0, $0xb8;
	[tilespmem:$0x10200] =	vst v63  }
0x72: {  	s28 =	simm.s32 $0xEA00  }
0x73: {  	[tilespmem:s28], [sflag:$0x1] =	stream.indirect_vreg.gather [hbm4b:s8+s2], $0x80, v3, vm0, $0xb8;
	[tilespmem:$0x10200] =	vst v63  }
0x74: {  	s28 =	simm.s32 $0xF200  }
0x75: {  	[tilespmem:s28], [sflag:$0x1] =	stream.indirect_vreg.gather [hbm4b:s9+s2], $0x80, v3, vm0, $0xb8;
	[tilespmem:$0x10200] =	vst v63  }
0x76: {  	s28 =	simm.s32 $0xFA00  }
0x77: {  	[tilespmem:s28], [sflag:$0x1] =	stream.indirect_vreg.gather [hbm4b:s10+s2], $0x80, v3, vm0, $0xb8;
	[tilespmem:$0x10200] =	vst v63  }
0x78: {  	_ =	swait.ge [sflag:s26], $0x10000  }
0x79: {  	[sflag:s26] =	ssyncset.done $0x0  }
0x7a: {  	s28 =	rddreg [dreg:$0x6];
	[sflag:s26] =	ssyncadd.s32 $0xFFFF0000  }
0x7b: {  	[hbm4b:s28+s2] =	stream.linear.scatter [tilespmem:s0], [sflag:$0x2], $0x10000, $0x38;
	[tilespmem:$0x10200] =	vst v63  }
0x7c: {  	_ =	swait.ge [sflag:s12], $0x10000  }
0x7d: {  	[sflag:s12] =	ssyncset.done $0x0  }
0x7e: {  	[sflag:s12] =	ssyncadd.s32 $0xFFFF0000  }
0x7f: {  	v3 =	vld [tilespmem:$0x80];
	_ =	sdelay $0x4  }
0x80: {  	v58 =	vshll.u32 v3, $0x4  }
0x81: {  	v3 =	vand.u32 $0x7, v3;
	v4 =	vand.u32 $0xFFFFFF80, v58  }
0x82: {  	v3 =	vor.u32 v3, v4  }
0x83: {  	v4 =	vperm.xlane v3, v0;
	_ =	sdelay $0x1  }
0x84: {  	v4 =	vadd.s32 v1, v4;
	_ =	sdelay $0x4  }
0x85: {  	[tilespmem:s0], [sflag:$0x1] =	stream.indirect_vreg.gather [hbm4b:s3+s2], $0x80, v4, vm0, $0xb8;
	[tilespmem:$0x10200] =	vst v63  }
0x86: {  	_ = 	snop  }
0x87: {  	[tilespmem:s29], [sflag:$0x1] =	stream.indirect_vreg.gather [hbm4b:s4+s2], $0x80, v4, vm0, $0xb8;
	[tilespmem:$0x10200] =	vst v63  }
0x88: {  	_ = 	snop  }
0x89: {  	[tilespmem:s30], [sflag:$0x1] =	stream.indirect_vreg.gather [hbm4b:s5+s2], $0x80, v4, vm0, $0xb8;
	[tilespmem:$0x10200] =	vst v63  }
0x8a: {  	_ = 	snop  }
0x8b: {  	[tilespmem:s31], [sflag:$0x1] =	stream.indirect_vreg.gather [hbm4b:s6+s2], $0x80, v4, vm0, $0xb8;
	[tilespmem:$0x10200] =	vst v63  }
0x8c: {  	s28 =	simm.s32 $0x2200  }
0x8d: {  	[tilespmem:s28], [sflag:$0x1] =	stream.indirect_vreg.gather [hbm4b:s7+s2], $0x80, v4, vm0, $0xb8;
	[tilespmem:$0x10200] =	vst v63  }
0x8e: {  	v3 =	vperm.xlane v3, v2  }
0x8f: {  	[tilespmem:s1], [sflag:$0x1] =	stream.indirect_vreg.gather [hbm4b:s8+s2], $0x80, v4, vm0, $0xb8;
	[tilespmem:$0x10200] =	vst v63  }
0x90: {  	v3 =	vadd.s32 v1, v3  }
0x91: {  	[tilespmem:s14], [sflag:$0x1] =	stream.indirect_vreg.gather [hbm4b:s9+s2], $0x80, v4, vm0, $0xb8;
	[tilespmem:$0x10200] =	vst v63  }
0x92: {  	_ = 	snop  }
0x93: {  	[tilespmem:s15], [sflag:$0x1] =	stream.indirect_vreg.gather [hbm4b:s10+s2], $0x80, v4, vm0, $0xb8;
	[tilespmem:$0x10200] =	vst v63  }
0x94: {  	_ = 	snop  }
0x95: {  	[tilespmem:s16], [sflag:$0x1] =	stream.indirect_vreg.gather [hbm4b:s3+s2], $0x80, v3, vm0, $0xb8;
	[tilespmem:$0x10200] =	vst v63  }
0x96: {  	_ = 	snop  }
0x97: {  	[tilespmem:s17], [sflag:$0x1] =	stream.indirect_vreg.gather [hbm4b:s4+s2], $0x80, v3, vm0, $0xb8;
	[tilespmem:$0x10200] =	vst v63  }
0x98: {  	_ = 	snop  }
0x99: {  	[tilespmem:s18], [sflag:$0x1] =	stream.indirect_vreg.gather [hbm4b:s5+s2], $0x80, v3, vm0, $0xb8;
	[tilespmem:$0x10200] =	vst v63  }
0x9a: {  	_ = 	snop  }
0x9b: {  	[tilespmem:s19], [sflag:$0x1] =	stream.indirect_vreg.gather [hbm4b:s6+s2], $0x80, v3, vm0, $0xb8;
	[tilespmem:$0x10200] =	vst v63  }
0x9c: {  	_ = 	snop  }
0x9d: {  	[tilespmem:s20], [sflag:$0x1] =	stream.indirect_vreg.gather [hbm4b:s7+s2], $0x80, v3, vm0, $0xb8;
	[tilespmem:$0x10200] =	vst v63  }
0x9e: {  	_ = 	snop  }
0x9f: {  	[tilespmem:s21], [sflag:$0x1] =	stream.indirect_vreg.gather [hbm4b:s8+s2], $0x80, v3, vm0, $0xb8;
	[tilespmem:$0x10200] =	vst v63  }
0xa0: {  	_ = 	snop  }
0xa1: {  	[tilespmem:s22], [sflag:$0x1] =	stream.indirect_vreg.gather [hbm4b:s9+s2], $0x80, v3, vm0, $0xb8;
	[tilespmem:$0x10200] =	vst v63  }
0xa2: {  	_ = 	snop  }
0xa3: {  	[tilespmem:s23], [sflag:$0x1] =	stream.indirect_vreg.gather [hbm4b:s10+s2], $0x80, v3, vm0, $0xb8;
	[tilespmem:$0x10200] =	vst v63  }
0xa4: {  	v3 =	vld [tilespmem:$0x90];
	_ =	sdelay $0x4  }
0xa5: {  	v59 =	vshll.u32 v3, $0x4  }
0xa6: {  	v3 =	vand.u32 $0x7, v3;
	v4 =	vand.u32 $0xFFFFFF80, v59  }
0xa7: {  	v3 =	vor.u32 v3, v4  }
0xa8: {  	v4 =	vperm.xlane v3, v0;
	_ =	sdelay $0x1  }
0xa9: {  	v4 =	vadd.s32 v1, v4;
	_ =	sdelay $0x4  }
0xaa: {  	[tilespmem:s24], [sflag:$0x1] =	stream.indirect_vreg.gather [hbm4b:s3+s2], $0x80, v4, vm0, $0xb8;
	[tilespmem:$0x10200] =	vst v63  }
0xab: {  	_ = 	snop  }
0xac: {  	[tilespmem:s25], [sflag:$0x1] =	stream.indirect_vreg.gather [hbm4b:s4+s2], $0x80, v4, vm0, $0xb8;
	[tilespmem:$0x10200] =	vst v63  }
0xad: {  	_ = 	snop  }
0xae: {  	[tilespmem:s13], [sflag:$0x1] =	stream.indirect_vreg.gather [hbm4b:s5+s2], $0x80, v4, vm0, $0xb8;
	[tilespmem:$0x10200] =	vst v63  }
0xaf: {  	s28 =	simm.s32 $0x9A00  }
0xb0: {  	[tilespmem:s28], [sflag:$0x1] =	stream.indirect_vreg.gather [hbm4b:s6+s2], $0x80, v4, vm0, $0xb8;
	[tilespmem:$0x10200] =	vst v63  }
0xb1: {  	s28 =	simm.s32 $0xA200  }
0xb2: {  	[tilespmem:s28], [sflag:$0x1] =	stream.indirect_vreg.gather [hbm4b:s7+s2], $0x80, v4, vm0, $0xb8;
	[tilespmem:$0x10200] =	vst v63  }
0xb3: {  	v3 =	vperm.xlane v3, v2;
	s28 =	simm.s32 $0xAA00  }
0xb4: {  	[tilespmem:s28], [sflag:$0x1] =	stream.indirect_vreg.gather [hbm4b:s8+s2], $0x80, v4, vm0, $0xb8;
	[tilespmem:$0x10200] =	vst v63  }
0xb5: {  	v3 =	vadd.s32 v1, v3;
	s28 =	simm.s32 $0xB200  }
0xb6: {  	[tilespmem:s28], [sflag:$0x1] =	stream.indirect_vreg.gather [hbm4b:s9+s2], $0x80, v4, vm0, $0xb8;
	[tilespmem:$0x10200] =	vst v63  }
0xb7: {  	s28 =	simm.s32 $0xBA00  }
0xb8: {  	[tilespmem:s28], [sflag:$0x1] =	stream.indirect_vreg.gather [hbm4b:s10+s2], $0x80, v4, vm0, $0xb8;
	[tilespmem:$0x10200] =	vst v63  }
0xb9: {  	s28 =	simm.s32 $0xC200  }
0xba: {  	[tilespmem:s28], [sflag:$0x1] =	stream.indirect_vreg.gather [hbm4b:s3+s2], $0x80, v3, vm0, $0xb8;
	[tilespmem:$0x10200] =	vst v63  }
0xbb: {  	s28 =	simm.s32 $0xCA00  }
0xbc: {  	[tilespmem:s28], [sflag:$0x1] =	stream.indirect_vreg.gather [hbm4b:s4+s2], $0x80, v3, vm0, $0xb8;
	[tilespmem:$0x10200] =	vst v63  }
0xbd: {  	s28 =	simm.s32 $0xD200  }
0xbe: {  	[tilespmem:s28], [sflag:$0x1] =	stream.indirect_vreg.gather [hbm4b:s5+s2], $0x80, v3, vm0, $0xb8;
	[tilespmem:$0x10200] =	vst v63  }
0xbf: {  	s28 =	simm.s32 $0xDA00  }
0xc0: {  	[tilespmem:s28], [sflag:$0x1] =	stream.indirect_vreg.gather [hbm4b:s6+s2], $0x80, v3, vm0, $0xb8;
	[tilespmem:$0x10200] =	vst v63  }
0xc1: {  	s28 =	simm.s32 $0xE200  }
0xc2: {  	[tilespmem:s28], [sflag:$0x1] =	stream.indirect_vreg.gather [hbm4b:s7+s2], $0x80, v3, vm0, $0xb8;
	[tilespmem:$0x10200] =	vst v63  }
0xc3: {  	s28 =	simm.s32 $0xEA00  }
0xc4: {  	[tilespmem:s28], [sflag:$0x1] =	stream.indirect_vreg.gather [hbm4b:s8+s2], $0x80, v3, vm0, $0xb8;
	[tilespmem:$0x10200] =	vst v63  }
0xc5: {  	s28 =	simm.s32 $0xF200  }
0xc6: {  	[tilespmem:s28], [sflag:$0x1] =	stream.indirect_vreg.gather [hbm4b:s9+s2], $0x80, v3, vm0, $0xb8;
	[tilespmem:$0x10200] =	vst v63  }
0xc7: {  	s28 =	simm.s32 $0xFA00  }
0xc8: {  	[tilespmem:s28], [sflag:$0x1] =	stream.indirect_vreg.gather [hbm4b:s10+s2], $0x80, v3, vm0, $0xb8;
	[tilespmem:$0x10200] =	vst v63  }
0xc9: {  	_ =	swait.ge [sflag:s26], $0x10000  }
0xca: {  	[sflag:s26] =	ssyncset.done $0x0  }
0xcb: {  	s28 =	rddreg [dreg:$0x7];
	[sflag:s26] =	ssyncadd.s32 $0xFFFF0000  }
0xcc: {  	[hbm4b:s28+s2] =	stream.linear.scatter [tilespmem:s0], [sflag:$0x2], $0x10000, $0x38;
	[tilespmem:$0x10200] =	vst v63  }
0xcd: {  	_ =	swait.ge [sflag:s12], $0x10000  }
0xce: {  	[sflag:s12] =	ssyncset.done $0x0  }
0xcf: {  	[sflag:s12] =	ssyncadd.s32 $0xFFFF0000  }
0xd0: {  	v3 =	vld [tilespmem:$0x100];
	_ =	sdelay $0x4  }
0xd1: {  	v60 =	vshll.u32 v3, $0x4  }
0xd2: {  	v3 =	vand.u32 $0x7, v3;
	v4 =	vand.u32 $0xFFFFFF80, v60  }
0xd3: {  	v3 =	vor.u32 v3, v4  }
0xd4: {  	v4 =	vperm.xlane v3, v0;
	_ =	sdelay $0x1  }
0xd5: {  	v4 =	vadd.s32 v1, v4;
	_ =	sdelay $0x4  }
0xd6: {  	[tilespmem:s0], [sflag:$0x1] =	stream.indirect_vreg.gather [hbm4b:s3+s2], $0x80, v4, vm0, $0xb8;
	[tilespmem:$0x10200] =	vst v63  }
0xd7: {  	_ = 	snop  }
0xd8: {  	[tilespmem:s29], [sflag:$0x1] =	stream.indirect_vreg.gather [hbm4b:s4+s2], $0x80, v4, vm0, $0xb8;
	[tilespmem:$0x10200] =	vst v63  }
0xd9: {  	_ = 	snop  }
0xda: {  	[tilespmem:s30], [sflag:$0x1] =	stream.indirect_vreg.gather [hbm4b:s5+s2], $0x80, v4, vm0, $0xb8;
	[tilespmem:$0x10200] =	vst v63  }
0xdb: {  	_ = 	snop  }
0xdc: {  	[tilespmem:s31], [sflag:$0x1] =	stream.indirect_vreg.gather [hbm4b:s6+s2], $0x80, v4, vm0, $0xb8;
	[tilespmem:$0x10200] =	vst v63  }
0xdd: {  	s28 =	simm.s32 $0x2200  }
0xde: {  	[tilespmem:s28], [sflag:$0x1] =	stream.indirect_vreg.gather [hbm4b:s7+s2], $0x80, v4, vm0, $0xb8;
	[tilespmem:$0x10200] =	vst v63  }
0xdf: {  	v3 =	vperm.xlane v3, v2  }
0xe0: {  	[tilespmem:s1], [sflag:$0x1] =	stream.indirect_vreg.gather [hbm4b:s8+s2], $0x80, v4, vm0, $0xb8;
	[tilespmem:$0x10200] =	vst v63  }
0xe1: {  	v3 =	vadd.s32 v1, v3  }
0xe2: {  	[tilespmem:s14], [sflag:$0x1] =	stream.indirect_vreg.gather [hbm4b:s9+s2], $0x80, v4, vm0, $0xb8;
	[tilespmem:$0x10200] =	vst v63  }
0xe3: {  	_ = 	snop  }
0xe4: {  	[tilespmem:s15], [sflag:$0x1] =	stream.indirect_vreg.gather [hbm4b:s10+s2], $0x80, v4, vm0, $0xb8;
	[tilespmem:$0x10200] =	vst v63  }
0xe5: {  	_ = 	snop  }
0xe6: {  	[tilespmem:s16], [sflag:$0x1] =	stream.indirect_vreg.gather [hbm4b:s3+s2], $0x80, v3, vm0, $0xb8;
	[tilespmem:$0x10200] =	vst v63  }
0xe7: {  	_ = 	snop  }
0xe8: {  	[tilespmem:s17], [sflag:$0x1] =	stream.indirect_vreg.gather [hbm4b:s4+s2], $0x80, v3, vm0, $0xb8;
	[tilespmem:$0x10200] =	vst v63  }
0xe9: {  	_ = 	snop  }
0xea: {  	[tilespmem:s18], [sflag:$0x1] =	stream.indirect_vreg.gather [hbm4b:s5+s2], $0x80, v3, vm0, $0xb8;
	[tilespmem:$0x10200] =	vst v63  }
0xeb: {  	_ = 	snop  }
0xec: {  	[tilespmem:s19], [sflag:$0x1] =	stream.indirect_vreg.gather [hbm4b:s6+s2], $0x80, v3, vm0, $0xb8;
	[tilespmem:$0x10200] =	vst v63  }
0xed: {  	_ = 	snop  }
0xee: {  	[tilespmem:s20], [sflag:$0x1] =	stream.indirect_vreg.gather [hbm4b:s7+s2], $0x80, v3, vm0, $0xb8;
	[tilespmem:$0x10200] =	vst v63  }
0xef: {  	_ = 	snop  }
0xf0: {  	[tilespmem:s21], [sflag:$0x1] =	stream.indirect_vreg.gather [hbm4b:s8+s2], $0x80, v3, vm0, $0xb8;
	[tilespmem:$0x10200] =	vst v63  }
0xf1: {  	_ = 	snop  }
0xf2: {  	[tilespmem:s22], [sflag:$0x1] =	stream.indirect_vreg.gather [hbm4b:s9+s2], $0x80, v3, vm0, $0xb8;
	[tilespmem:$0x10200] =	vst v63  }
0xf3: {  	_ = 	snop  }
0xf4: {  	[tilespmem:s23], [sflag:$0x1] =	stream.indirect_vreg.gather [hbm4b:s10+s2], $0x80, v3, vm0, $0xb8;
	[tilespmem:$0x10200] =	vst v63  }
0xf5: {  	v3 =	vld [tilespmem:$0x110];
	_ =	sdelay $0x4  }
0xf6: {  	v61 =	vshll.u32 v3, $0x4  }
0xf7: {  	v3 =	vand.u32 $0x7, v3;
	v4 =	vand.u32 $0xFFFFFF80, v61  }
0xf8: {  	v3 =	vor.u32 v3, v4  }
0xf9: {  	v4 =	vperm.xlane v3, v0;
	_ =	sdelay $0x1  }
0xfa: {  	v4 =	vadd.s32 v1, v4;
	_ =	sdelay $0x4  }
0xfb: {  	[tilespmem:s24], [sflag:$0x1] =	stream.indirect_vreg.gather [hbm4b:s3+s2], $0x80, v4, vm0, $0xb8;
	[tilespmem:$0x10200] =	vst v63  }
0xfc: {  	_ = 	snop  }
0xfd: {  	[tilespmem:s25], [sflag:$0x1] =	stream.indirect_vreg.gather [hbm4b:s4+s2], $0x80, v4, vm0, $0xb8;
	[tilespmem:$0x10200] =	vst v63  }
0xfe: {  	_ = 	snop  }
0xff: {  	[tilespmem:s13], [sflag:$0x1] =	stream.indirect_vreg.gather [hbm4b:s5+s2], $0x80, v4, vm0, $0xb8;
	[tilespmem:$0x10200] =	vst v63  }
0x100: {  	s28 =	simm.s32 $0x9A00  }
0x101: {  	[tilespmem:s28], [sflag:$0x1] =	stream.indirect_vreg.gather [hbm4b:s6+s2], $0x80, v4, vm0, $0xb8;
	[tilespmem:$0x10200] =	vst v63  }
0x102: {  	s28 =	simm.s32 $0xA200  }
0x103: {  	[tilespmem:s28], [sflag:$0x1] =	stream.indirect_vreg.gather [hbm4b:s7+s2], $0x80, v4, vm0, $0xb8;
	[tilespmem:$0x10200] =	vst v63  }
0x104: {  	v3 =	vperm.xlane v3, v2;
	s28 =	simm.s32 $0xAA00  }
0x105: {  	[tilespmem:s28], [sflag:$0x1] =	stream.indirect_vreg.gather [hbm4b:s8+s2], $0x80, v4, vm0, $0xb8;
	[tilespmem:$0x10200] =	vst v63  }
0x106: {  	v3 =	vadd.s32 v1, v3;
	s28 =	simm.s32 $0xB200  }
0x107: {  	[tilespmem:s28], [sflag:$0x1] =	stream.indirect_vreg.gather [hbm4b:s9+s2], $0x80, v4, vm0, $0xb8;
	[tilespmem:$0x10200] =	vst v63  }
0x108: {  	s28 =	simm.s32 $0xBA00  }
0x109: {  	[tilespmem:s28], [sflag:$0x1] =	stream.indirect_vreg.gather [hbm4b:s10+s2], $0x80, v4, vm0, $0xb8;
	[tilespmem:$0x10200] =	vst v63  }
0x10a: {  	s28 =	simm.s32 $0xC200  }
0x10b: {  	[tilespmem:s28], [sflag:$0x1] =	stream.indirect_vreg.gather [hbm4b:s3+s2], $0x80, v3, vm0, $0xb8;
	[tilespmem:$0x10200] =	vst v63  }
0x10c: {  	s28 =	simm.s32 $0xCA00  }
0x10d: {  	[tilespmem:s28], [sflag:$0x1] =	stream.indirect_vreg.gather [hbm4b:s4+s2], $0x80, v3, vm0, $0xb8;
	[tilespmem:$0x10200] =	vst v63  }
0x10e: {  	s28 =	simm.s32 $0xD200  }
0x10f: {  	[tilespmem:s28], [sflag:$0x1] =	stream.indirect_vreg.gather [hbm4b:s5+s2], $0x80, v3, vm0, $0xb8;
	[tilespmem:$0x10200] =	vst v63  }
0x110: {  	s28 =	simm.s32 $0xDA00  }
0x111: {  	[tilespmem:s28], [sflag:$0x1] =	stream.indirect_vreg.gather [hbm4b:s6+s2], $0x80, v3, vm0, $0xb8;
	[tilespmem:$0x10200] =	vst v63  }
0x112: {  	s28 =	simm.s32 $0xE200  }
0x113: {  	[tilespmem:s28], [sflag:$0x1] =	stream.indirect_vreg.gather [hbm4b:s7+s2], $0x80, v3, vm0, $0xb8;
	[tilespmem:$0x10200] =	vst v63  }
0x114: {  	s28 =	simm.s32 $0xEA00  }
0x115: {  	[tilespmem:s28], [sflag:$0x1] =	stream.indirect_vreg.gather [hbm4b:s8+s2], $0x80, v3, vm0, $0xb8;
	[tilespmem:$0x10200] =	vst v63  }
0x116: {  	s28 =	simm.s32 $0xF200  }
0x117: {  	[tilespmem:s28], [sflag:$0x1] =	stream.indirect_vreg.gather [hbm4b:s9+s2], $0x80, v3, vm0, $0xb8;
	[tilespmem:$0x10200] =	vst v63  }
0x118: {  	s28 =	simm.s32 $0xFA00  }
0x119: {  	[tilespmem:s28], [sflag:$0x1] =	stream.indirect_vreg.gather [hbm4b:s10+s2], $0x80, v3, vm0, $0xb8;
	[tilespmem:$0x10200] =	vst v63  }
0x11a: {  	_ =	swait.ge [sflag:s26], $0x10000  }
0x11b: {  	[sflag:s26] =	ssyncset.done $0x0  }
0x11c: {  	s28 =	rddreg [dreg:$0x8];
	[sflag:s26] =	ssyncadd.s32 $0xFFFF0000  }
0x11d: {  	[hbm4b:s28+s2] =	stream.linear.scatter [tilespmem:s0], [sflag:$0x2], $0x10000, $0x38;
	[tilespmem:$0x10200] =	vst v63  }
0x11e: {  	_ =	swait.ge [sflag:s12], $0x10000  }
0x11f: {  	[sflag:s12] =	ssyncset.done $0x0  }
0x120: {  	[sflag:s12] =	ssyncadd.s32 $0xFFFF0000  }
0x121: {  	v3 =	vld [tilespmem:$0x180];
	_ =	sdelay $0x4  }
0x122: {  	v62 =	vshll.u32 v3, $0x4  }
0x123: {  	v3 =	vand.u32 $0x7, v3;
	v4 =	vand.u32 $0xFFFFFF80, v62  }
0x124: {  	v3 =	vor.u32 v3, v4  }
0x125: {  	v4 =	vperm.xlane v3, v0;
	_ =	sdelay $0x1  }
0x126: {  	v4 =	vadd.s32 v1, v4;
	_ =	sdelay $0x4  }
0x127: {  	[tilespmem:s0], [sflag:$0x1] =	stream.indirect_vreg.gather [hbm4b:s3+s2], $0x80, v4, vm0, $0xb8;
	[tilespmem:$0x10200] =	vst v63  }
0x128: {  	_ = 	snop  }
0x129: {  	[tilespmem:s29], [sflag:$0x1] =	stream.indirect_vreg.gather [hbm4b:s4+s2], $0x80, v4, vm0, $0xb8;
	[tilespmem:$0x10200] =	vst v63  }
0x12a: {  	_ = 	snop  }
0x12b: {  	[tilespmem:s30], [sflag:$0x1] =	stream.indirect_vreg.gather [hbm4b:s5+s2], $0x80, v4, vm0, $0xb8;
	[tilespmem:$0x10200] =	vst v63  }
0x12c: {  	_ = 	snop  }
0x12d: {  	[tilespmem:s31], [sflag:$0x1] =	stream.indirect_vreg.gather [hbm4b:s6+s2], $0x80, v4, vm0, $0xb8;
	[tilespmem:$0x10200] =	vst v63  }
0x12e: {  	s29 =	simm.s32 $0x2200  }
0x12f: {  	[tilespmem:s29], [sflag:$0x1] =	stream.indirect_vreg.gather [hbm4b:s7+s2], $0x80, v4, vm0, $0xb8;
	[tilespmem:$0x10200] =	vst v63  }
0x130: {  	v3 =	vperm.xlane v3, v2  }
0x131: {  	[tilespmem:s1], [sflag:$0x1] =	stream.indirect_vreg.gather [hbm4b:s8+s2], $0x80, v4, vm0, $0xb8;
	[tilespmem:$0x10200] =	vst v63  }
0x132: {  	v3 =	vadd.s32 v1, v3  }
0x133: {  	[tilespmem:s14], [sflag:$0x1] =	stream.indirect_vreg.gather [hbm4b:s9+s2], $0x80, v4, vm0, $0xb8;
	[tilespmem:$0x10200] =	vst v63  }
0x134: {  	_ = 	snop  }
0x135: {  	[tilespmem:s15], [sflag:$0x1] =	stream.indirect_vreg.gather [hbm4b:s10+s2], $0x80, v4, vm0, $0xb8;
	[tilespmem:$0x10200] =	vst v63  }
0x136: {  	_ = 	snop  }
0x137: {  	[tilespmem:s16], [sflag:$0x1] =	stream.indirect_vreg.gather [hbm4b:s3+s2], $0x80, v3, vm0, $0xb8;
	[tilespmem:$0x10200] =	vst v63  }
0x138: {  	_ = 	snop  }
0x139: {  	[tilespmem:s17], [sflag:$0x1] =	stream.indirect_vreg.gather [hbm4b:s4+s2], $0x80, v3, vm0, $0xb8;
	[tilespmem:$0x10200] =	vst v63  }
0x13a: {  	_ = 	snop  }
0x13b: {  	[tilespmem:s18], [sflag:$0x1] =	stream.indirect_vreg.gather [hbm4b:s5+s2], $0x80, v3, vm0, $0xb8;
	[tilespmem:$0x10200] =	vst v63  }
0x13c: {  	_ = 	snop  }
0x13d: {  	[tilespmem:s19], [sflag:$0x1] =	stream.indirect_vreg.gather [hbm4b:s6+s2], $0x80, v3, vm0, $0xb8;
	[tilespmem:$0x10200] =	vst v63  }
0x13e: {  	_ = 	snop  }
0x13f: {  	[tilespmem:s20], [sflag:$0x1] =	stream.indirect_vreg.gather [hbm4b:s7+s2], $0x80, v3, vm0, $0xb8;
	[tilespmem:$0x10200] =	vst v63  }
0x140: {  	_ = 	snop  }
0x141: {  	[tilespmem:s21], [sflag:$0x1] =	stream.indirect_vreg.gather [hbm4b:s8+s2], $0x80, v3, vm0, $0xb8;
	[tilespmem:$0x10200] =	vst v63  }
0x142: {  	_ = 	snop  }
0x143: {  	[tilespmem:s22], [sflag:$0x1] =	stream.indirect_vreg.gather [hbm4b:s9+s2], $0x80, v3, vm0, $0xb8;
	[tilespmem:$0x10200] =	vst v63  }
0x144: {  	_ = 	snop  }
0x145: {  	[tilespmem:s23], [sflag:$0x1] =	stream.indirect_vreg.gather [hbm4b:s10+s2], $0x80, v3, vm0, $0xb8;
	[tilespmem:$0x10200] =	vst v63  }
0x146: {  	v3 =	vld [tilespmem:$0x190];
	_ =	sdelay $0x4  }
0x147: {  	v63 =	vshll.u32 v3, $0x4  }
0x148: {  	v3 =	vand.u32 $0x7, v3;
	v4 =	vand.u32 $0xFFFFFF80, v63  }
0x149: {  	v3 =	vor.u32 v3, v4  }
0x14a: {  	v4 =	vperm.xlane v3, v0;
	_ =	sdelay $0x1  }
0x14b: {  	v4 =	vadd.s32 v1, v4;
	_ =	sdelay $0x4  }
0x14c: {  	[tilespmem:s24], [sflag:$0x1] =	stream.indirect_vreg.gather [hbm4b:s3+s2], $0x80, v4, vm0, $0xb8;
	[tilespmem:$0x10200] =	vst v63  }
0x14d: {  	_ = 	snop  }
0x14e: {  	[tilespmem:s25], [sflag:$0x1] =	stream.indirect_vreg.gather [hbm4b:s4+s2], $0x80, v4, vm0, $0xb8;
	[tilespmem:$0x10200] =	vst v63  }
0x14f: {  	_ = 	snop  }
0x150: {  	[tilespmem:s13], [sflag:$0x1] =	stream.indirect_vreg.gather [hbm4b:s5+s2], $0x80, v4, vm0, $0xb8;
	[tilespmem:$0x10200] =	vst v63  }
0x151: {  	s28 =	simm.s32 $0x9A00  }
0x152: {  	[tilespmem:s28], [sflag:$0x1] =	stream.indirect_vreg.gather [hbm4b:s6+s2], $0x80, v4, vm0, $0xb8;
	[tilespmem:$0x10200] =	vst v63  }
0x153: {  	s29 =	simm.s32 $0xA200  }
0x154: {  	[tilespmem:s29], [sflag:$0x1] =	stream.indirect_vreg.gather [hbm4b:s7+s2], $0x80, v4, vm0, $0xb8;
	[tilespmem:$0x10200] =	vst v63  }
0x155: {  	v3 =	vperm.xlane v3, v2;
	s28 =	simm.s32 $0xAA00  }
0x156: {  	[tilespmem:s28], [sflag:$0x1] =	stream.indirect_vreg.gather [hbm4b:s8+s2], $0x80, v4, vm0, $0xb8;
	[tilespmem:$0x10200] =	vst v63  }
0x157: {  	v3 =	vadd.s32 v1, v3;
	s29 =	simm.s32 $0xB200  }
0x158: {  	[tilespmem:s29], [sflag:$0x1] =	stream.indirect_vreg.gather [hbm4b:s9+s2], $0x80, v4, vm0, $0xb8;
	[tilespmem:$0x10200] =	vst v63  }
0x159: {  	s28 =	simm.s32 $0xBA00  }
0x15a: {  	[tilespmem:s28], [sflag:$0x1] =	stream.indirect_vreg.gather [hbm4b:s10+s2], $0x80, v4, vm0, $0xb8;
	[tilespmem:$0x10200] =	vst v63  }
0x15b: {  	s29 =	simm.s32 $0xC200  }
0x15c: {  	[tilespmem:s29], [sflag:$0x1] =	stream.indirect_vreg.gather [hbm4b:s3+s2], $0x80, v3, vm0, $0xb8;
	[tilespmem:$0x10200] =	vst v63  }
0x15d: {  	s28 =	simm.s32 $0xCA00  }
0x15e: {  	[tilespmem:s28], [sflag:$0x1] =	stream.indirect_vreg.gather [hbm4b:s4+s2], $0x80, v3, vm0, $0xb8;
	[tilespmem:$0x10200] =	vst v63  }
0x15f: {  	s29 =	simm.s32 $0xD200  }
0x160: {  	[tilespmem:s29], [sflag:$0x1] =	stream.indirect_vreg.gather [hbm4b:s5+s2], $0x80, v3, vm0, $0xb8;
	[tilespmem:$0x10200] =	vst v63  }
0x161: {  	s28 =	simm.s32 $0xDA00  }
0x162: {  	[tilespmem:s28], [sflag:$0x1] =	stream.indirect_vreg.gather [hbm4b:s6+s2], $0x80, v3, vm0, $0xb8;
	[tilespmem:$0x10200] =	vst v63  }
0x163: {  	s29 =	simm.s32 $0xE200  }
0x164: {  	[tilespmem:s29], [sflag:$0x1] =	stream.indirect_vreg.gather [hbm4b:s7+s2], $0x80, v3, vm0, $0xb8;
	[tilespmem:$0x10200] =	vst v63  }
0x165: {  	s28 =	simm.s32 $0xEA00  }
0x166: {  	[tilespmem:s28], [sflag:$0x1] =	stream.indirect_vreg.gather [hbm4b:s8+s2], $0x80, v3, vm0, $0xb8;
	[tilespmem:$0x10200] =	vst v63  }
0x167: {  	s29 =	simm.s32 $0xF200  }
0x168: {  	[tilespmem:s29], [sflag:$0x1] =	stream.indirect_vreg.gather [hbm4b:s9+s2], $0x80, v3, vm0, $0xb8;
	[tilespmem:$0x10200] =	vst v63  }
0x169: {  	s28 =	simm.s32 $0xFA00  }
0x16a: {  	[tilespmem:s28], [sflag:$0x1] =	stream.indirect_vreg.gather [hbm4b:s10+s2], $0x80, v3, vm0, $0xb8;
	[tilespmem:$0x10200] =	vst v63  }
0x16b: {  	_ =	swait.ge [sflag:s26], $0x10000  }
0x16c: {  	p0 =	sne.s32 s11, $0x1;
	[sflag:s26] =	ssyncset.done $0x0  }
.Ltmp0:
0x16d: {  	s29 =	rddreg [dreg:$0x9];
	[sflag:s26] =	ssyncadd.s32 $0xFFFF0000;
	(pc) =	sbr.rel @p0 .LBB2_1-.Ltmp0, $4  }
0x16e: {  	[hbm4b:s29+s2] =	stream.linear.scatter [tilespmem:s0], [sflag:$0x2], $0x10000, $0x38;
	[tilespmem:$0x10200] =	vst v63  }
0x16f: {  	_ =	swait.ge [sflag:s12], $0x10000  }
0x170: {  	[sflag:s12] =	ssyncset.done $0x0  }
0x171: {  	s11 =	sadd.s32 $0xFFFFFFFF, s11;
	[sflag:s12] =	ssyncadd.s32 $0xFFFF0000  }
0x172: {  	_ =	sfence.sel $0x180000  }
0x173: {  	[bflag:$0x0] =	sbarrier.arrive $0xFFFF  }
0x174: {  	_ =	strace $0x9000004A  }
0x175: {  	s0 =	stileid.u32;
	[bflag:$0x2] =	sbarrier.arrive $0xFFFF  }
0x176: {  	p0 =	sne.s32 s0, $0x0;
	s0 =	rddreg [dreg:$0x1]  }
0x177: {  	s0 =	sadd.s32 @!p0 $0x100000, s0  }
0x178: {  	[sflag:s0] =	ssyncadd.tile.s32 @!p0 $0x1;
	_ =	shalt  }
.Lfunc_end2:
_tile_overlayer_lowered:
.L_overlay_start_2:
0x179: {  	(tag) =	ssettag $0x2  }
0x17a: {  	s0 =	rddreg [dreg:$0x0];
	s2 =	stileid.u32  }
0x17b: {  	s1 =	rddreg [dreg:$0x1];
	p0 =	sne.s32 s2, $0x0  }
0x17c: {  	s3 =	rddreg [dreg:$0x2];
	[bflag:$0x3] =	sbarrier.arrive $0xFFFF;
	s2 =	simm.s32 @!p0 $0x1C02  }
0x17d: {  	[timem:s3], [sflag:s2] =	dma.local @!p0 [hbm:s0], s1  }
0x17e: {  	s0 =	simm.s32 @!p0 $0x2  }
0x17f: {  	_ =	swait.ge @!p0 [sflag:s0], s1  }
0x180: {  	s1 =	ssub.s32 @!p0 $0x0, s1;
	[sflag:s0] =	ssyncset.done @!p0 $0x0  }
0x181: {  	[sflag:s0] =	ssyncadd.s32 @!p0 s1  }
0x182: {  	[bflag:$0x3] =	sbarrier.arrive $0xFFFF  }
0x183: {  	_ =	shalt  }

// kernel: kernel.9.cloned.1.call-start
scs
__scs_entry_jumppad:
0x0: {  	(pc) =	sbr.rel $0x88, $3  }
0x1: {  	(tag) =	ssettag $0x0;
	lr =	simm.s32 $0x1  }
0x2: {  	[smem:$0x3F98] =	sst lr;
	_ =	strace $0xD0000000  }
0x3: {  	_ = 	snop  }
0x4: {  	_ = 	snop  }
0x5: {  	_ = 	snop  }
0x6: {  	_ = 	snop  }
0x7: {  	_ = 	snop  }
__scs_overlays_trampoline_lowered:
0x8: {  	[smem:$0x3FA7] =	sst s0  }
0x9: {  	[smem:$0x3FA8] =	sst s1  }
0xa: {  	[smem:$0x3FA9] =	sst s2  }
0xb: {  	[smem:$0x3FAA] =	sst s3  }
0xc: {  	[smem:$0x3FAB] =	sst s4  }
0xd: {  	[smem:$0x3FAC] =	sst s5  }
0xe: {  	[smem:$0x3FAD] =	sst s6  }
0xf: {  	[smem:$0x3FAE] =	sst s7  }
0x10: {  	[smem:$0x3FAF] =	sst s8  }
0x11: {  	[smem:$0x3FB0] =	sst s9;
	s0 =	simm.s32 @!p0 $0x0  }
0x12: {  	s1 =	sld [smem:$0x3F96];
	s0 =	simm.s32 @p0 $0x1  }
0x13: {  	[smem:$0x3FB1] =	sst s0;
	s0 =	simm.s32 @!p1 $0x0  }
0x14: {  	s2 =	sld [smem:$0x3F95];
	s0 =	simm.s32 @p1 $0x1  }
0x15: {  	[smem:$0x3FB2] =	sst s0;
	s0 =	simm.s32 @!p2 $0x0  }
0x16: {  	s3 =	sld [smem:$0x3FDB];
	s0 =	simm.s32 @p2 $0x1  }
0x17: {  	s4 =	simm.s32 $0x1BF5;
	[smem:$0x3FB4] =	sst s0  }
0x18: {  	s0 =	sld [smem:$0x3F97];
	_ =	swait.ge [sflag:s4], $0x0  }
0x19: {  	s7 =	sld [smem:$0x3F98]  }
0x1a: {  	s8 =	sadd.s32 $0xFFFFE003, lr  }
0x1b: {  	s9 =	sadd.s32 $0xFFFFFEF7, lr;
	s5 =	simm.s32 $0xFFFFFFFF;
	p2 =	slt.u32 s8, $0xFFFFF086  }
0x1c: {  	p1 =	slt.u32 s9, $0xF7A;
	s5 =	simm.s32 @!p2 $0x0  }
0x1d: {  	s5 =	simm.s32 @p1 $0x1;
	p0 =	seq.s32 s7, s2  }
0x1e: {  	s7 =	smul.u32 @!p0 $0xF7A, s2;
	p2 =	seq.s32 @!p0 s5, $0x0  }
0x1f: {  	s9 =	smul.u32 $0xF7A, s1;
	s8 =	simm.s32 @!p0 $0x1BF5;
	p2 =	por !p2, p0  }
0x20: {  	[sflag:s8] =	ssyncset.s32 @!p0 $0xFFFFF086;
	s6 =	sadd.s32 @!p0 s3, s7;
	s7 =	simm.s32 @!p0 $0x108  }
0x21: {  	s3 =	sadd.s32 s3, s9;
	s6 =	sadd.s32 @!p0 $0x88, s6;
	s7 =	simm.s32 @p2 $0x1082  }
0x22: {  	[simem:s7], [sflag:s8] =	dma.local @!p0 [hbm:s6], $0xF7A  }
0x23: {  	s9 =	sor.u32 $0xD0000000, s2;
	s6 =	simm.s32 $0x108;
	_ =	swait.ge @!p0 [sflag:s8], $0x0  }
0x24: {  	s3 =	sadd.s32 $0x88, s3;
	s6 =	simm.s32 @!p1 $0x1082;
	[sflag:s4] =	ssyncset.s32 $0xFFFFF086  }
0x25: {  	[simem:s6], [sflag:s4] =	dma.local [hbm:s3], $0xF7A  }
0x26: {  	[smem:$0x3F98] =	sst s1;
	(tag) =	ssettag s2;
	_ =	strace s9  }
0x27: {  	s1 =	sld [smem:$0x3FA8]  }
0x28: {  	s2 =	sld [smem:$0x3FA9]  }
0x29: {  	s4 =	sld [smem:$0x3FAB]  }
0x2a: {  	p0 =	seq.s32 s5, $0x0;
	s5 =	sld [smem:$0x3FAC]  }
0x2b: {  	s6 =	sld [smem:$0x3FAD]  }
0x2c: {  	s7 =	sld [smem:$0x3FAE]  }
0x2d: {  	s3 =	simm.s32 $0x108;
	s8 =	sld [smem:$0x3FAF]  }
0x2e: {  	s3 =	simm.s32 @!p0 $0x1082;
	s9 =	sld [smem:$0x3FB0]  }
0x2f: {  	lr =	sadd.s32 s0, s3;
	s0 =	sld [smem:$0x3FA7]  }
0x30: {  	s3 =	sld [smem:$0x3FAA]  }
0x31: {  	[smem:$0x3FB3] =	sst s10  }
0x32: {  	s10 =	sld [smem:$0x3FB1];
	_ =	sdelay $0x3  }
0x33: {  	p0 =	seq.s32 s10, $0x1;
	s10 =	sld [smem:$0x3FB3];
	_ =	sdelay $0x3  }
0x34: {  	[smem:$0x3FB3] =	sst s10  }
0x35: {  	s10 =	sld [smem:$0x3FB2];
	_ =	sdelay $0x3  }
0x36: {  	p1 =	seq.s32 s10, $0x1;
	s10 =	sld [smem:$0x3FB3];
	_ =	sdelay $0x3  }
0x37: {  	[smem:$0x3FB3] =	sst s10  }
0x38: {  	s10 =	sld [smem:$0x3FB4]  }
0x39: {  	_ = 	snop;
	(pc) =	sbr.ind lr, $3  }
0x3a: {  	_ = 	snop  }
0x3b: {  	_ = 	snop  }
0x3c: {  	p2 =	seq.s32 s10, $0x1;
	s10 =	sld [smem:$0x3FB3]  }
0x3d: {  	_ =	shalt  }
0x3e: {  	_ =	shalt  }
0x3f: {  	_ =	shalt  }
0x40: {  	_ =	shalt  }
0x41: {  	_ =	shalt  }
0x42: {  	_ =	shalt  }
0x43: {  	_ =	shalt  }
0x44: {  	_ =	shalt  }
0x45: {  	_ =	shalt  }
0x46: {  	_ =	shalt  }
0x47: {  	_ =	shalt  }
0x48: {  	_ =	shalt  }
0x49: {  	_ =	shalt  }
0x4a: {  	_ =	shalt  }
0x4b: {  	_ =	shalt  }
0x4c: {  	_ =	shalt  }
0x4d: {  	_ =	shalt  }
0x4e: {  	_ =	shalt  }
0x4f: {  	_ =	shalt  }
0x50: {  	_ =	shalt  }
0x51: {  	_ =	shalt  }
0x52: {  	_ =	shalt  }
0x53: {  	_ =	shalt  }
0x54: {  	_ =	shalt  }
0x55: {  	_ =	shalt  }
0x56: {  	_ =	shalt  }
0x57: {  	_ =	shalt  }
0x58: {  	_ =	shalt  }
0x59: {  	_ =	shalt  }
0x5a: {  	_ =	shalt  }
0x5b: {  	_ =	shalt  }
0x5c: {  	_ =	shalt  }
0x5d: {  	_ =	shalt  }
0x5e: {  	_ =	shalt  }
0x5f: {  	_ =	shalt  }
0x60: {  	_ =	shalt  }
0x61: {  	_ =	shalt  }
0x62: {  	_ =	shalt  }
0x63: {  	_ =	shalt  }
0x64: {  	_ =	shalt  }
0x65: {  	_ =	shalt  }
0x66: {  	_ =	shalt  }
0x67: {  	_ =	shalt  }
0x68: {  	_ =	shalt  }
0x69: {  	_ =	shalt  }
0x6a: {  	_ =	shalt  }
0x6b: {  	_ =	shalt  }
0x6c: {  	_ =	shalt  }
0x6d: {  	_ =	shalt  }
0x6e: {  	_ =	shalt  }
0x6f: {  	_ =	shalt  }
0x70: {  	_ =	shalt  }
0x71: {  	_ =	shalt  }
0x72: {  	_ =	shalt  }
0x73: {  	_ =	shalt  }
0x74: {  	_ =	shalt  }
0x75: {  	_ =	shalt  }
0x76: {  	_ =	shalt  }
0x77: {  	_ =	shalt  }
0x78: {  	_ =	shalt  }
0x79: {  	_ =	shalt  }
0x7a: {  	_ =	shalt  }
0x7b: {  	_ =	shalt  }
0x7c: {  	_ =	shalt  }
0x7d: {  	_ =	shalt  }
0x7e: {  	_ =	shalt  }
0x7f: {  	_ =	shalt  }
0x80: {  	_ =	shalt  }
0x81: {  	_ =	shalt  }
0x82: {  	_ =	shalt  }
0x83: {  	_ =	shalt  }
0x84: {  	_ =	shalt  }
0x85: {  	_ =	shalt  }
0x86: {  	_ =	shalt  }
0x87: {  	_ =	shalt  }
.Lfunc_end0:
.L_simem_size_0:
called_computation_lowered:
.L_overlay_start_0:
0x88: {  	s2 =	sld [smem:$0x3FD9]  }
0x89: {  	s3 =	sld [smem:$0x3FFE];
	_ =	sdelay $0x1  }
0x8a: {  	s1 =	srdreg.scid  }
0x8b: {  	s0 =	sand.u32 $0x1, s1  }
0x8c: {  	s17 =	sshll.u32 s0, $0xA;
	s2 =	sadd.s32 s3, s2  }
0x8d: {  	s2 =	sadd.s32 s2, s17  }
0x8e: {  	[smem:$0x3FBF] =	sst s2  }
0x8f: {  	_ = 	snop  }
0x90: {  	s2 =	sld [smem:$0x3FC9];
	(tm) =	ssettm $0x1  }
0x91: {  	s18 =	sld [smem:$0x3FFB];
	_ =	sdelay $0x3  }
0x92: {  	_ =	strace s18  }
0x93: {  	s3 =	sld [smem:$0x3FFC];
	_ =	sdelay $0x3  }
0x94: {  	_ =	strace s3  }
0x95: {  	s3 =	sld [smem:$0x3FFD];
	_ =	sdelay $0x3  }
0x96: {  	_ =	strace s3  }
0x97: {  	_ =	strace $0x8FFFFFFF  }
0x98: {  	s19 =	sld [smem:$0x3FDB];
	_ =	sdelay $0x1  }
0x99: {  	s4 =	simm.s32 $_scs_section_size  }
0x9a: {  	s5 =	simm.s32 $_size__tile_overlayer_lowered;
	s6 =	simm.s32 $_tile_overlayer_lowered  }
0x9b: {  	s22 =	simm.s32 $0x1BFF;
	s21 =	sshll.u32 s6, $0x1;
	s3 =	sadd.s32 s4, s19  }
0x9c: {  	s7 =	simm.s32 $0x0;
	s20 =	sshll.u32 s5, $0x1;
	s5 =	sadd.s32 s21, s3  }
0x9d: {  	[timem:s7], [sflag:s22] =	dma.local [hbm:s5], s20  }
0x9e: {  	_ =	swait.ge [sflag:s22], s20  }
0x9f: {  	s4 =	ssub.s32 $0x0, s20;
	[sflag:s22] =	ssyncset.done $0x0  }
0xa0: {  	[sflag:s22] =	ssyncadd.s32 s4;
	_ =	sdelay $0x1  }
0xa1: {  	s23 =	simm.s32 $0x1B8B  }
0xa2: {  	_ =	swait.ge [sflag:s23], $0x1  }
0xa3: {  	[sflag:s23] =	ssyncset.done $0x0  }
0xa4: {  	s25 =	simm.s32 $0x1B8E;
	s24 =	sld [smem:$0x3FFE];
	[sflag:s23] =	ssyncadd.s32 $0xFFFFFFFF  }
0xa5: {  	s26 =	simm.s32 $execute0_lowered;
	[smem:$0x3FD2] =	sst s25  }
0xa6: {  	s5 =	sshll.u32 s26, $0x1;
	_ =	strace $0x80000046;
	[dreg:$0x1] =	wrdreg $0xFFFFFFFF  }
0xa7: {  	s28 =	simm.s32 $_size_execute0_lowered;
	s3 =	sadd.s32 s3, s5;
	[dreg:$0x0] =	wrdreg $0x0  }
0xa8: {  	s5 =	sshll.u32 s28, $0x1;
	[dreg:$0x2] =	wrdreg s3  }
0xa9: {  	[dreg:$0x3] =	wrdreg s5  }
0xaa: {  	[dreg:$0x4] =	wrdreg $0xC0  }
0xab: {  	_ =	task [dreg:s7], $0x5FFFF  }
0xac: {  	[dreg:$0x1] =	wrdreg $0xFFFFFFFF  }
0xad: {  	[dreg:$0x0] =	wrdreg $0x60  }
0xae: {  	[dreg:$0x2] =	wrdreg s2  }
0xaf: {  	[dreg:$0x3] =	wrdreg s24  }
0xb0: {  	[dreg:$0x4] =	wrdreg $0x9  }
0xb1: {  	_ =	task.clear_ibuf [dreg:s7], $0x5FFFF;
	_ =	strace $0x90000046  }
0xb2: {  	s29 =	simm.s32 $0x9;
	_ =	strace $0x80000048  }
0xb3: {  	_ =	swait.ge [sflag:s29], $0x1  }
0xb4: {  	[sflag:s29] =	ssyncadd.s32 $0xFFFFFFFF  }
0xb5: {  	_ =	strace $0x90000048  }
0xb6: {  	_ =	sfence  }
0xb7: {  	s30 =	sld [smem:$0x0];
	_ =	sdelay $0x2  }
0xb8: {  	s31 =	sshll.u32 s1, $0xD;
	s1 =	sshrl.u32 s1, $0x2  }
0xb9: {  	s3 =	sand.u32 $0x4000, s31;
	s1 =	sadd.s32 s1, s30  }
0xba: {  	s0 =	sor.u32 s3, s0;
	s1 =	sshll.u32 s1, $0x11  }
0xbb: {  	s0 =	sor.u32 s1, s0  }
0xbc: {  	s0 =	sadd.s32 $0x8F2B, s0  }
0xbd: {  	[sflag:s0] =	ssyncadd.remote.s32 $0x1  }
0xbe: {  	_ =	sfence.sel $0xFFFF  }
0xbf: {  	[dreg:$0x0] =	wrdreg $0xFFFFFFFF;
	(pc) =	sbr.abs _section_cstart, $3  }
0xc0: {  	[dreg:$0x1] =	wrdreg $0xFFFFFFFF  }
0xc1: {  	_ =	task.clear_ibuf [dreg:s7], $0x2FFFF;
	_ =	strace $0x9FFFFFFF  }
0xc2: {  	(tm) =	ssettm $0x7FFFFFFF  }
0xc3: {  	_ =	shalt  }
tec
execute0_lowered:
.L_overlay_start_1:
0x0: {  	(tag) =	ssettag $0x1  }
0x1: {  	s0 =	srdreg.scid  }
0x2: {  	s2 =	stileid.u32;
	s1 =	rddreg [dreg:$0x0]  }
0x3: {  	s11 =	rddreg [dreg:$0x1];
	s30 =	simm.s32 $0x11200;
	s31 =	simm.s32 $0x13200  }
0x4: {  	s20 =	simm.s32 $0x1;
	s0 =	sand.u32 $0x1, s0;
	s2 =	sshll.u32 s2, $0x7  }
0x5: {  	s9 =	sadd.s32 $0x11400, s11;
	s24 =	sadd.s32 $0x151600, s11;
	s4 =	sshll.u32 s0, $0x6  }
0x6: {  	s0 =	ssub.s32 $0x2, s0;
	s5 =	sor.u32 s4, s2;
	s2 =	simm.s32 $0x0  }
0x7: {  	s28 =	sshrl.u32 s0, $0x1;
	s6 =	sshll.u32 s5, $0x1;
	[smem:$0x7FF] =	sst s2  }
0x8: {  	s3 =	sshll.u32 s5, $0x4;
	s12 =	sor.u32 $0x20, s5;
	s5 =	sshll.u32 s5, $0x8  }
0x9: {  	s0 =	ssub.s32 s0, s28;
	s7 =	sand.u32 $0xF00, s6;
	_ =	strace $0x80000047  }
0xa: {  	s8 =	sadd.s32 s3, s11;
	s3 =	sadd.s32 $0x11600, s11;
	[dreg:$0xd] =	wrdreg s24  }
0xb: {  	s13 =	sand.u32 $0x60, s12;
	s5 =	sadd.s32 s1, s5;
	[dreg:$0xb] =	wrdreg s30  }
0xc: {  	s29 =	sshll.u32 s12, $0x8;
	s12 =	smax.u32 s0, $0x1;
	[dreg:$0xc] =	wrdreg s31  }
0xd: {  	s22 =	sor.u32 s4, s7;
	s7 =	sor.u32 s13, s7;
	s4 =	sor.u32 s4, s6  }
0xe: {  	s6 =	sor.u32 s6, s13;
	s25 =	sadd.s32 $0x1400, s8;
	s26 =	sadd.s32 $0x9400, s8  }
0xf: {  	[dreg:$0x9] =	wrdreg s5;
	s5 =	sadd.s32 $0x11700, s11;
	s8 =	sadd.s32 $0x11A00, s11  }
0x10: {  	s1 =	sadd.s32 s1, s29;
	s13 =	simm.s32 $0x2;
	[dreg:$0x7] =	wrdreg s25  }
0x11: {  	s10 =	sshrl.u32 s22, $0x3;
	s7 =	sshrl.u32 s7, $0x3;
	[dreg:$0x8] =	wrdreg s26  }
0x12: {  	s4 =	sshrl.u32 s4, $0x3;
	[dreg:$0xa] =	wrdreg s1;
	s10 =	sadd.s32 s9, s10  }
0x13: {  	s6 =	sshrl.u32 s6, $0x3;
	s7 =	sadd.s32 s9, s7;
	[dreg:$0x3] =	wrdreg s10  }
0x14: {  	s4 =	sor.u32 $0x10, s4;
	s6 =	sor.u32 $0x10, s6;
	[dreg:$0x4] =	wrdreg s7  }
0x15: {  	v2 =	vlaneseq.u32;
	s23 =	sadd.s32 s9, s4;
	s6 =	sadd.s32 s9, s6;
	s7 =	sadd.s32 $0x11900, s11  }
0x16: {  	vm0 =	vmmov $0xffff;
	v1 =	vshrl.u32 v2, $0x3;
	s9 =	sadd.s32 $0x11B00, s11;
	s10 =	sadd.s32 $0x11C00, s11;
	[dreg:$0x5] =	wrdreg s23  }
0x17: {  	v0 =	vand.u32 $0x7, v2;
	v2 =	vor.u32 $0x8, v2;
	v1 =	vmul.u32 $0x8, v1;
	[dreg:$0x6] =	wrdreg s6;
	s6 =	sadd.s32 $0x11800, s11;
	s11 =	sadd.s32 $0x11D00, s11  }
.LBB2_1:
0x18: {  	s17 =	rddreg [dreg:$0x3]  }
0x19: {  	[tilespmem:s2], [sflag:$0x2] =	stream.linear.gather [hbm4b:s17+s2], $0x20, $0x38;
	[tilespmem:$0x14200] =	vst v63  }
0x1a: {  	_ =	swait.ge [sflag:s13], $0x20  }
0x1b: {  	[sflag:s13] =	ssyncset.done $0x0  }
0x1c: {  	s18 =	simm.s32 $0x80;
	s30 =	rddreg [dreg:$0x4];
	[sflag:s13] =	ssyncadd.s32 $0xFFFFFFE0  }
0x1d: {  	[tilespmem:s18], [sflag:$0x2] =	stream.linear.gather [hbm4b:s30+s2], $0x20, $0x38;
	[tilespmem:$0x14200] =	vst v63  }
0x1e: {  	_ =	swait.ge [sflag:s13], $0x20  }
0x1f: {  	[sflag:s13] =	ssyncset.done $0x0  }
0x20: {  	s19 =	simm.s32 $0x100;
	s31 =	rddreg [dreg:$0x5];
	[sflag:s13] =	ssyncadd.s32 $0xFFFFFFE0  }
0x21: {  	[tilespmem:s19], [sflag:$0x2] =	stream.linear.gather [hbm4b:s31+s2], $0x20, $0x38;
	[tilespmem:$0x14200] =	vst v63  }
0x22: {  	_ =	swait.ge [sflag:s13], $0x20  }
0x23: {  	[sflag:s13] =	ssyncset.done $0x0  }
0x24: {  	s22 =	simm.s32 $0x180;
	s0 =	rddreg [dreg:$0x6];
	[sflag:s13] =	ssyncadd.s32 $0xFFFFFFE0  }
0x25: {  	[tilespmem:s22], [sflag:$0x2] =	stream.linear.gather [hbm4b:s0+s2], $0x20, $0x38;
	[tilespmem:$0x14200] =	vst v63  }
0x26: {  	_ =	swait.ge [sflag:s13], $0x20  }
0x27: {  	[sflag:s13] =	ssyncset.done $0x0  }
0x28: {  	s23 =	simm.s32 $0x10200;
	s1 =	rddreg [dreg:$0x7];
	[sflag:s13] =	ssyncadd.s32 $0xFFFFFFE0  }
0x29: {  	[tilespmem:s23], [sflag:$0x2] =	stream.linear.gather [hbm4b:s1+s2], $0x2000, $0x38;
	[tilespmem:$0x14200] =	vst v63  }
0x2a: {  	_ =	swait.ge [sflag:s13], $0x2000  }
0x2b: {  	[sflag:s13] =	ssyncset.done $0x0  }
0x2c: {  	s24 =	simm.s32 $0x12200;
	s4 =	rddreg [dreg:$0x8];
	[sflag:s13] =	ssyncadd.s32 $0xFFFFE000  }
0x2d: {  	[tilespmem:s24], [sflag:$0x2] =	stream.linear.gather [hbm4b:s4+s2], $0x2000, $0x38;
	[tilespmem:$0x14200] =	vst v63  }
0x2e: {  	_ =	swait.ge [sflag:s13], $0x2000  }
0x2f: {  	[sflag:s13] =	ssyncset.done $0x0  }
0x30: {  	s25 =	simm.s32 $0x20;
	s0 =	rddreg [dreg:$0xd];
	[sflag:s13] =	ssyncadd.s32 $0xFFFFE000  }
0x31: {  	[hbm4b:s0+s25] =	stream.indirect.scatter [tilespmem:s23], [sflag:$0x1], $0x80, s2, s25, $0xb8;
	[tilespmem:$0x14200] =	vst v63  }
0x32: {  	s14 =	rddreg [dreg:$0xb]  }
0x33: {  	[hbm4b:s0+s25] =	stream.indirect.scatter [tilespmem:s14], [sflag:$0x1], $0x80, s18, s25, $0xb8;
	[tilespmem:$0x14200] =	vst v63  }
0x34: {  	_ = 	snop  }
0x35: {  	[hbm4b:s0+s25] =	stream.indirect.scatter [tilespmem:s24], [sflag:$0x1], $0x80, s19, s25, $0xb8;
	[tilespmem:$0x14200] =	vst v63  }
0x36: {  	s15 =	rddreg [dreg:$0xc]  }
0x37: {  	[hbm4b:s0+s25] =	stream.indirect.scatter [tilespmem:s15], [sflag:$0x1], $0x80, s22, s25, $0xb8;
	[tilespmem:$0x14200] =	vst v63  }
0x38: {  	_ =	swait.ge [sflag:s20], $0x1000  }
0x39: {  	[sflag:s20] =	ssyncset.done $0x0  }
0x3a: {  	[sflag:s20] =	ssyncadd.s32 $0xFFFFF000  }
0x3b: {  	_ =	swait.ge [sflag:s20], $0x1000  }
0x3c: {  	[sflag:s20] =	ssyncset.done $0x0  }
0x3d: {  	[sflag:s20] =	ssyncadd.s32 $0xFFFFF000  }
0x3e: {  	_ =	swait.ge [sflag:s20], $0x1000  }
0x3f: {  	[sflag:s20] =	ssyncset.done $0x0  }
0x40: {  	[sflag:s20] =	ssyncadd.s32 $0xFFFFF000  }
0x41: {  	_ =	swait.ge [sflag:s20], $0x1000  }
0x42: {  	[sflag:s20] =	ssyncset.done $0x0  }
0x43: {  	s21 =	simm.s32 $0x200;
	s16 =	rddreg [dreg:$0x9];
	[sflag:s20] =	ssyncadd.s32 $0xFFFFF000  }
0x44: {  	[tilespmem:s21], [sflag:$0x2] =	stream.linear.gather [hbm4b:s16+s2], $0x10000, $0x38;
	[tilespmem:$0x14200] =	vst v63  }
0x45: {  	_ =	swait.ge [sflag:s13], $0x10000  }
0x46: {  	[sflag:s13] =	ssyncset.done $0x0  }
0x47: {  	[sflag:s13] =	ssyncadd.s32 $0xFFFF0000  }
0x48: {  	v3 =	vld [tilespmem:$0x0];
	_ =	sdelay $0x4  }
0x49: {  	v4 =	vshll.u32 v3, $0x4  }
0x4a: {  	v3 =	vand.u32 $0x7, v3;
	v4 =	vand.u32 $0xFFFFFF80, v4  }
0x4b: {  	v3 =	vor.u32 v3, v4  }
0x4c: {  	v4 =	vperm.xlane v3, v0;
	_ =	sdelay $0x1  }
0x4d: {  	v4 =	vadd.s32 v1, v4;
	_ =	sdelay $0x4  }
0x4e: {  	[hbm4b:s3+s2] =	stream.indirect_vreg.scatter [tilespmem:s21], [sflag:$0x1], $0x80, v4, vm0, $0xb8;
	[tilespmem:$0x14200] =	vst v63  }
0x4f: {  	s18 =	simm.s32 $0xA00  }
0x50: {  	[hbm4b:s5+s2] =	stream.indirect_vreg.scatter [tilespmem:s18], [sflag:$0x1], $0x80, v4, vm0, $0xb8;
	[tilespmem:$0x14200] =	vst v63  }
0x51: {  	s19 =	simm.s32 $0x1200  }
0x52: {  	[hbm4b:s6+s2] =	stream.indirect_vreg.scatter [tilespmem:s19], [sflag:$0x1], $0x80, v4, vm0, $0xb8;
	[tilespmem:$0x14200] =	vst v63  }
0x53: {  	s22 =	simm.s32 $0x1A00  }
0x54: {  	[hbm4b:s7+s2] =	stream.indirect_vreg.scatter [tilespmem:s22], [sflag:$0x1], $0x80, v4, vm0, $0xb8;
	[tilespmem:$0x14200] =	vst v63  }
0x55: {  	s23 =	simm.s32 $0x2200  }
0x56: {  	[hbm4b:s8+s2] =	stream.indirect_vreg.scatter [tilespmem:s23], [sflag:$0x1], $0x80, v4, vm0, $0xb8;
	[tilespmem:$0x14200] =	vst v63  }
0x57: {  	s24 =	simm.s32 $0x2A00;
	v3 =	vperm.xlane v3, v2  }
0x58: {  	[hbm4b:s9+s2] =	stream.indirect_vreg.scatter [tilespmem:s24], [sflag:$0x1], $0x80, v4, vm0, $0xb8;
	[tilespmem:$0x14200] =	vst v63  }
0x59: {  	s25 =	simm.s32 $0x3200;
	v3 =	vadd.s32 v1, v3  }
0x5a: {  	[hbm4b:s10+s2] =	stream.indirect_vreg.scatter [tilespmem:s25], [sflag:$0x1], $0x80, v4, vm0, $0xb8;
	[tilespmem:$0x14200] =	vst v63  }
0x5b: {  	s26 =	simm.s32 $0x3A00  }
0x5c: {  	[hbm4b:s11+s2] =	stream.indirect_vreg.scatter [tilespmem:s26], [sflag:$0x1], $0x80, v4, vm0, $0xb8;
	[tilespmem:$0x14200] =	vst v63  }
0x5d: {  	s28 =	simm.s32 $0x4200  }
0x5e: {  	[hbm4b:s3+s2] =	stream.indirect_vreg.scatter [tilespmem:s28], [sflag:$0x1], $0x80, v3, vm0, $0xb8;
	[tilespmem:$0x14200] =	vst v63  }
0x5f: {  	s29 =	simm.s32 $0x4A00  }
0x60: {  	[hbm4b:s5+s2] =	stream.indirect_vreg.scatter [tilespmem:s29], [sflag:$0x1], $0x80, v3, vm0, $0xb8;
	[tilespmem:$0x14200] =	vst v63  }
0x61: {  	s30 =	simm.s32 $0x5200  }
0x62: {  	[hbm4b:s6+s2] =	stream.indirect_vreg.scatter [tilespmem:s30], [sflag:$0x1], $0x80, v3, vm0, $0xb8;
	[tilespmem:$0x14200] =	vst v63  }
0x63: {  	s31 =	simm.s32 $0x5A00  }
0x64: {  	[hbm4b:s7+s2] =	stream.indirect_vreg.scatter [tilespmem:s31], [sflag:$0x1], $0x80, v3, vm0, $0xb8;
	[tilespmem:$0x14200] =	vst v63  }
0x65: {  	s1 =	simm.s32 $0x6200  }
0x66: {  	[hbm4b:s8+s2] =	stream.indirect_vreg.scatter [tilespmem:s1], [sflag:$0x1], $0x80, v3, vm0, $0xb8;
	[tilespmem:$0x14200] =	vst v63  }
0x67: {  	s4 =	simm.s32 $0x6A00  }
0x68: {  	[hbm4b:s9+s2] =	stream.indirect_vreg.scatter [tilespmem:s4], [sflag:$0x1], $0x80, v3, vm0, $0xb8;
	[tilespmem:$0x14200] =	vst v63  }
0x69: {  	s14 =	simm.s32 $0x7200  }
0x6a: {  	[hbm4b:s10+s2] =	stream.indirect_vreg.scatter [tilespmem:s14], [sflag:$0x1], $0x80, v3, vm0, $0xb8;
	[tilespmem:$0x14200] =	vst v63  }
0x6b: {  	s16 =	simm.s32 $0x7A00  }
0x6c: {  	[hbm4b:s11+s2] =	stream.indirect_vreg.scatter [tilespmem:s16], [sflag:$0x1], $0x80, v3, vm0, $0xb8;
	[tilespmem:$0x14200] =	vst v63  }
0x6d: {  	v3 =	vld [tilespmem:$0x10];
	_ =	sdelay $0x4  }
0x6e: {  	v57 =	vshll.u32 v3, $0x4  }
0x6f: {  	v3 =	vand.u32 $0x7, v3;
	v4 =	vand.u32 $0xFFFFFF80, v57  }
0x70: {  	v3 =	vor.u32 v3, v4  }
0x71: {  	v4 =	vperm.xlane v3, v0;
	_ =	sdelay $0x1  }
0x72: {  	v4 =	vadd.s32 v1, v4;
	_ =	sdelay $0x3  }
0x73: {  	s17 =	simm.s32 $0x8200  }
0x74: {  	[hbm4b:s3+s2] =	stream.indirect_vreg.scatter [tilespmem:s17], [sflag:$0x1], $0x80, v4, vm0, $0xb8;
	[tilespmem:$0x14200] =	vst v63  }
0x75: {  	s19 =	simm.s32 $0x8A00  }
0x76: {  	[hbm4b:s5+s2] =	stream.indirect_vreg.scatter [tilespmem:s19], [sflag:$0x1], $0x80, v4, vm0, $0xb8;
	[tilespmem:$0x14200] =	vst v63  }
0x77: {  	s1 =	simm.s32 $0x9200  }
0x78: {  	[hbm4b:s6+s2] =	stream.indirect_vreg.scatter [tilespmem:s1], [sflag:$0x1], $0x80, v4, vm0, $0xb8;
	[tilespmem:$0x14200] =	vst v63  }
0x79: {  	s4 =	simm.s32 $0x9A00  }
0x7a: {  	[hbm4b:s7+s2] =	stream.indirect_vreg.scatter [tilespmem:s4], [sflag:$0x1], $0x80, v4, vm0, $0xb8;
	[tilespmem:$0x14200] =	vst v63  }
0x7b: {  	s0 =	simm.s32 $0xA200  }
0x7c: {  	[hbm4b:s8+s2] =	stream.indirect_vreg.scatter [tilespmem:s0], [sflag:$0x1], $0x80, v4, vm0, $0xb8;
	[tilespmem:$0x14200] =	vst v63  }
0x7d: {  	v3 =	vperm.xlane v3, v2;
	s1 =	simm.s32 $0xAA00  }
0x7e: {  	[hbm4b:s9+s2] =	stream.indirect_vreg.scatter [tilespmem:s1], [sflag:$0x1], $0x80, v4, vm0, $0xb8;
	[tilespmem:$0x14200] =	vst v63  }
0x7f: {  	v3 =	vadd.s32 v1, v3;
	s0 =	simm.s32 $0xB200  }
0x80: {  	[hbm4b:s10+s2] =	stream.indirect_vreg.scatter [tilespmem:s0], [sflag:$0x1], $0x80, v4, vm0, $0xb8;
	[tilespmem:$0x14200] =	vst v63  }
0x81: {  	s0 =	simm.s32 $0xBA00  }
0x82: {  	[hbm4b:s11+s2] =	stream.indirect_vreg.scatter [tilespmem:s0], [sflag:$0x1], $0x80, v4, vm0, $0xb8;
	[tilespmem:$0x14200] =	vst v63  }
0x83: {  	s0 =	simm.s32 $0xC200  }
0x84: {  	[hbm4b:s3+s2] =	stream.indirect_vreg.scatter [tilespmem:s0], [sflag:$0x1], $0x80, v3, vm0, $0xb8;
	[tilespmem:$0x14200] =	vst v63  }
0x85: {  	s0 =	simm.s32 $0xCA00  }
0x86: {  	[hbm4b:s5+s2] =	stream.indirect_vreg.scatter [tilespmem:s0], [sflag:$0x1], $0x80, v3, vm0, $0xb8;
	[tilespmem:$0x14200] =	vst v63  }
0x87: {  	s0 =	simm.s32 $0xD200  }
0x88: {  	[hbm4b:s6+s2] =	stream.indirect_vreg.scatter [tilespmem:s0], [sflag:$0x1], $0x80, v3, vm0, $0xb8;
	[tilespmem:$0x14200] =	vst v63  }
0x89: {  	s0 =	simm.s32 $0xDA00  }
0x8a: {  	[hbm4b:s7+s2] =	stream.indirect_vreg.scatter [tilespmem:s0], [sflag:$0x1], $0x80, v3, vm0, $0xb8;
	[tilespmem:$0x14200] =	vst v63  }
0x8b: {  	s0 =	simm.s32 $0xE200  }
0x8c: {  	[hbm4b:s8+s2] =	stream.indirect_vreg.scatter [tilespmem:s0], [sflag:$0x1], $0x80, v3, vm0, $0xb8;
	[tilespmem:$0x14200] =	vst v63  }
0x8d: {  	s0 =	simm.s32 $0xEA00  }
0x8e: {  	[hbm4b:s9+s2] =	stream.indirect_vreg.scatter [tilespmem:s0], [sflag:$0x1], $0x80, v3, vm0, $0xb8;
	[tilespmem:$0x14200] =	vst v63  }
0x8f: {  	s0 =	simm.s32 $0xF200  }
0x90: {  	[hbm4b:s10+s2] =	stream.indirect_vreg.scatter [tilespmem:s0], [sflag:$0x1], $0x80, v3, vm0, $0xb8;
	[tilespmem:$0x14200] =	vst v63  }
0x91: {  	s0 =	simm.s32 $0xFA00  }
0x92: {  	[hbm4b:s11+s2] =	stream.indirect_vreg.scatter [tilespmem:s0], [sflag:$0x1], $0x80, v3, vm0, $0xb8;
	[tilespmem:$0x14200] =	vst v63  }
0x93: {  	v3 =	vld [tilespmem:$0x100];
	_ =	sdelay $0x4  }
0x94: {  	v58 =	vshll.u32 v3, $0x4  }
0x95: {  	v3 =	vand.u32 $0x7, v3;
	v4 =	vand.u32 $0xFFFFFF80, v58  }
0x96: {  	v3 =	vor.u32 v3, v4  }
0x97: {  	v4 =	vperm.xlane v3, v0;
	_ =	sdelay $0x1  }
0x98: {  	v4 =	vadd.s32 v1, v4;
	_ =	sdelay $0x4  }
0x99: {  	[hbm4b:s3+s2] =	stream.indirect_vreg.scatter [tilespmem:s21], [sflag:$0x1], $0x80, v4, vm0, $0xb8;
	[tilespmem:$0x14200] =	vst v63  }
0x9a: {  	s15 =	simm.s32 $0xA00  }
0x9b: {  	[hbm4b:s5+s2] =	stream.indirect_vreg.scatter [tilespmem:s15], [sflag:$0x1], $0x80, v4, vm0, $0xb8;
	[tilespmem:$0x14200] =	vst v63  }
0x9c: {  	s18 =	simm.s32 $0x1200  }
0x9d: {  	[hbm4b:s6+s2] =	stream.indirect_vreg.scatter [tilespmem:s18], [sflag:$0x1], $0x80, v4, vm0, $0xb8;
	[tilespmem:$0x14200] =	vst v63  }
0x9e: {  	s22 =	simm.s32 $0x1A00  }
0x9f: {  	[hbm4b:s7+s2] =	stream.indirect_vreg.scatter [tilespmem:s22], [sflag:$0x1], $0x80, v4, vm0, $0xb8;
	[tilespmem:$0x14200] =	vst v63  }
0xa0: {  	s23 =	simm.s32 $0x2200  }
0xa1: {  	[hbm4b:s8+s2] =	stream.indirect_vreg.scatter [tilespmem:s23], [sflag:$0x1], $0x80, v4, vm0, $0xb8;
	[tilespmem:$0x14200] =	vst v63  }
0xa2: {  	s24 =	simm.s32 $0x2A00;
	v3 =	vperm.xlane v3, v2  }
0xa3: {  	[hbm4b:s9+s2] =	stream.indirect_vreg.scatter [tilespmem:s24], [sflag:$0x1], $0x80, v4, vm0, $0xb8;
	[tilespmem:$0x14200] =	vst v63  }
0xa4: {  	s25 =	simm.s32 $0x3200;
	v3 =	vadd.s32 v1, v3  }
0xa5: {  	[hbm4b:s10+s2] =	stream.indirect_vreg.scatter [tilespmem:s25], [sflag:$0x1], $0x80, v4, vm0, $0xb8;
	[tilespmem:$0x14200] =	vst v63  }
0xa6: {  	s26 =	simm.s32 $0x3A00  }
0xa7: {  	[hbm4b:s11+s2] =	stream.indirect_vreg.scatter [tilespmem:s26], [sflag:$0x1], $0x80, v4, vm0, $0xb8;
	[tilespmem:$0x14200] =	vst v63  }
0xa8: {  	s28 =	simm.s32 $0x4200  }
0xa9: {  	[hbm4b:s3+s2] =	stream.indirect_vreg.scatter [tilespmem:s28], [sflag:$0x1], $0x80, v3, vm0, $0xb8;
	[tilespmem:$0x14200] =	vst v63  }
0xaa: {  	s29 =	simm.s32 $0x4A00  }
0xab: {  	[hbm4b:s5+s2] =	stream.indirect_vreg.scatter [tilespmem:s29], [sflag:$0x1], $0x80, v3, vm0, $0xb8;
	[tilespmem:$0x14200] =	vst v63  }
0xac: {  	s30 =	simm.s32 $0x5200  }
0xad: {  	[hbm4b:s6+s2] =	stream.indirect_vreg.scatter [tilespmem:s30], [sflag:$0x1], $0x80, v3, vm0, $0xb8;
	[tilespmem:$0x14200] =	vst v63  }
0xae: {  	s31 =	simm.s32 $0x5A00  }
0xaf: {  	[hbm4b:s7+s2] =	stream.indirect_vreg.scatter [tilespmem:s31], [sflag:$0x1], $0x80, v3, vm0, $0xb8;
	[tilespmem:$0x14200] =	vst v63  }
0xb0: {  	s0 =	simm.s32 $0x6200  }
0xb1: {  	[hbm4b:s8+s2] =	stream.indirect_vreg.scatter [tilespmem:s0], [sflag:$0x1], $0x80, v3, vm0, $0xb8;
	[tilespmem:$0x14200] =	vst v63  }
0xb2: {  	s18 =	simm.s32 $0x6A00  }
0xb3: {  	[hbm4b:s9+s2] =	stream.indirect_vreg.scatter [tilespmem:s18], [sflag:$0x1], $0x80, v3, vm0, $0xb8;
	[tilespmem:$0x14200] =	vst v63  }
0xb4: {  	s22 =	simm.s32 $0x7200  }
0xb5: {  	[hbm4b:s10+s2] =	stream.indirect_vreg.scatter [tilespmem:s22], [sflag:$0x1], $0x80, v3, vm0, $0xb8;
	[tilespmem:$0x14200] =	vst v63  }
0xb6: {  	s14 =	simm.s32 $0x7A00  }
0xb7: {  	[hbm4b:s11+s2] =	stream.indirect_vreg.scatter [tilespmem:s14], [sflag:$0x1], $0x80, v3, vm0, $0xb8;
	[tilespmem:$0x14200] =	vst v63  }
0xb8: {  	v3 =	vld [tilespmem:$0x110];
	_ =	sdelay $0x4  }
0xb9: {  	v59 =	vshll.u32 v3, $0x4  }
0xba: {  	v3 =	vand.u32 $0x7, v3;
	v4 =	vand.u32 $0xFFFFFF80, v59  }
0xbb: {  	v3 =	vor.u32 v3, v4  }
0xbc: {  	v4 =	vperm.xlane v3, v0;
	_ =	sdelay $0x1  }
0xbd: {  	v4 =	vadd.s32 v1, v4;
	_ =	sdelay $0x3  }
0xbe: {  	s16 =	simm.s32 $0x8200  }
0xbf: {  	[hbm4b:s3+s2] =	stream.indirect_vreg.scatter [tilespmem:s16], [sflag:$0x1], $0x80, v4, vm0, $0xb8;
	[tilespmem:$0x14200] =	vst v63  }
0xc0: {  	s19 =	simm.s32 $0x8A00  }
0xc1: {  	[hbm4b:s5+s2] =	stream.indirect_vreg.scatter [tilespmem:s19], [sflag:$0x1], $0x80, v4, vm0, $0xb8;
	[tilespmem:$0x14200] =	vst v63  }
0xc2: {  	s14 =	simm.s32 $0x9200  }
0xc3: {  	[hbm4b:s6+s2] =	stream.indirect_vreg.scatter [tilespmem:s14], [sflag:$0x1], $0x80, v4, vm0, $0xb8;
	[tilespmem:$0x14200] =	vst v63  }
0xc4: {  	s14 =	simm.s32 $0x9A00  }
0xc5: {  	[hbm4b:s7+s2] =	stream.indirect_vreg.scatter [tilespmem:s14], [sflag:$0x1], $0x80, v4, vm0, $0xb8;
	[tilespmem:$0x14200] =	vst v63  }
0xc6: {  	s4 =	simm.s32 $0xA200  }
0xc7: {  	[hbm4b:s8+s2] =	stream.indirect_vreg.scatter [tilespmem:s4], [sflag:$0x1], $0x80, v4, vm0, $0xb8;
	[tilespmem:$0x14200] =	vst v63  }
0xc8: {  	s1 =	simm.s32 $0xAA00;
	v3 =	vperm.xlane v3, v2  }
0xc9: {  	[hbm4b:s9+s2] =	stream.indirect_vreg.scatter [tilespmem:s1], [sflag:$0x1], $0x80, v4, vm0, $0xb8;
	[tilespmem:$0x14200] =	vst v63  }
0xca: {  	v3 =	vadd.s32 v1, v3;
	s1 =	simm.s32 $0xB200  }
0xcb: {  	[hbm4b:s10+s2] =	stream.indirect_vreg.scatter [tilespmem:s1], [sflag:$0x1], $0x80, v4, vm0, $0xb8;
	[tilespmem:$0x14200] =	vst v63  }
0xcc: {  	s1 =	simm.s32 $0xBA00  }
0xcd: {  	[hbm4b:s11+s2] =	stream.indirect_vreg.scatter [tilespmem:s1], [sflag:$0x1], $0x80, v4, vm0, $0xb8;
	[tilespmem:$0x14200] =	vst v63  }
0xce: {  	s1 =	simm.s32 $0xC200  }
0xcf: {  	[hbm4b:s3+s2] =	stream.indirect_vreg.scatter [tilespmem:s1], [sflag:$0x1], $0x80, v3, vm0, $0xb8;
	[tilespmem:$0x14200] =	vst v63  }
0xd0: {  	s1 =	simm.s32 $0xCA00  }
0xd1: {  	[hbm4b:s5+s2] =	stream.indirect_vreg.scatter [tilespmem:s1], [sflag:$0x1], $0x80, v3, vm0, $0xb8;
	[tilespmem:$0x14200] =	vst v63  }
0xd2: {  	s1 =	simm.s32 $0xD200  }
0xd3: {  	[hbm4b:s6+s2] =	stream.indirect_vreg.scatter [tilespmem:s1], [sflag:$0x1], $0x80, v3, vm0, $0xb8;
	[tilespmem:$0x14200] =	vst v63  }
0xd4: {  	s1 =	simm.s32 $0xDA00  }
0xd5: {  	[hbm4b:s7+s2] =	stream.indirect_vreg.scatter [tilespmem:s1], [sflag:$0x1], $0x80, v3, vm0, $0xb8;
	[tilespmem:$0x14200] =	vst v63  }
0xd6: {  	s1 =	simm.s32 $0xE200  }
0xd7: {  	[hbm4b:s8+s2] =	stream.indirect_vreg.scatter [tilespmem:s1], [sflag:$0x1], $0x80, v3, vm0, $0xb8;
	[tilespmem:$0x14200] =	vst v63  }
0xd8: {  	s1 =	simm.s32 $0xEA00  }
0xd9: {  	[hbm4b:s9+s2] =	stream.indirect_vreg.scatter [tilespmem:s1], [sflag:$0x1], $0x80, v3, vm0, $0xb8;
	[tilespmem:$0x14200] =	vst v63  }
0xda: {  	s1 =	simm.s32 $0xF200  }
0xdb: {  	[hbm4b:s10+s2] =	stream.indirect_vreg.scatter [tilespmem:s1], [sflag:$0x1], $0x80, v3, vm0, $0xb8;
	[tilespmem:$0x14200] =	vst v63  }
0xdc: {  	s17 =	simm.s32 $0xFA00  }
0xdd: {  	[hbm4b:s11+s2] =	stream.indirect_vreg.scatter [tilespmem:s17], [sflag:$0x1], $0x80, v3, vm0, $0xb8;
	[tilespmem:$0x14200] =	vst v63  }
0xde: {  	_ =	swait.ge [sflag:s20], $0x10000  }
0xdf: {  	[sflag:s20] =	ssyncset.done $0x0  }
0xe0: {  	[sflag:s20] =	ssyncadd.s32 $0xFFFF0000  }
0xe1: {  	_ =	swait.ge [sflag:s20], $0x10000  }
0xe2: {  	[sflag:s20] =	ssyncset.done $0x0  }
0xe3: {  	s1 =	rddreg [dreg:$0xa];
	[sflag:s20] =	ssyncadd.s32 $0xFFFF0000  }
0xe4: {  	[tilespmem:s21], [sflag:$0x2] =	stream.linear.gather [hbm4b:s1+s2], $0x10000, $0x38;
	[tilespmem:$0x14200] =	vst v63  }
0xe5: {  	_ =	swait.ge [sflag:s13], $0x10000  }
0xe6: {  	[sflag:s13] =	ssyncset.done $0x0  }
0xe7: {  	[sflag:s13] =	ssyncadd.s32 $0xFFFF0000  }
0xe8: {  	v3 =	vld [tilespmem:$0x80];
	_ =	sdelay $0x4  }
0xe9: {  	v60 =	vshll.u32 v3, $0x4  }
0xea: {  	v3 =	vand.u32 $0x7, v3;
	v4 =	vand.u32 $0xFFFFFF80, v60  }
0xeb: {  	v3 =	vor.u32 v3, v4  }
0xec: {  	v4 =	vperm.xlane v3, v0;
	_ =	sdelay $0x1  }
0xed: {  	v4 =	vadd.s32 v1, v4;
	_ =	sdelay $0x4  }
0xee: {  	[hbm4b:s3+s2] =	stream.indirect_vreg.scatter [tilespmem:s21], [sflag:$0x1], $0x80, v4, vm0, $0xb8;
	[tilespmem:$0x14200] =	vst v63  }
0xef: {  	s17 =	simm.s32 $0xA00  }
0xf0: {  	[hbm4b:s5+s2] =	stream.indirect_vreg.scatter [tilespmem:s17], [sflag:$0x1], $0x80, v4, vm0, $0xb8;
	[tilespmem:$0x14200] =	vst v63  }
0xf1: {  	s17 =	simm.s32 $0x1200  }
0xf2: {  	[hbm4b:s6+s2] =	stream.indirect_vreg.scatter [tilespmem:s17], [sflag:$0x1], $0x80, v4, vm0, $0xb8;
	[tilespmem:$0x14200] =	vst v63  }
0xf3: {  	s17 =	simm.s32 $0x1A00  }
0xf4: {  	[hbm4b:s7+s2] =	stream.indirect_vreg.scatter [tilespmem:s17], [sflag:$0x1], $0x80, v4, vm0, $0xb8;
	[tilespmem:$0x14200] =	vst v63  }
0xf5: {  	s23 =	simm.s32 $0x2200  }
0xf6: {  	[hbm4b:s8+s2] =	stream.indirect_vreg.scatter [tilespmem:s23], [sflag:$0x1], $0x80, v4, vm0, $0xb8;
	[tilespmem:$0x14200] =	vst v63  }
0xf7: {  	s24 =	simm.s32 $0x2A00;
	v3 =	vperm.xlane v3, v2  }
0xf8: {  	[hbm4b:s9+s2] =	stream.indirect_vreg.scatter [tilespmem:s24], [sflag:$0x1], $0x80, v4, vm0, $0xb8;
	[tilespmem:$0x14200] =	vst v63  }
0xf9: {  	s25 =	simm.s32 $0x3200;
	v3 =	vadd.s32 v1, v3  }
0xfa: {  	[hbm4b:s10+s2] =	stream.indirect_vreg.scatter [tilespmem:s25], [sflag:$0x1], $0x80, v4, vm0, $0xb8;
	[tilespmem:$0x14200] =	vst v63  }
0xfb: {  	s26 =	simm.s32 $0x3A00  }
0xfc: {  	[hbm4b:s11+s2] =	stream.indirect_vreg.scatter [tilespmem:s26], [sflag:$0x1], $0x80, v4, vm0, $0xb8;
	[tilespmem:$0x14200] =	vst v63  }
0xfd: {  	s28 =	simm.s32 $0x4200  }
0xfe: {  	[hbm4b:s3+s2] =	stream.indirect_vreg.scatter [tilespmem:s28], [sflag:$0x1], $0x80, v3, vm0, $0xb8;
	[tilespmem:$0x14200] =	vst v63  }
0xff: {  	s29 =	simm.s32 $0x4A00  }
0x100: {  	[hbm4b:s5+s2] =	stream.indirect_vreg.scatter [tilespmem:s29], [sflag:$0x1], $0x80, v3, vm0, $0xb8;
	[tilespmem:$0x14200] =	vst v63  }
0x101: {  	s30 =	simm.s32 $0x5200  }
0x102: {  	[hbm4b:s6+s2] =	stream.indirect_vreg.scatter [tilespmem:s30], [sflag:$0x1], $0x80, v3, vm0, $0xb8;
	[tilespmem:$0x14200] =	vst v63  }
0x103: {  	s31 =	simm.s32 $0x5A00  }
0x104: {  	[hbm4b:s7+s2] =	stream.indirect_vreg.scatter [tilespmem:s31], [sflag:$0x1], $0x80, v3, vm0, $0xb8;
	[tilespmem:$0x14200] =	vst v63  }
0x105: {  	_ = 	snop  }
0x106: {  	[hbm4b:s8+s2] =	stream.indirect_vreg.scatter [tilespmem:s0], [sflag:$0x1], $0x80, v3, vm0, $0xb8;
	[tilespmem:$0x14200] =	vst v63  }
0x107: {  	s15 =	simm.s32 $0x6A00  }
0x108: {  	[hbm4b:s9+s2] =	stream.indirect_vreg.scatter [tilespmem:s15], [sflag:$0x1], $0x80, v3, vm0, $0xb8;
	[tilespmem:$0x14200] =	vst v63  }
0x109: {  	s18 =	simm.s32 $0x7200  }
0x10a: {  	[hbm4b:s10+s2] =	stream.indirect_vreg.scatter [tilespmem:s18], [sflag:$0x1], $0x80, v3, vm0, $0xb8;
	[tilespmem:$0x14200] =	vst v63  }
0x10b: {  	s22 =	simm.s32 $0x7A00  }
0x10c: {  	[hbm4b:s11+s2] =	stream.indirect_vreg.scatter [tilespmem:s22], [sflag:$0x1], $0x80, v3, vm0, $0xb8;
	[tilespmem:$0x14200] =	vst v63  }
0x10d: {  	v3 =	vld [tilespmem:$0x90];
	_ =	sdelay $0x4  }
0x10e: {  	v61 =	vshll.u32 v3, $0x4  }
0x10f: {  	v3 =	vand.u32 $0x7, v3;
	v4 =	vand.u32 $0xFFFFFF80, v61  }
0x110: {  	v3 =	vor.u32 v3, v4  }
0x111: {  	v4 =	vperm.xlane v3, v0;
	_ =	sdelay $0x1  }
0x112: {  	v4 =	vadd.s32 v1, v4;
	_ =	sdelay $0x3  }
0x113: {  	s16 =	simm.s32 $0x8200  }
0x114: {  	[hbm4b:s3+s2] =	stream.indirect_vreg.scatter [tilespmem:s16], [sflag:$0x1], $0x80, v4, vm0, $0xb8;
	[tilespmem:$0x14200] =	vst v63  }
0x115: {  	s19 =	simm.s32 $0x8A00  }
0x116: {  	[hbm4b:s5+s2] =	stream.indirect_vreg.scatter [tilespmem:s19], [sflag:$0x1], $0x80, v4, vm0, $0xb8;
	[tilespmem:$0x14200] =	vst v63  }
0x117: {  	s17 =	simm.s32 $0x9200  }
0x118: {  	[hbm4b:s6+s2] =	stream.indirect_vreg.scatter [tilespmem:s17], [sflag:$0x1], $0x80, v4, vm0, $0xb8;
	[tilespmem:$0x14200] =	vst v63  }
0x119: {  	s0 =	simm.s32 $0x9A00  }
0x11a: {  	[hbm4b:s7+s2] =	stream.indirect_vreg.scatter [tilespmem:s0], [sflag:$0x1], $0x80, v4, vm0, $0xb8;
	[tilespmem:$0x14200] =	vst v63  }
0x11b: {  	s4 =	simm.s32 $0xA200  }
0x11c: {  	[hbm4b:s8+s2] =	stream.indirect_vreg.scatter [tilespmem:s4], [sflag:$0x1], $0x80, v4, vm0, $0xb8;
	[tilespmem:$0x14200] =	vst v63  }
0x11d: {  	s14 =	simm.s32 $0xAA00;
	v3 =	vperm.xlane v3, v2  }
0x11e: {  	[hbm4b:s9+s2] =	stream.indirect_vreg.scatter [tilespmem:s14], [sflag:$0x1], $0x80, v4, vm0, $0xb8;
	[tilespmem:$0x14200] =	vst v63  }
0x11f: {  	v3 =	vadd.s32 v1, v3;
	s4 =	simm.s32 $0xB200  }
0x120: {  	[hbm4b:s10+s2] =	stream.indirect_vreg.scatter [tilespmem:s4], [sflag:$0x1], $0x80, v4, vm0, $0xb8;
	[tilespmem:$0x14200] =	vst v63  }
0x121: {  	s18 =	simm.s32 $0xBA00  }
0x122: {  	[hbm4b:s11+s2] =	stream.indirect_vreg.scatter [tilespmem:s18], [sflag:$0x1], $0x80, v4, vm0, $0xb8;
	[tilespmem:$0x14200] =	vst v63  }
0x123: {  	s15 =	simm.s32 $0xC200  }
0x124: {  	[hbm4b:s3+s2] =	stream.indirect_vreg.scatter [tilespmem:s15], [sflag:$0x1], $0x80, v3, vm0, $0xb8;
	[tilespmem:$0x14200] =	vst v63  }
0x125: {  	s0 =	simm.s32 $0xCA00  }
0x126: {  	[hbm4b:s5+s2] =	stream.indirect_vreg.scatter [tilespmem:s0], [sflag:$0x1], $0x80, v3, vm0, $0xb8;
	[tilespmem:$0x14200] =	vst v63  }
0x127: {  	s14 =	simm.s32 $0xD200  }
0x128: {  	[hbm4b:s6+s2] =	stream.indirect_vreg.scatter [tilespmem:s14], [sflag:$0x1], $0x80, v3, vm0, $0xb8;
	[tilespmem:$0x14200] =	vst v63  }
0x129: {  	s15 =	simm.s32 $0xDA00  }
0x12a: {  	[hbm4b:s7+s2] =	stream.indirect_vreg.scatter [tilespmem:s15], [sflag:$0x1], $0x80, v3, vm0, $0xb8;
	[tilespmem:$0x14200] =	vst v63  }
0x12b: {  	s16 =	simm.s32 $0xE200  }
0x12c: {  	[hbm4b:s8+s2] =	stream.indirect_vreg.scatter [tilespmem:s16], [sflag:$0x1], $0x80, v3, vm0, $0xb8;
	[tilespmem:$0x14200] =	vst v63  }
0x12d: {  	s19 =	simm.s32 $0xEA00  }
0x12e: {  	[hbm4b:s9+s2] =	stream.indirect_vreg.scatter [tilespmem:s19], [sflag:$0x1], $0x80, v3, vm0, $0xb8;
	[tilespmem:$0x14200] =	vst v63  }
0x12f: {  	s1 =	simm.s32 $0xF200  }
0x130: {  	[hbm4b:s10+s2] =	stream.indirect_vreg.scatter [tilespmem:s1], [sflag:$0x1], $0x80, v3, vm0, $0xb8;
	[tilespmem:$0x14200] =	vst v63  }
0x131: {  	s19 =	simm.s32 $0xFA00  }
0x132: {  	[hbm4b:s11+s2] =	stream.indirect_vreg.scatter [tilespmem:s19], [sflag:$0x1], $0x80, v3, vm0, $0xb8;
	[tilespmem:$0x14200] =	vst v63  }
0x133: {  	v3 =	vld [tilespmem:$0x180];
	_ =	sdelay $0x4  }
0x134: {  	v62 =	vshll.u32 v3, $0x4  }
0x135: {  	v3 =	vand.u32 $0x7, v3;
	v4 =	vand.u32 $0xFFFFFF80, v62  }
0x136: {  	v3 =	vor.u32 v3, v4  }
0x137: {  	v4 =	vperm.xlane v3, v0;
	_ =	sdelay $0x1  }
0x138: {  	v4 =	vadd.s32 v1, v4;
	_ =	sdelay $0x4  }
0x139: {  	[hbm4b:s3+s2] =	stream.indirect_vreg.scatter [tilespmem:s21], [sflag:$0x1], $0x80, v4, vm0, $0xb8;
	[tilespmem:$0x14200] =	vst v63  }
0x13a: {  	s21 =	simm.s32 $0xA00  }
0x13b: {  	[hbm4b:s5+s2] =	stream.indirect_vreg.scatter [tilespmem:s21], [sflag:$0x1], $0x80, v4, vm0, $0xb8;
	[tilespmem:$0x14200] =	vst v63  }
0x13c: {  	s21 =	simm.s32 $0x1200  }
0x13d: {  	[hbm4b:s6+s2] =	stream.indirect_vreg.scatter [tilespmem:s21], [sflag:$0x1], $0x80, v4, vm0, $0xb8;
	[tilespmem:$0x14200] =	vst v63  }
0x13e: {  	s21 =	simm.s32 $0x1A00  }
0x13f: {  	[hbm4b:s7+s2] =	stream.indirect_vreg.scatter [tilespmem:s21], [sflag:$0x1], $0x80, v4, vm0, $0xb8;
	[tilespmem:$0x14200] =	vst v63  }
0x140: {  	s21 =	simm.s32 $0x2200  }
0x141: {  	[hbm4b:s8+s2] =	stream.indirect_vreg.scatter [tilespmem:s21], [sflag:$0x1], $0x80, v4, vm0, $0xb8;
	[tilespmem:$0x14200] =	vst v63  }
0x142: {  	v3 =	vperm.xlane v3, v2;
	s21 =	simm.s32 $0x2A00  }
0x143: {  	[hbm4b:s9+s2] =	stream.indirect_vreg.scatter [tilespmem:s21], [sflag:$0x1], $0x80, v4, vm0, $0xb8;
	[tilespmem:$0x14200] =	vst v63  }
0x144: {  	v3 =	vadd.s32 v1, v3;
	s21 =	simm.s32 $0x3200  }
0x145: {  	[hbm4b:s10+s2] =	stream.indirect_vreg.scatter [tilespmem:s21], [sflag:$0x1], $0x80, v4, vm0, $0xb8;
	[tilespmem:$0x14200] =	vst v63  }
0x146: {  	s21 =	simm.s32 $0x3A00  }
0x147: {  	[hbm4b:s11+s2] =	stream.indirect_vreg.scatter [tilespmem:s21], [sflag:$0x1], $0x80, v4, vm0, $0xb8;
	[tilespmem:$0x14200] =	vst v63  }
0x148: {  	s21 =	simm.s32 $0x4200  }
0x149: {  	[hbm4b:s3+s2] =	stream.indirect_vreg.scatter [tilespmem:s21], [sflag:$0x1], $0x80, v3, vm0, $0xb8;
	[tilespmem:$0x14200] =	vst v63  }
0x14a: {  	s21 =	simm.s32 $0x4A00  }
0x14b: {  	[hbm4b:s5+s2] =	stream.indirect_vreg.scatter [tilespmem:s21], [sflag:$0x1], $0x80, v3, vm0, $0xb8;
	[tilespmem:$0x14200] =	vst v63  }
0x14c: {  	s21 =	simm.s32 $0x5200  }
0x14d: {  	[hbm4b:s6+s2] =	stream.indirect_vreg.scatter [tilespmem:s21], [sflag:$0x1], $0x80, v3, vm0, $0xb8;
	[tilespmem:$0x14200] =	vst v63  }
0x14e: {  	s21 =	simm.s32 $0x5A00  }
0x14f: {  	[hbm4b:s7+s2] =	stream.indirect_vreg.scatter [tilespmem:s21], [sflag:$0x1], $0x80, v3, vm0, $0xb8;
	[tilespmem:$0x14200] =	vst v63  }
0x150: {  	s30 =	simm.s32 $0x6200  }
0x151: {  	[hbm4b:s8+s2] =	stream.indirect_vreg.scatter [tilespmem:s30], [sflag:$0x1], $0x80, v3, vm0, $0xb8;
	[tilespmem:$0x14200] =	vst v63  }
0x152: {  	s26 =	simm.s32 $0x6A00  }
0x153: {  	[hbm4b:s9+s2] =	stream.indirect_vreg.scatter [tilespmem:s26], [sflag:$0x1], $0x80, v3, vm0, $0xb8;
	[tilespmem:$0x14200] =	vst v63  }
0x154: {  	s29 =	simm.s32 $0x7200  }
0x155: {  	[hbm4b:s10+s2] =	stream.indirect_vreg.scatter [tilespmem:s29], [sflag:$0x1], $0x80, v3, vm0, $0xb8;
	[tilespmem:$0x14200] =	vst v63  }
0x156: {  	s31 =	simm.s32 $0x7A00  }
0x157: {  	[hbm4b:s11+s2] =	stream.indirect_vreg.scatter [tilespmem:s31], [sflag:$0x1], $0x80, v3, vm0, $0xb8;
	[tilespmem:$0x14200] =	vst v63  }
0x158: {  	v3 =	vld [tilespmem:$0x190];
	_ =	sdelay $0x4  }
0x159: {  	v63 =	vshll.u32 v3, $0x4  }
0x15a: {  	v3 =	vand.u32 $0x7, v3;
	v4 =	vand.u32 $0xFFFFFF80, v63  }
0x15b: {  	v3 =	vor.u32 v3, v4  }
0x15c: {  	v4 =	vperm.xlane v3, v0;
	_ =	sdelay $0x1  }
0x15d: {  	v4 =	vadd.s32 v1, v4;
	_ =	sdelay $0x3  }
0x15e: {  	s30 =	simm.s32 $0x8200  }
0x15f: {  	[hbm4b:s3+s2] =	stream.indirect_vreg.scatter [tilespmem:s30], [sflag:$0x1], $0x80, v4, vm0, $0xb8;
	[tilespmem:$0x14200] =	vst v63  }
0x160: {  	s31 =	simm.s32 $0x8A00  }
0x161: {  	[hbm4b:s5+s2] =	stream.indirect_vreg.scatter [tilespmem:s31], [sflag:$0x1], $0x80, v4, vm0, $0xb8;
	[tilespmem:$0x14200] =	vst v63  }
0x162: {  	_ = 	snop  }
0x163: {  	[hbm4b:s6+s2] =	stream.indirect_vreg.scatter [tilespmem:s17], [sflag:$0x1], $0x80, v4, vm0, $0xb8;
	[tilespmem:$0x14200] =	vst v63  }
0x164: {  	s24 =	simm.s32 $0x9A00  }
0x165: {  	[hbm4b:s7+s2] =	stream.indirect_vreg.scatter [tilespmem:s24], [sflag:$0x1], $0x80, v4, vm0, $0xb8;
	[tilespmem:$0x14200] =	vst v63  }
0x166: {  	s25 =	simm.s32 $0xA200  }
0x167: {  	[hbm4b:s8+s2] =	stream.indirect_vreg.scatter [tilespmem:s25], [sflag:$0x1], $0x80, v4, vm0, $0xb8;
	[tilespmem:$0x14200] =	vst v63  }
0x168: {  	s28 =	simm.s32 $0xAA00;
	v3 =	vperm.xlane v3, v2  }
0x169: {  	[hbm4b:s9+s2] =	stream.indirect_vreg.scatter [tilespmem:s28], [sflag:$0x1], $0x80, v4, vm0, $0xb8;
	[tilespmem:$0x14200] =	vst v63  }
0x16a: {  	v3 =	vadd.s32 v1, v3  }
0x16b: {  	[hbm4b:s10+s2] =	stream.indirect_vreg.scatter [tilespmem:s4], [sflag:$0x1], $0x80, v4, vm0, $0xb8;
	[tilespmem:$0x14200] =	vst v63  }
0x16c: {  	_ = 	snop  }
0x16d: {  	[hbm4b:s11+s2] =	stream.indirect_vreg.scatter [tilespmem:s18], [sflag:$0x1], $0x80, v4, vm0, $0xb8;
	[tilespmem:$0x14200] =	vst v63  }
0x16e: {  	s22 =	simm.s32 $0xC200  }
0x16f: {  	[hbm4b:s3+s2] =	stream.indirect_vreg.scatter [tilespmem:s22], [sflag:$0x1], $0x80, v3, vm0, $0xb8;
	[tilespmem:$0x14200] =	vst v63  }
0x170: {  	_ = 	snop  }
0x171: {  	[hbm4b:s5+s2] =	stream.indirect_vreg.scatter [tilespmem:s0], [sflag:$0x1], $0x80, v3, vm0, $0xb8;
	[tilespmem:$0x14200] =	vst v63  }
0x172: {  	_ = 	snop  }
0x173: {  	[hbm4b:s6+s2] =	stream.indirect_vreg.scatter [tilespmem:s14], [sflag:$0x1], $0x80, v3, vm0, $0xb8;
	[tilespmem:$0x14200] =	vst v63  }
0x174: {  	_ = 	snop  }
0x175: {  	[hbm4b:s7+s2] =	stream.indirect_vreg.scatter [tilespmem:s15], [sflag:$0x1], $0x80, v3, vm0, $0xb8;
	[tilespmem:$0x14200] =	vst v63  }
0x176: {  	_ = 	snop  }
0x177: {  	[hbm4b:s8+s2] =	stream.indirect_vreg.scatter [tilespmem:s16], [sflag:$0x1], $0x80, v3, vm0, $0xb8;
	[tilespmem:$0x14200] =	vst v63  }
0x178: {  	s23 =	simm.s32 $0xEA00  }
0x179: {  	[hbm4b:s9+s2] =	stream.indirect_vreg.scatter [tilespmem:s23], [sflag:$0x1], $0x80, v3, vm0, $0xb8;
	[tilespmem:$0x14200] =	vst v63  }
0x17a: {  	_ = 	snop  }
0x17b: {  	[hbm4b:s10+s2] =	stream.indirect_vreg.scatter [tilespmem:s1], [sflag:$0x1], $0x80, v3, vm0, $0xb8;
	[tilespmem:$0x14200] =	vst v63  }
0x17c: {  	_ = 	snop  }
0x17d: {  	[hbm4b:s11+s2] =	stream.indirect_vreg.scatter [tilespmem:s19], [sflag:$0x1], $0x80, v3, vm0, $0xb8;
	[tilespmem:$0x14200] =	vst v63  }
0x17e: {  	p0 =	sne.s32 s12, $0x1;
	_ =	swait.ge [sflag:s20], $0x10000  }
.Ltmp0:
0x17f: {  	[sflag:s20] =	ssyncset.done $0x0;
	(pc) =	sbr.rel @p0 .LBB2_1-.Ltmp0, $4  }
0x180: {  	[sflag:s20] =	ssyncadd.s32 $0xFFFF0000  }
0x181: {  	_ =	swait.ge [sflag:s20], $0x10000  }
0x182: {  	[sflag:s20] =	ssyncset.done $0x0  }
0x183: {  	s12 =	sadd.s32 $0xFFFFFFFF, s12;
	[sflag:s20] =	ssyncadd.s32 $0xFFFF0000  }
0x184: {  	_ =	sfence.sel $0x180000  }
0x185: {  	[bflag:$0x0] =	sbarrier.arrive $0xFFFF  }
0x186: {  	_ =	strace $0x90000047  }
0x187: {  	s0 =	stileid.u32;
	[bflag:$0x2] =	sbarrier.arrive $0xFFFF  }
0x188: {  	p0 =	sne.s32 s0, $0x0;
	s0 =	rddreg [dreg:$0x2]  }
0x189: {  	s0 =	sadd.s32 @!p0 $0x100000, s0  }
0x18a: {  	[sflag:s0] =	ssyncadd.tile.s32 @!p0 $0x1;
	_ =	shalt  }
.Lfunc_end2:
_tile_overlayer_lowered:
.L_overlay_start_2:
0x18b: {  	(tag) =	ssettag $0x2  }
0x18c: {  	s0 =	rddreg [dreg:$0x0];
	s2 =	stileid.u32  }
0x18d: {  	s1 =	rddreg [dreg:$0x1];
	p0 =	sne.s32 s2, $0x0  }
0x18e: {  	s3 =	rddreg [dreg:$0x2];
	[bflag:$0x3] =	sbarrier.arrive $0xFFFF;
	s2 =	simm.s32 @!p0 $0x1C02  }
0x18f: {  	[timem:s3], [sflag:s2] =	dma.local @!p0 [hbm:s0], s1  }
0x190: {  	s0 =	simm.s32 @!p0 $0x2  }
0x191: {  	_ =	swait.ge @!p0 [sflag:s0], s1  }
0x192: {  	s1 =	ssub.s32 @!p0 $0x0, s1;
	[sflag:s0] =	ssyncset.done @!p0 $0x0  }
0x193: {  	[sflag:s0] =	ssyncadd.s32 @!p0 s1  }
0x194: {  	[bflag:$0x3] =	sbarrier.arrive $0xFFFF  }
0x195: {  	_ =	shalt  }

</sc_bundles>
